<compile_context>
chip_gen: v7x
topology: tpu7x:2x2x1
jax: 0.10.2.dev20260603
libtpu: 0.0.44.dev20260713+nightly
codegen_flags: <defaults>
</compile_context>

<pallas_src>
import functools

import jax
import jax.numpy as jnp
from jax import lax
from jax.experimental import pallas as pl
from jax.experimental.pallas import tpu as pltpu
from jax.experimental.pallas import tpu_sc as plsc

B = 4096
KEY_D = 768
EMB_D = 768
POOL = 1000
PPAD = 1024
E_P_LEN = 8
HALF_LEN = E_P_LEN // 2

N_SLICES = 2
BS = B // N_SLICES
BQ = 512
def _argmax_rows(s):
    col = lax.broadcasted_iota(jnp.int32, s.shape, 1)
    s = jnp.where(col < POOL, s, -jnp.inf)
    m = jnp.max(s, axis=1, keepdims=True)
    return jnp.min(jnp.where(s == m, col, PPAD), axis=1)


def _topk_body(q_ref, ek_ref, idx_ref):
    s = lax.dot_general(q_ref[...], ek_ref[...], (((1,), (1,)), ((), ())),
                        preferred_element_type=jnp.float32)
    idx_ref[...] = _argmax_rows(s).astype(jnp.int32).reshape(1, 1, BQ)


def _xb_body(xb_ref, idx_ref, out_ref):
    del idx_ref
    out_ref[...] = xb_ref[...]


def _topk_call(qn, e_k_pad, sl):
    nb = BS // BQ
    off = sl * nb
    out = pl.pallas_call(
        _topk_body,
        grid=(nb,),
        in_specs=[
            pl.BlockSpec((BQ, KEY_D), lambda i: (i + off, 0)),
            pl.BlockSpec((PPAD, KEY_D), lambda i: (0, 0)),
        ],
        out_specs=pl.BlockSpec((1, 1, BQ), lambda i: (i, 0, 0)),
        out_shape=jax.ShapeDtypeStruct((nb, 1, BQ), jnp.int32),
    )(qn, e_k_pad)
    return out


def _xb_call(x_block, idx):
    nb = 4
    blk = B // nb
    return pl.pallas_call(
        _xb_body,
        grid=(nb,),
        in_specs=[
            pl.BlockSpec((blk, EMB_D), lambda i: (i, 0)),
            pl.BlockSpec((1, 1, BQ), lambda i: (0, 0, 0)),
        ],
        out_specs=pl.BlockSpec((blk, EMB_D), lambda i: (i, 0)),
        out_shape=jax.ShapeDtypeStruct((B, EMB_D), jnp.float32),
    )(x_block, idx)


def _make_gather(sl, alloc):
    info = plsc.get_sparse_core_info()
    nc, ns = info.num_cores, info.num_subcores
    nw = nc * ns
    b_per_w = BS // nw
    chunk = 8
    n_chunks = b_per_w // chunk
    out_off = sl * BS
    mesh = plsc.VectorSubcoreMesh(core_axis_name="c", subcore_axis_name="s")
    out_sds = jax.ShapeDtypeStruct((B, HALF_LEN, EMB_D), jnp.float32)

    @functools.partial(
        pl.kernel,
        mesh=mesh,
        compiler_params=pltpu.CompilerParams(use_tc_tiling_on_sc=True),
        out_type=(out_sds, out_sds) if alloc else (),
        scratch_types=[
            pltpu.VMEM((b_per_w,), jnp.int32),
            pltpu.VMEM((2, chunk, E_P_LEN, EMB_D), jnp.float32),
            pltpu.SemaphoreType.DMA,
            pltpu.SemaphoreType.DMA,
            pltpu.SemaphoreType.DMA,
            pltpu.SemaphoreType.DMA,
        ],
    )
    def gather(table_hbm, idx_hbm, ek_hbm, ev_hbm, idx_v, rows_v,
               in_s0, in_s1, out_s0, out_s1):
        wid = lax.axis_index("s") * nc + lax.axis_index("c")
        base = wid * b_per_w
        in_sems = (in_s0, in_s1)
        out_sems = (out_s0, out_s1)
        pltpu.sync_copy(idx_hbm.at[pl.ds(base, b_per_w)], idx_v)

        def start_in(c):
            b = c & 1
            return pltpu.async_copy(
                table_hbm.at[idx_v.at[pl.ds(c * chunk, chunk)]],
                rows_v.at[b], in_sems[b])

        def start_out(c):
            b = c & 1
            dst = pl.ds(out_off + base + c * chunk, chunk)
            return (
                pltpu.async_copy(rows_v.at[b, :, pl.ds(0, HALF_LEN)],
                                 ek_hbm.at[dst], out_sems[b]),
                pltpu.async_copy(rows_v.at[b, :, pl.ds(HALF_LEN, HALF_LEN)],
                                 ev_hbm.at[dst], out_sems[b]),
            )

        pend_in = {0: start_in(0)}
        pend_out = {}
        for c in range(n_chunks):
            if c + 1 < n_chunks:
                if c - 1 in pend_out:
                    for h in pend_out.pop(c - 1):
                        h.wait()
                pend_in[c + 1] = start_in(c + 1)
            pend_in.pop(c).wait()
            pend_out[c] = start_out(c)
        for c in sorted(pend_out):
            for h in pend_out.pop(c):
                h.wait()

    return gather


_gathers = None


def _get_gathers():
    global _gathers
    if _gathers is None:
        _gathers = tuple(
            _make_gather(sl, alloc=(sl == 0)) for sl in range(N_SLICES))
    return _gathers


def _normalize(x, axis):
    n = jnp.linalg.norm(x, axis=axis, keepdims=True)
    return x / jnp.clip(n, 1e-12)


def kernel(x_querry, l, x_block, e_k, e_p):
    n_K = _normalize(e_k, 1)
    qn = jax.lax.stop_gradient(_normalize(x_querry, 1))
    e_k_pad = jnp.pad(n_K, ((0, PPAD - POOL), (0, 0)))
    gathers = _get_gathers()

    idx0 = _topk_call(qn, e_k_pad, 0)
    ek_buf, ev_buf = gathers[0](e_p, idx0.reshape(BS))
    ek_ref, ev_ref = jax.new_ref(ek_buf), jax.new_ref(ev_buf)
    idx1 = _topk_call(qn, e_k_pad, 1)
    xb = _xb_call(x_block, idx1)
    gathers[1](e_p, idx1.reshape(BS), ek_ref, ev_ref)
    return (ek_ref[...], ev_ref[...], xb)

# --- scband reference (transcript-rebuilt; emitter-appended) ---
"""Pipeline reference for scband-dual-prompt-10058813407519 (READ-ONLY COPY).

The authoritative reference and input builder live on the scoring server;
editing this copy changes nothing except your own understanding.
"""

import jax, jax.numpy as jnp
import numpy as np

B = 4096
EMB_D = 768
KEY_D = 768
POOL = 1000
E_P_LEN = 8
TOP_K = 1


def _normalize(x, axis):
    n = jnp.linalg.norm(x, axis=axis, keepdims=True)
    return x / jnp.clip(n, 1e-12)


def setup_inputs(seed: int = 0) -> dict:
    key = jax.random.key(seed)
    k1, k2, k3, k4 = jax.random.split(key, 4)
    x_querry = jax.random.normal(k1, (B, KEY_D), dtype=jnp.float32)
    x_block = jax.random.normal(k2, (B, EMB_D), dtype=jnp.float32)
    # learned params for e-layer l=3 (uniform init like tensor_prompt)
    e_p = jax.random.uniform(k3, (POOL, E_P_LEN, EMB_D), dtype=jnp.float32)
    e_k = jax.random.uniform(k4, (POOL, KEY_D), dtype=jnp.float32)
    return {"x_querry": x_querry, "l": 3, "x_block": x_block, "e_k": e_k, "e_p": e_p}


def reference(x_querry, l, x_block, e_k, e_p):
    # DualPrompt.forward with train=False, l=3 (in e_layers, not g_layers)
    B_, C = x_querry.shape
    n_K = _normalize(e_k, 1)
    q = jax.lax.stop_gradient(_normalize(x_querry, 1))
    cos_sim = jnp.einsum('bj,kj->bk', q, n_K)
    _, k_idx = jax.lax.top_k(cos_sim, TOP_K)  # [B, top_k]
    P_ = jnp.take(e_p, k_idx, axis=0)  # [B, top_k, E_P_LEN, EMB_D]
    i = E_P_LEN // 2
    Ek = P_[:, :, :i, :].reshape(B_, -1, EMB_D)
    Ev = P_[:, :, i:, :].reshape(B_, -1, EMB_D)
    # p_return = [Ek, Ev], loss = 0, x_block passed through
    return (Ek, Ev, x_block)

if __name__ == "__main__":
    import jax
    _d = setup_inputs()
    print(jax.jit(kernel)(*tuple(_d.values())))

</pallas_src>

<mosaic_0001>
#map = affine_map<(d0, d1) -> (0, 0, 0)>
#map1 = affine_map<(d0, d1) -> (0)>
module attributes {stable_mosaic.version = 14 : i64} {
  func.func @gather(%arg0: i32, %arg1: i32, %arg2: memref<1000x8x768xf32, #tpu.memory_space<hbm>>, %arg3: memref<2048xi32, #tpu.memory_space<hbm>>, %arg4: memref<4096x4x768xf32, #tpu.memory_space<hbm>>, %arg5: memref<4096x4x768xf32, #tpu.memory_space<hbm>>, %arg6: memref<64xi32, #tpu.memory_space<vmem>>, %arg7: memref<2x8x8x768xf32, #tpu.memory_space<vmem>>, %arg8: memref<!tpu.dma_semaphore, #tpu.memory_space<semaphore_mem>>, %arg9: memref<!tpu.dma_semaphore, #tpu.memory_space<semaphore_mem>>, %arg10: memref<!tpu.dma_semaphore, #tpu.memory_space<semaphore_mem>>, %arg11: memref<!tpu.dma_semaphore, #tpu.memory_space<semaphore_mem>>) attributes {dimension_semantics = [#tpu.dimension_semantics<core_parallel>, #tpu.dimension_semantics<subcore_parallel>], iteration_bounds = array<i64: 2, 16>, scalar_prefetch = 0 : i64, scratch_operands = 6 : i64, tpu.core_type = #tpu.core_type<sc_vector_subcore>, window_params = [{transform_indices = #map}, {transform_indices = #map1}, {transform_indices = #map}, {transform_indices = #map}]} {
    %mul3A = arith.constant 2 : i32
    %mul3A_0 = arith.muli %arg1, %mul3A : i32
    %add3A = arith.addi %mul3A_0, %arg0 : i32
    %mul3A_1 = arith.constant 64 : i32
    %mul3A_2 = arith.muli %add3A, %mul3A_1 : i32
    "tpu.region"() ({
      %run_scoped3A = tpu.sem_alloc : memref<!tpu.dma_semaphore, #tpu.memory_space<semaphore_mem>>
      %dma_start3A_769 = tpu.memref_slice %arg3[%mul3A_2] : memref<2048xi32, #tpu.memory_space<hbm>> -> memref<64xi32, #tpu.memory_space<hbm>>
      %dma_start3A_770 = tpu.memref_slice %arg3[%mul3A_2] : memref<2048xi32, #tpu.memory_space<hbm>> -> memref<64xi32, #tpu.memory_space<hbm>>
      tpu.enqueue_dma source(%dma_start3A_770 : memref<64xi32, #tpu.memory_space<hbm>>) target(%arg6 : memref<64xi32, #tpu.memory_space<vmem>>) target_semaphore(%run_scoped3A : memref<!tpu.dma_semaphore, #tpu.memory_space<semaphore_mem>>)
      %dma_wait3A_771 = tpu.memref_slice %arg3[%mul3A_2] : memref<2048xi32, #tpu.memory_space<hbm>> -> memref<64xi32, #tpu.memory_space<hbm>>
      %dma_wait3A_772 = tpu.memref_slice %arg3[%mul3A_2] : memref<2048xi32, #tpu.memory_space<hbm>> -> memref<64xi32, #tpu.memory_space<hbm>>
      tpu.wait_dma2 semaphore(%run_scoped3A : memref<!tpu.dma_semaphore, #tpu.memory_space<semaphore_mem>>) src(%dma_wait3A_772 : memref<64xi32, #tpu.memory_space<hbm>>) dst(%arg6 : memref<64xi32, #tpu.memory_space<vmem>>)
      tpu.yield
    }) : () -> ()
    %dma_start3A = arith.constant 0 : i32
    %dma_start3A_3 = arith.constant 0 : i32
    %dma_start3A_4 = arith.constant 0 : i32
    %dma_start3A_5 = arith.constant 0 : i32
    %dma_start3A_6 = tpu.memref_slice %arg7[%dma_start3A, %dma_start3A_3, %dma_start3A_4, %dma_start3A_5] : memref<2x8x8x768xf32, #tpu.memory_space<vmem>> -> memref<1x8x8x768xf32, #tpu.memory_space<vmem>>
    %dma_start3A_7 = tpu.memref_squeeze %dma_start3A_6 : memref<1x8x8x768xf32, #tpu.memory_space<vmem>> -> memref<8x8x768xf32, #tpu.memory_space<vmem>>
    %dma_start3A_8 = arith.constant 0 : i32
    %dma_start3A_9 = tpu.memref_slice %arg6[%dma_start3A_8] : memref<64xi32, #tpu.memory_space<vmem>> -> memref<8xi32, #tpu.memory_space<vmem>>
    %dma_start3A_10 = arith.constant 0 : i32
    %dma_start3A_11 = arith.constant 0 : i32
    %dma_start3A_12 = arith.constant 0 : i32
    %dma_start3A_13 = tpu.memref_slice %arg2[%dma_start3A_10, %dma_start3A_11, %dma_start3A_12] : memref<1000x8x768xf32, #tpu.memory_space<hbm>> -> memref<1000x8x768xf32, #tpu.memory_space<hbm>>
    tpu.enqueue_indirect_dma source(%dma_start3A_13 : memref<1000x8x768xf32, #tpu.memory_space<hbm>>) target(%dma_start3A_7 : memref<8x8x768xf32, #tpu.memory_space<vmem>>) offsets(%dma_start3A_9 : memref<8xi32, #tpu.memory_space<vmem>>) semaphore(%arg8 : memref<!tpu.dma_semaphore, #tpu.memory_space<semaphore_mem>>)
    %dma_start3A_14 = arith.constant 1 : i32
    %dma_start3A_15 = arith.constant 0 : i32
    %dma_start3A_16 = arith.constant 0 : i32
    %dma_start3A_17 = arith.constant 0 : i32
    %dma_start3A_18 = tpu.memref_slice %arg7[%dma_start3A_14, %dma_start3A_15, %dma_start3A_16, %dma_start3A_17] : memref<2x8x8x768xf32, #tpu.memory_space<vmem>> -> memref<1x8x8x768xf32, #tpu.memory_space<vmem>>
    %dma_start3A_19 = tpu.memref_squeeze %dma_start3A_18 : memref<1x8x8x768xf32, #tpu.memory_space<vmem>> -> memref<8x8x768xf32, #tpu.memory_space<vmem>>
    %dma_start3A_20 = arith.constant 8 : i32
    %dma_start3A_21 = tpu.memref_slice %arg6[%dma_start3A_20] : memref<64xi32, #tpu.memory_space<vmem>> -> memref<8xi32, #tpu.memory_space<vmem>>
    %dma_start3A_22 = arith.constant 0 : i32
    %dma_start3A_23 = arith.constant 0 : i32
    %dma_start3A_24 = arith.constant 0 : i32
    %dma_start3A_25 = tpu.memref_slice %arg2[%dma_start3A_22, %dma_start3A_23, %dma_start3A_24] : memref<1000x8x768xf32, #tpu.memory_space<hbm>> -> memref<1000x8x768xf32, #tpu.memory_space<hbm>>
    tpu.enqueue_indirect_dma source(%dma_start3A_25 : memref<1000x8x768xf32, #tpu.memory_space<hbm>>) target(%dma_start3A_19 : memref<8x8x768xf32, #tpu.memory_space<vmem>>) offsets(%dma_start3A_21 : memref<8xi32, #tpu.memory_space<vmem>>) semaphore(%arg9 : memref<!tpu.dma_semaphore, #tpu.memory_space<semaphore_mem>>)
    %dma_wait3A = arith.constant 0 : i32
    %dma_wait3A_26 = arith.constant 0 : i32
    %dma_wait3A_27 = arith.constant 0 : i32
    %dma_wait3A_28 = arith.constant 0 : i32
    %dma_wait3A_29 = tpu.memref_slice %arg7[%dma_wait3A, %dma_wait3A_26, %dma_wait3A_27, %dma_wait3A_28] : memref<2x8x8x768xf32, #tpu.memory_space<vmem>> -> memref<1x8x8x768xf32, #tpu.memory_space<vmem>>
    %dma_wait3A_30 = tpu.memref_squeeze %dma_wait3A_29 : memref<1x8x8x768xf32, #tpu.memory_space<vmem>> -> memref<8x8x768xf32, #tpu.memory_space<vmem>>
    %dma_wait3A_31 = arith.constant 0 : i32
    %dma_wait3A_32 = tpu.memref_slice %arg6[%dma_wait3A_31] : memref<64xi32, #tpu.memory_space<vmem>> -> memref<8xi32, #tpu.memory_space<vmem>>
    %dma_wait3A_33 = arith.constant 0 : i32
    %dma_wait3A_34 = arith.constant 0 : i32
    %dma_wait3A_35 = arith.constant 0 : i32
    %dma_wait3A_36 = tpu.memref_slice %arg2[%dma_wait3A_33, %dma_wait3A_34, %dma_wait3A_35] : memref<1000x8x768xf32, #tpu.memory_space<hbm>> -> memref<1000x8x768xf32, #tpu.memory_space<hbm>>
    tpu.wait_indirect_dma semaphore(%arg8 : memref<!tpu.dma_semaphore, #tpu.memory_space<semaphore_mem>>) src(%dma_wait3A_36 : memref<1000x8x768xf32, #tpu.memory_space<hbm>>) dst(%dma_wait3A_30 : memref<8x8x768xf32, #tpu.memory_space<vmem>>)
    %add3A_37 = arith.constant 0 : i32
    %add3A_38 = arith.addi %add3A_37, %mul3A_2 : i32
    %add3A_39 = arith.constant 0 : i32
    %add3A_40 = arith.addi %add3A_38, %add3A_39 : i32
    %dma_start3A_41 = arith.constant 0 : i32
    %dma_start3A_42 = arith.constant 0 : i32
    %dma_start3A_43 = arith.constant 0 : i32
    %dma_start3A_44 = arith.constant 0 : i32
    %dma_start3A_45 = tpu.memref_slice %arg7[%dma_start3A_41, %dma_start3A_42, %dma_start3A_43, %dma_start3A_44] : memref<2x8x8x768xf32, #tpu.memory_space<vmem>> -> memref<1x8x4x768xf32, #tpu.memory_space<vmem>>
    %dma_start3A_46 = tpu.memref_squeeze %dma_start3A_45 : memref<1x8x4x768xf32, #tpu.memory_space<vmem>> -> memref<8x4x768xf32, #tpu.memory_space<vmem>>
    %dma_start3A_47 = arith.constant 0 : i32
    %dma_start3A_48 = arith.constant 0 : i32
    %dma_start3A_49 = tpu.memref_slice %arg4[%add3A_40, %dma_start3A_47, %dma_start3A_48] : memref<4096x4x768xf32, #tpu.memory_space<hbm>> -> memref<8x4x768xf32, #tpu.memory_space<hbm>>
    %dma_start3A_50 = arith.constant 0 : i32
    %dma_start3A_51 = arith.constant 0 : i32
    %dma_start3A_52 = tpu.memref_slice %arg4[%add3A_40, %dma_start3A_50, %dma_start3A_51] : memref<4096x4x768xf32, #tpu.memory_space<hbm>> -> memref<8x4x768xf32, #tpu.memory_space<hbm>>
    %dma_start3A_53 = arith.constant 0 : i32
    %dma_start3A_54 = arith.constant 0 : i32
    %dma_start3A_55 = arith.constant 0 : i32
    %dma_start3A_56 = tpu.memref_slice %arg7[%dma_start3A_41, %dma_start3A_53, %dma_start3A_54, %dma_start3A_55] : memref<2x8x8x768xf32, #tpu.memory_space<vmem>> -> memref<1x8x4x768xf32, #tpu.memory_space<vmem>>
    %dma_start3A_57 = tpu.memref_squeeze %dma_start3A_56 : memref<1x8x4x768xf32, #tpu.memory_space<vmem>> -> memref<8x4x768xf32, #tpu.memory_space<vmem>>
    tpu.enqueue_dma source(%dma_start3A_57 : memref<8x4x768xf32, #tpu.memory_space<vmem>>) target(%dma_start3A_52 : memref<8x4x768xf32, #tpu.memory_space<hbm>>) target_semaphore(%arg10 : memref<!tpu.dma_semaphore, #tpu.memory_space<semaphore_mem>>)
    %dma_start3A_58 = arith.constant 0 : i32
    %dma_start3A_59 = arith.constant 0 : i32
    %dma_start3A_60 = arith.constant 4 : i32
    %dma_start3A_61 = arith.constant 0 : i32
    %dma_start3A_62 = tpu.memref_slice %arg7[%dma_start3A_58, %dma_start3A_59, %dma_start3A_60, %dma_start3A_61] : memref<2x8x8x768xf32, #tpu.memory_space<vmem>> -> memref<1x8x4x768xf32, #tpu.memory_space<vmem>>
    %dma_start3A_63 = tpu.memref_squeeze %dma_start3A_62 : memref<1x8x4x768xf32, #tpu.memory_space<vmem>> -> memref<8x4x768xf32, #tpu.memory_space<vmem>>
    %dma_start3A_64 = arith.constant 0 : i32
    %dma_start3A_65 = arith.constant 0 : i32
    %dma_start3A_66 = tpu.memref_slice %arg5[%add3A_40, %dma_start3A_64, %dma_start3A_65] : memref<4096x4x768xf32, #tpu.memory_space<hbm>> -> memref<8x4x768xf32, #tpu.memory_space<hbm>>
    %dma_start3A_67 = arith.constant 0 : i32
    %dma_start3A_68 = arith.constant 0 : i32
    %dma_start3A_69 = tpu.memref_slice %arg5[%add3A_40, %dma_start3A_67, %dma_start3A_68] : memref<4096x4x768xf32, #tpu.memory_space<hbm>> -> memref<8x4x768xf32, #tpu.memory_space<hbm>>
    %dma_start3A_70 = arith.constant 0 : i32
    %dma_start3A_71 = arith.constant 4 : i32
    %dma_start3A_72 = arith.constant 0 : i32
    %dma_start3A_73 = tpu.memref_slice %arg7[%dma_start3A_58, %dma_start3A_70, %dma_start3A_71, %dma_start3A_72] : memref<2x8x8x768xf32, #tpu.memory_space<vmem>> -> memref<1x8x4x768xf32, #tpu.memory_space<vmem>>
    %dma_start3A_74 = tpu.memref_squeeze %dma_start3A_73 : memref<1x8x4x768xf32, #tpu.memory_space<vmem>> -> memref<8x4x768xf32, #tpu.memory_space<vmem>>
    tpu.enqueue_dma source(%dma_start3A_74 : memref<8x4x768xf32, #tpu.memory_space<vmem>>) target(%dma_start3A_69 : memref<8x4x768xf32, #tpu.memory_space<hbm>>) target_semaphore(%arg10 : memref<!tpu.dma_semaphore, #tpu.memory_space<semaphore_mem>>)
    %dma_wait3A_75 = arith.constant 0 : i32
    %dma_wait3A_76 = arith.constant 0 : i32
    %dma_wait3A_77 = arith.constant 0 : i32
    %dma_wait3A_78 = arith.constant 0 : i32
    %dma_wait3A_79 = tpu.memref_slice %arg7[%dma_wait3A_75, %dma_wait3A_76, %dma_wait3A_77, %dma_wait3A_78] : memref<2x8x8x768xf32, #tpu.memory_space<vmem>> -> memref<1x8x4x768xf32, #tpu.memory_space<vmem>>
    %dma_wait3A_80 = tpu.memref_squeeze %dma_wait3A_79 : memref<1x8x4x768xf32, #tpu.memory_space<vmem>> -> memref<8x4x768xf32, #tpu.memory_space<vmem>>
    %dma_wait3A_81 = arith.constant 0 : i32
    %dma_wait3A_82 = arith.constant 0 : i32
    %dma_wait3A_83 = tpu.memref_slice %arg4[%add3A_40, %dma_wait3A_81, %dma_wait3A_82] : memref<4096x4x768xf32, #tpu.memory_space<hbm>> -> memref<8x4x768xf32, #tpu.memory_space<hbm>>
    %dma_wait3A_84 = arith.constant 0 : i32
    %dma_wait3A_85 = arith.constant 0 : i32
    %dma_wait3A_86 = tpu.memref_slice %arg4[%add3A_40, %dma_wait3A_84, %dma_wait3A_85] : memref<4096x4x768xf32, #tpu.memory_space<hbm>> -> memref<8x4x768xf32, #tpu.memory_space<hbm>>
    %dma_wait3A_87 = arith.constant 0 : i32
    %dma_wait3A_88 = arith.constant 0 : i32
    %dma_wait3A_89 = arith.constant 0 : i32
    %dma_wait3A_90 = tpu.memref_slice %arg7[%dma_wait3A_75, %dma_wait3A_87, %dma_wait3A_88, %dma_wait3A_89] : memref<2x8x8x768xf32, #tpu.memory_space<vmem>> -> memref<1x8x4x768xf32, #tpu.memory_space<vmem>>
    %dma_wait3A_91 = tpu.memref_squeeze %dma_wait3A_90 : memref<1x8x4x768xf32, #tpu.memory_space<vmem>> -> memref<8x4x768xf32, #tpu.memory_space<vmem>>
    tpu.wait_dma2 semaphore(%arg10 : memref<!tpu.dma_semaphore, #tpu.memory_space<semaphore_mem>>) src(%dma_wait3A_91 : memref<8x4x768xf32, #tpu.memory_space<vmem>>) dst(%dma_wait3A_86 : memref<8x4x768xf32, #tpu.memory_space<hbm>>)
    %dma_wait3A_92 = arith.constant 0 : i32
    %dma_wait3A_93 = arith.constant 0 : i32
    %dma_wait3A_94 = arith.constant 4 : i32
    %dma_wait3A_95 = arith.constant 0 : i32
    %dma_wait3A_96 = tpu.memref_slice %arg7[%dma_wait3A_92, %dma_wait3A_93, %dma_wait3A_94, %dma_wait3A_95] : memref<2x8x8x768xf32, #tpu.memory_space<vmem>> -> memref<1x8x4x768xf32, #tpu.memory_space<vmem>>
    %dma_wait3A_97 = tpu.memref_squeeze %dma_wait3A_96 : memref<1x8x4x768xf32, #tpu.memory_space<vmem>> -> memref<8x4x768xf32, #tpu.memory_space<vmem>>
    %dma_wait3A_98 = arith.constant 0 : i32
    %dma_wait3A_99 = arith.constant 0 : i32
    %dma_wait3A_100 = tpu.memref_slice %arg5[%add3A_40, %dma_wait3A_98, %dma_wait3A_99] : memref<4096x4x768xf32, #tpu.memory_space<hbm>> -> memref<8x4x768xf32, #tpu.memory_space<hbm>>
    %dma_wait3A_101 = arith.constant 0 : i32
    %dma_wait3A_102 = arith.constant 0 : i32
    %dma_wait3A_103 = tpu.memref_slice %arg5[%add3A_40, %dma_wait3A_101, %dma_wait3A_102] : memref<4096x4x768xf32, #tpu.memory_space<hbm>> -> memref<8x4x768xf32, #tpu.memory_space<hbm>>
    %dma_wait3A_104 = arith.constant 0 : i32
    %dma_wait3A_105 = arith.constant 4 : i32
    %dma_wait3A_106 = arith.constant 0 : i32
    %dma_wait3A_107 = tpu.memref_slice %arg7[%dma_wait3A_92, %dma_wait3A_104, %dma_wait3A_105, %dma_wait3A_106] : memref<2x8x8x768xf32, #tpu.memory_space<vmem>> -> memref<1x8x4x768xf32, #tpu.memory_space<vmem>>
    %dma_wait3A_108 = tpu.memref_squeeze %dma_wait3A_107 : memref<1x8x4x768xf32, #tpu.memory_space<vmem>> -> memref<8x4x768xf32, #tpu.memory_space<vmem>>
    tpu.wait_dma2 semaphore(%arg10 : memref<!tpu.dma_semaphore, #tpu.memory_space<semaphore_mem>>) src(%dma_wait3A_108 : memref<8x4x768xf32, #tpu.memory_space<vmem>>) dst(%dma_wait3A_103 : memref<8x4x768xf32, #tpu.memory_space<hbm>>)
    %dma_start3A_109 = arith.constant 0 : i32
    %dma_start3A_110 = arith.constant 0 : i32
    %dma_start3A_111 = arith.constant 0 : i32
    %dma_start3A_112 = arith.constant 0 : i32
    %dma_start3A_113 = tpu.memref_slice %arg7[%dma_start3A_109, %dma_start3A_110, %dma_start3A_111, %dma_start3A_112] : memref<2x8x8x768xf32, #tpu.memory_space<vmem>> -> memref<1x8x8x768xf32, #tpu.memory_space<vmem>>
    %dma_start3A_114 = tpu.memref_squeeze %dma_start3A_113 : memref<1x8x8x768xf32, #tpu.memory_space<vmem>> -> memref<8x8x768xf32, #tpu.memory_space<vmem>>
    %dma_start3A_115 = arith.constant 16 : i32
    %dma_start3A_116 = tpu.memref_slice %arg6[%dma_start3A_115] : memref<64xi32, #tpu.memory_space<vmem>> -> memref<8xi32, #tpu.memory_space<vmem>>
    %dma_start3A_117 = arith.constant 0 : i32
    %dma_start3A_118 = arith.constant 0 : i32
    %dma_start3A_119 = arith.constant 0 : i32
    %dma_start3A_120 = tpu.memref_slice %arg2[%dma_start3A_117, %dma_start3A_118, %dma_start3A_119] : memref<1000x8x768xf32, #tpu.memory_space<hbm>> -> memref<1000x8x768xf32, #tpu.memory_space<hbm>>
    tpu.enqueue_indirect_dma source(%dma_start3A_120 : memref<1000x8x768xf32, #tpu.memory_space<hbm>>) target(%dma_start3A_114 : memref<8x8x768xf32, #tpu.memory_space<vmem>>) offsets(%dma_start3A_116 : memref<8xi32, #tpu.memory_space<vmem>>) semaphore(%arg8 : memref<!tpu.dma_semaphore, #tpu.memory_space<semaphore_mem>>)
    %dma_wait3A_121 = arith.constant 1 : i32
    %dma_wait3A_122 = arith.constant 0 : i32
    %dma_wait3A_123 = arith.constant 0 : i32
    %dma_wait3A_124 = arith.constant 0 : i32
    %dma_wait3A_125 = tpu.memref_slice %arg7[%dma_wait3A_121, %dma_wait3A_122, %dma_wait3A_123, %dma_wait3A_124] : memref<2x8x8x768xf32, #tpu.memory_space<vmem>> -> memref<1x8x8x768xf32, #tpu.memory_space<vmem>>
    %dma_wait3A_126 = tpu.memref_squeeze %dma_wait3A_125 : memref<1x8x8x768xf32, #tpu.memory_space<vmem>> -> memref<8x8x768xf32, #tpu.memory_space<vmem>>
    %dma_wait3A_127 = arith.constant 8 : i32
    %dma_wait3A_128 = tpu.memref_slice %arg6[%dma_wait3A_127] : memref<64xi32, #tpu.memory_space<vmem>> -> memref<8xi32, #tpu.memory_space<vmem>>
    %dma_wait3A_129 = arith.constant 0 : i32
    %dma_wait3A_130 = arith.constant 0 : i32
    %dma_wait3A_131 = arith.constant 0 : i32
    %dma_wait3A_132 = tpu.memref_slice %arg2[%dma_wait3A_129, %dma_wait3A_130, %dma_wait3A_131] : memref<1000x8x768xf32, #tpu.memory_space<hbm>> -> memref<1000x8x768xf32, #tpu.memory_space<hbm>>
    tpu.wait_indirect_dma semaphore(%arg9 : memref<!tpu.dma_semaphore, #tpu.memory_space<semaphore_mem>>) src(%dma_wait3A_132 : memref<1000x8x768xf32, #tpu.memory_space<hbm>>) dst(%dma_wait3A_126 : memref<8x8x768xf32, #tpu.memory_space<vmem>>)
    %add3A_133 = arith.constant 0 : i32
    %add3A_134 = arith.addi %add3A_133, %mul3A_2 : i32
    %add3A_135 = arith.constant 8 : i32
    %add3A_136 = arith.addi %add3A_134, %add3A_135 : i32
    %dma_start3A_137 = arith.constant 1 : i32
    %dma_start3A_138 = arith.constant 0 : i32
    %dma_start3A_139 = arith.constant 0 : i32
    %dma_start3A_140 = arith.constant 0 : i32
    %dma_start3A_141 = tpu.memref_slice %arg7[%dma_start3A_137, %dma_start3A_138, %dma_start3A_139, %dma_start3A_140] : memref<2x8x8x768xf32, #tpu.memory_space<vmem>> -> memref<1x8x4x768xf32, #tpu.memory_space<vmem>>
    %dma_start3A_142 = tpu.memref_squeeze %dma_start3A_141 : memref<1x8x4x768xf32, #tpu.memory_space<vmem>> -> memref<8x4x768xf32, #tpu.memory_space<vmem>>
    %dma_start3A_143 = arith.constant 0 : i32
    %dma_start3A_144 = arith.constant 0 : i32
    %dma_start3A_145 = tpu.memref_slice %arg4[%add3A_136, %dma_start3A_143, %dma_start3A_144] : memref<4096x4x768xf32, #tpu.memory_space<hbm>> -> memref<8x4x768xf32, #tpu.memory_space<hbm>>
    %dma_start3A_146 = arith.constant 0 : i32
    %dma_start3A_147 = arith.constant 0 : i32
    %dma_start3A_148 = tpu.memref_slice %arg4[%add3A_136, %dma_start3A_146, %dma_start3A_147] : memref<4096x4x768xf32, #tpu.memory_space<hbm>> -> memref<8x4x768xf32, #tpu.memory_space<hbm>>
    %dma_start3A_149 = arith.constant 0 : i32
    %dma_start3A_150 = arith.constant 0 : i32
    %dma_start3A_151 = arith.constant 0 : i32
    %dma_start3A_152 = tpu.memref_slice %arg7[%dma_start3A_137, %dma_start3A_149, %dma_start3A_150, %dma_start3A_151] : memref<2x8x8x768xf32, #tpu.memory_space<vmem>> -> memref<1x8x4x768xf32, #tpu.memory_space<vmem>>
    %dma_start3A_153 = tpu.memref_squeeze %dma_start3A_152 : memref<1x8x4x768xf32, #tpu.memory_space<vmem>> -> memref<8x4x768xf32, #tpu.memory_space<vmem>>
    tpu.enqueue_dma source(%dma_start3A_153 : memref<8x4x768xf32, #tpu.memory_space<vmem>>) target(%dma_start3A_148 : memref<8x4x768xf32, #tpu.memory_space<hbm>>) target_semaphore(%arg11 : memref<!tpu.dma_semaphore, #tpu.memory_space<semaphore_mem>>)
    %dma_start3A_154 = arith.constant 1 : i32
    %dma_start3A_155 = arith.constant 0 : i32
    %dma_start3A_156 = arith.constant 4 : i32
    %dma_start3A_157 = arith.constant 0 : i32
    %dma_start3A_158 = tpu.memref_slice %arg7[%dma_start3A_154, %dma_start3A_155, %dma_start3A_156, %dma_start3A_157] : memref<2x8x8x768xf32, #tpu.memory_space<vmem>> -> memref<1x8x4x768xf32, #tpu.memory_space<vmem>>
    %dma_start3A_159 = tpu.memref_squeeze %dma_start3A_158 : memref<1x8x4x768xf32, #tpu.memory_space<vmem>> -> memref<8x4x768xf32, #tpu.memory_space<vmem>>
    %dma_start3A_160 = arith.constant 0 : i32
    %dma_start3A_161 = arith.constant 0 : i32
    %dma_start3A_162 = tpu.memref_slice %arg5[%add3A_136, %dma_start3A_160, %dma_start3A_161] : memref<4096x4x768xf32, #tpu.memory_space<hbm>> -> memref<8x4x768xf32, #tpu.memory_space<hbm>>
    %dma_start3A_163 = arith.constant 0 : i32
    %dma_start3A_164 = arith.constant 0 : i32
    %dma_start3A_165 = tpu.memref_slice %arg5[%add3A_136, %dma_start3A_163, %dma_start3A_164] : memref<4096x4x768xf32, #tpu.memory_space<hbm>> -> memref<8x4x768xf32, #tpu.memory_space<hbm>>
    %dma_start3A_166 = arith.constant 0 : i32
    %dma_start3A_167 = arith.constant 4 : i32
    %dma_start3A_168 = arith.constant 0 : i32
    %dma_start3A_169 = tpu.memref_slice %arg7[%dma_start3A_154, %dma_start3A_166, %dma_start3A_167, %dma_start3A_168] : memref<2x8x8x768xf32, #tpu.memory_space<vmem>> -> memref<1x8x4x768xf32, #tpu.memory_space<vmem>>
    %dma_start3A_170 = tpu.memref_squeeze %dma_start3A_169 : memref<1x8x4x768xf32, #tpu.memory_space<vmem>> -> memref<8x4x768xf32, #tpu.memory_space<vmem>>
    tpu.enqueue_dma source(%dma_start3A_170 : memref<8x4x768xf32, #tpu.memory_space<vmem>>) target(%dma_start3A_165 : memref<8x4x768xf32, #tpu.memory_space<hbm>>) target_semaphore(%arg11 : memref<!tpu.dma_semaphore, #tpu.memory_space<semaphore_mem>>)
    %dma_wait3A_171 = arith.constant 1 : i32
    %dma_wait3A_172 = arith.constant 0 : i32
    %dma_wait3A_173 = arith.constant 0 : i32
    %dma_wait3A_174 = arith.constant 0 : i32
    %dma_wait3A_175 = tpu.memref_slice %arg7[%dma_wait3A_171, %dma_wait3A_172, %dma_wait3A_173, %dma_wait3A_174] : memref<2x8x8x768xf32, #tpu.memory_space<vmem>> -> memref<1x8x4x768xf32, #tpu.memory_space<vmem>>
    %dma_wait3A_176 = tpu.memref_squeeze %dma_wait3A_175 : memref<1x8x4x768xf32, #tpu.memory_space<vmem>> -> memref<8x4x768xf32, #tpu.memory_space<vmem>>
    %dma_wait3A_177 = arith.constant 0 : i32
    %dma_wait3A_178 = arith.constant 0 : i32
    %dma_wait3A_179 = tpu.memref_slice %arg4[%add3A_136, %dma_wait3A_177, %dma_wait3A_178] : memref<4096x4x768xf32, #tpu.memory_space<hbm>> -> memref<8x4x768xf32, #tpu.memory_space<hbm>>
    %dma_wait3A_180 = arith.constant 0 : i32
    %dma_wait3A_181 = arith.constant 0 : i32
    %dma_wait3A_182 = tpu.memref_slice %arg4[%add3A_136, %dma_wait3A_180, %dma_wait3A_181] : memref<4096x4x768xf32, #tpu.memory_space<hbm>> -> memref<8x4x768xf32, #tpu.memory_space<hbm>>
    %dma_wait3A_183 = arith.constant 0 : i32
    %dma_wait3A_184 = arith.constant 0 : i32
    %dma_wait3A_185 = arith.constant 0 : i32
    %dma_wait3A_186 = tpu.memref_slice %arg7[%dma_wait3A_171, %dma_wait3A_183, %dma_wait3A_184, %dma_wait3A_185] : memref<2x8x8x768xf32, #tpu.memory_space<vmem>> -> memref<1x8x4x768xf32, #tpu.memory_space<vmem>>
    %dma_wait3A_187 = tpu.memref_squeeze %dma_wait3A_186 : memref<1x8x4x768xf32, #tpu.memory_space<vmem>> -> memref<8x4x768xf32, #tpu.memory_space<vmem>>
    tpu.wait_dma2 semaphore(%arg11 : memref<!tpu.dma_semaphore, #tpu.memory_space<semaphore_mem>>) src(%dma_wait3A_187 : memref<8x4x768xf32, #tpu.memory_space<vmem>>) dst(%dma_wait3A_182 : memref<8x4x768xf32, #tpu.memory_space<hbm>>)
    %dma_wait3A_188 = arith.constant 1 : i32
    %dma_wait3A_189 = arith.constant 0 : i32
    %dma_wait3A_190 = arith.constant 4 : i32
    %dma_wait3A_191 = arith.constant 0 : i32
    %dma_wait3A_192 = tpu.memref_slice %arg7[%dma_wait3A_188, %dma_wait3A_189, %dma_wait3A_190, %dma_wait3A_191] : memref<2x8x8x768xf32, #tpu.memory_space<vmem>> -> memref<1x8x4x768xf32, #tpu.memory_space<vmem>>
    %dma_wait3A_193 = tpu.memref_squeeze %dma_wait3A_192 : memref<1x8x4x768xf32, #tpu.memory_space<vmem>> -> memref<8x4x768xf32, #tpu.memory_space<vmem>>
    %dma_wait3A_194 = arith.constant 0 : i32
    %dma_wait3A_195 = arith.constant 0 : i32
    %dma_wait3A_196 = tpu.memref_slice %arg5[%add3A_136, %dma_wait3A_194, %dma_wait3A_195] : memref<4096x4x768xf32, #tpu.memory_space<hbm>> -> memref<8x4x768xf32, #tpu.memory_space<hbm>>
    %dma_wait3A_197 = arith.constant 0 : i32
    %dma_wait3A_198 = arith.constant 0 : i32
    %dma_wait3A_199 = tpu.memref_slice %arg5[%add3A_136, %dma_wait3A_197, %dma_wait3A_198] : memref<4096x4x768xf32, #tpu.memory_space<hbm>> -> memref<8x4x768xf32, #tpu.memory_space<hbm>>
    %dma_wait3A_200 = arith.constant 0 : i32
    %dma_wait3A_201 = arith.constant 4 : i32
    %dma_wait3A_202 = arith.constant 0 : i32
    %dma_wait3A_203 = tpu.memref_slice %arg7[%dma_wait3A_188, %dma_wait3A_200, %dma_wait3A_201, %dma_wait3A_202] : memref<2x8x8x768xf32, #tpu.memory_space<vmem>> -> memref<1x8x4x768xf32, #tpu.memory_space<vmem>>
    %dma_wait3A_204 = tpu.memref_squeeze %dma_wait3A_203 : memref<1x8x4x768xf32, #tpu.memory_space<vmem>> -> memref<8x4x768xf32, #tpu.memory_space<vmem>>
    tpu.wait_dma2 semaphore(%arg11 : memref<!tpu.dma_semaphore, #tpu.memory_space<semaphore_mem>>) src(%dma_wait3A_204 : memref<8x4x768xf32, #tpu.memory_space<vmem>>) dst(%dma_wait3A_199 : memref<8x4x768xf32, #tpu.memory_space<hbm>>)
    %dma_start3A_205 = arith.constant 1 : i32
    %dma_start3A_206 = arith.constant 0 : i32
    %dma_start3A_207 = arith.constant 0 : i32
    %dma_start3A_208 = arith.constant 0 : i32
    %dma_start3A_209 = tpu.memref_slice %arg7[%dma_start3A_205, %dma_start3A_206, %dma_start3A_207, %dma_start3A_208] : memref<2x8x8x768xf32, #tpu.memory_space<vmem>> -> memref<1x8x8x768xf32, #tpu.memory_space<vmem>>
    %dma_start3A_210 = tpu.memref_squeeze %dma_start3A_209 : memref<1x8x8x768xf32, #tpu.memory_space<vmem>> -> memref<8x8x768xf32, #tpu.memory_space<vmem>>
    %dma_start3A_211 = arith.constant 24 : i32
    %dma_start3A_212 = tpu.memref_slice %arg6[%dma_start3A_211] : memref<64xi32, #tpu.memory_space<vmem>> -> memref<8xi32, #tpu.memory_space<vmem>>
    %dma_start3A_213 = arith.constant 0 : i32
    %dma_start3A_214 = arith.constant 0 : i32
    %dma_start3A_215 = arith.constant 0 : i32
    %dma_start3A_216 = tpu.memref_slice %arg2[%dma_start3A_213, %dma_start3A_214, %dma_start3A_215] : memref<1000x8x768xf32, #tpu.memory_space<hbm>> -> memref<1000x8x768xf32, #tpu.memory_space<hbm>>
    tpu.enqueue_indirect_dma source(%dma_start3A_216 : memref<1000x8x768xf32, #tpu.memory_space<hbm>>) target(%dma_start3A_210 : memref<8x8x768xf32, #tpu.memory_space<vmem>>) offsets(%dma_start3A_212 : memref<8xi32, #tpu.memory_space<vmem>>) semaphore(%arg9 : memref<!tpu.dma_semaphore, #tpu.memory_space<semaphore_mem>>)
    %dma_wait3A_217 = arith.constant 0 : i32
    %dma_wait3A_218 = arith.constant 0 : i32
    %dma_wait3A_219 = arith.constant 0 : i32
    %dma_wait3A_220 = arith.constant 0 : i32
    %dma_wait3A_221 = tpu.memref_slice %arg7[%dma_wait3A_217, %dma_wait3A_218, %dma_wait3A_219, %dma_wait3A_220] : memref<2x8x8x768xf32, #tpu.memory_space<vmem>> -> memref<1x8x8x768xf32, #tpu.memory_space<vmem>>
    %dma_wait3A_222 = tpu.memref_squeeze %dma_wait3A_221 : memref<1x8x8x768xf32, #tpu.memory_space<vmem>> -> memref<8x8x768xf32, #tpu.memory_space<vmem>>
    %dma_wait3A_223 = arith.constant 16 : i32
    %dma_wait3A_224 = tpu.memref_slice %arg6[%dma_wait3A_223] : memref<64xi32, #tpu.memory_space<vmem>> -> memref<8xi32, #tpu.memory_space<vmem>>
    %dma_wait3A_225 = arith.constant 0 : i32
    %dma_wait3A_226 = arith.constant 0 : i32
    %dma_wait3A_227 = arith.constant 0 : i32
    %dma_wait3A_228 = tpu.memref_slice %arg2[%dma_wait3A_225, %dma_wait3A_226, %dma_wait3A_227] : memref<1000x8x768xf32, #tpu.memory_space<hbm>> -> memref<1000x8x768xf32, #tpu.memory_space<hbm>>
    tpu.wait_indirect_dma semaphore(%arg8 : memref<!tpu.dma_semaphore, #tpu.memory_space<semaphore_mem>>) src(%dma_wait3A_228 : memref<1000x8x768xf32, #tpu.memory_space<hbm>>) dst(%dma_wait3A_222 : memref<8x8x768xf32, #tpu.memory_space<vmem>>)
    %add3A_229 = arith.constant 0 : i32
    %add3A_230 = arith.addi %add3A_229, %mul3A_2 : i32
    %add3A_231 = arith.constant 16 : i32
    %add3A_232 = arith.addi %add3A_230, %add3A_231 : i32
    %dma_start3A_233 = arith.constant 0 : i32
    %dma_start3A_234 = arith.constant 0 : i32
    %dma_start3A_235 = arith.constant 0 : i32
    %dma_start3A_236 = arith.constant 0 : i32
    %dma_start3A_237 = tpu.memref_slice %arg7[%dma_start3A_233, %dma_start3A_234, %dma_start3A_235, %dma_start3A_236] : memref<2x8x8x768xf32, #tpu.memory_space<vmem>> -> memref<1x8x4x768xf32, #tpu.memory_space<vmem>>
    %dma_start3A_238 = tpu.memref_squeeze %dma_start3A_237 : memref<1x8x4x768xf32, #tpu.memory_space<vmem>> -> memref<8x4x768xf32, #tpu.memory_space<vmem>>
    %dma_start3A_239 = arith.constant 0 : i32
    %dma_start3A_240 = arith.constant 0 : i32
    %dma_start3A_241 = tpu.memref_slice %arg4[%add3A_232, %dma_start3A_239, %dma_start3A_240] : memref<4096x4x768xf32, #tpu.memory_space<hbm>> -> memref<8x4x768xf32, #tpu.memory_space<hbm>>
    %dma_start3A_242 = arith.constant 0 : i32
    %dma_start3A_243 = arith.constant 0 : i32
    %dma_start3A_244 = tpu.memref_slice %arg4[%add3A_232, %dma_start3A_242, %dma_start3A_243] : memref<4096x4x768xf32, #tpu.memory_space<hbm>> -> memref<8x4x768xf32, #tpu.memory_space<hbm>>
    %dma_start3A_245 = arith.constant 0 : i32
    %dma_start3A_246 = arith.constant 0 : i32
    %dma_start3A_247 = arith.constant 0 : i32
    %dma_start3A_248 = tpu.memref_slice %arg7[%dma_start3A_233, %dma_start3A_245, %dma_start3A_246, %dma_start3A_247] : memref<2x8x8x768xf32, #tpu.memory_space<vmem>> -> memref<1x8x4x768xf32, #tpu.memory_space<vmem>>
    %dma_start3A_249 = tpu.memref_squeeze %dma_start3A_248 : memref<1x8x4x768xf32, #tpu.memory_space<vmem>> -> memref<8x4x768xf32, #tpu.memory_space<vmem>>
    tpu.enqueue_dma source(%dma_start3A_249 : memref<8x4x768xf32, #tpu.memory_space<vmem>>) target(%dma_start3A_244 : memref<8x4x768xf32, #tpu.memory_space<hbm>>) target_semaphore(%arg10 : memref<!tpu.dma_semaphore, #tpu.memory_space<semaphore_mem>>)
    %dma_start3A_250 = arith.constant 0 : i32
    %dma_start3A_251 = arith.constant 0 : i32
    %dma_start3A_252 = arith.constant 4 : i32
    %dma_start3A_253 = arith.constant 0 : i32
    %dma_start3A_254 = tpu.memref_slice %arg7[%dma_start3A_250, %dma_start3A_251, %dma_start3A_252, %dma_start3A_253] : memref<2x8x8x768xf32, #tpu.memory_space<vmem>> -> memref<1x8x4x768xf32, #tpu.memory_space<vmem>>
    %dma_start3A_255 = tpu.memref_squeeze %dma_start3A_254 : memref<1x8x4x768xf32, #tpu.memory_space<vmem>> -> memref<8x4x768xf32, #tpu.memory_space<vmem>>
    %dma_start3A_256 = arith.constant 0 : i32
    %dma_start3A_257 = arith.constant 0 : i32
    %dma_start3A_258 = tpu.memref_slice %arg5[%add3A_232, %dma_start3A_256, %dma_start3A_257] : memref<4096x4x768xf32, #tpu.memory_space<hbm>> -> memref<8x4x768xf32, #tpu.memory_space<hbm>>
    %dma_start3A_259 = arith.constant 0 : i32
    %dma_start3A_260 = arith.constant 0 : i32
    %dma_start3A_261 = tpu.memref_slice %arg5[%add3A_232, %dma_start3A_259, %dma_start3A_260] : memref<4096x4x768xf32, #tpu.memory_space<hbm>> -> memref<8x4x768xf32, #tpu.memory_space<hbm>>
    %dma_start3A_262 = arith.constant 0 : i32
    %dma_start3A_263 = arith.constant 4 : i32
    %dma_start3A_264 = arith.constant 0 : i32
    %dma_start3A_265 = tpu.memref_slice %arg7[%dma_start3A_250, %dma_start3A_262, %dma_start3A_263, %dma_start3A_264] : memref<2x8x8x768xf32, #tpu.memory_space<vmem>> -> memref<1x8x4x768xf32, #tpu.memory_space<vmem>>
    %dma_start3A_266 = tpu.memref_squeeze %dma_start3A_265 : memref<1x8x4x768xf32, #tpu.memory_space<vmem>> -> memref<8x4x768xf32, #tpu.memory_space<vmem>>
    tpu.enqueue_dma source(%dma_start3A_266 : memref<8x4x768xf32, #tpu.memory_space<vmem>>) target(%dma_start3A_261 : memref<8x4x768xf32, #tpu.memory_space<hbm>>) target_semaphore(%arg10 : memref<!tpu.dma_semaphore, #tpu.memory_space<semaphore_mem>>)
    %dma_wait3A_267 = arith.constant 0 : i32
    %dma_wait3A_268 = arith.constant 0 : i32
    %dma_wait3A_269 = arith.constant 0 : i32
    %dma_wait3A_270 = arith.constant 0 : i32
    %dma_wait3A_271 = tpu.memref_slice %arg7[%dma_wait3A_267, %dma_wait3A_268, %dma_wait3A_269, %dma_wait3A_270] : memref<2x8x8x768xf32, #tpu.memory_space<vmem>> -> memref<1x8x4x768xf32, #tpu.memory_space<vmem>>
    %dma_wait3A_272 = tpu.memref_squeeze %dma_wait3A_271 : memref<1x8x4x768xf32, #tpu.memory_space<vmem>> -> memref<8x4x768xf32, #tpu.memory_space<vmem>>
    %dma_wait3A_273 = arith.constant 0 : i32
    %dma_wait3A_274 = arith.constant 0 : i32
    %dma_wait3A_275 = tpu.memref_slice %arg4[%add3A_232, %dma_wait3A_273, %dma_wait3A_274] : memref<4096x4x768xf32, #tpu.memory_space<hbm>> -> memref<8x4x768xf32, #tpu.memory_space<hbm>>
    %dma_wait3A_276 = arith.constant 0 : i32
    %dma_wait3A_277 = arith.constant 0 : i32
    %dma_wait3A_278 = tpu.memref_slice %arg4[%add3A_232, %dma_wait3A_276, %dma_wait3A_277] : memref<4096x4x768xf32, #tpu.memory_space<hbm>> -> memref<8x4x768xf32, #tpu.memory_space<hbm>>
    %dma_wait3A_279 = arith.constant 0 : i32
    %dma_wait3A_280 = arith.constant 0 : i32
    %dma_wait3A_281 = arith.constant 0 : i32
    %dma_wait3A_282 = tpu.memref_slice %arg7[%dma_wait3A_267, %dma_wait3A_279, %dma_wait3A_280, %dma_wait3A_281] : memref<2x8x8x768xf32, #tpu.memory_space<vmem>> -> memref<1x8x4x768xf32, #tpu.memory_space<vmem>>
    %dma_wait3A_283 = tpu.memref_squeeze %dma_wait3A_282 : memref<1x8x4x768xf32, #tpu.memory_space<vmem>> -> memref<8x4x768xf32, #tpu.memory_space<vmem>>
    tpu.wait_dma2 semaphore(%arg10 : memref<!tpu.dma_semaphore, #tpu.memory_space<semaphore_mem>>) src(%dma_wait3A_283 : memref<8x4x768xf32, #tpu.memory_space<vmem>>) dst(%dma_wait3A_278 : memref<8x4x768xf32, #tpu.memory_space<hbm>>)
    %dma_wait3A_284 = arith.constant 0 : i32
    %dma_wait3A_285 = arith.constant 0 : i32
    %dma_wait3A_286 = arith.constant 4 : i32
    %dma_wait3A_287 = arith.constant 0 : i32
    %dma_wait3A_288 = tpu.memref_slice %arg7[%dma_wait3A_284, %dma_wait3A_285, %dma_wait3A_286, %dma_wait3A_287] : memref<2x8x8x768xf32, #tpu.memory_space<vmem>> -> memref<1x8x4x768xf32, #tpu.memory_space<vmem>>
    %dma_wait3A_289 = tpu.memref_squeeze %dma_wait3A_288 : memref<1x8x4x768xf32, #tpu.memory_space<vmem>> -> memref<8x4x768xf32, #tpu.memory_space<vmem>>
    %dma_wait3A_290 = arith.constant 0 : i32
    %dma_wait3A_291 = arith.constant 0 : i32
    %dma_wait3A_292 = tpu.memref_slice %arg5[%add3A_232, %dma_wait3A_290, %dma_wait3A_291] : memref<4096x4x768xf32, #tpu.memory_space<hbm>> -> memref<8x4x768xf32, #tpu.memory_space<hbm>>
    %dma_wait3A_293 = arith.constant 0 : i32
    %dma_wait3A_294 = arith.constant 0 : i32
    %dma_wait3A_295 = tpu.memref_slice %arg5[%add3A_232, %dma_wait3A_293, %dma_wait3A_294] : memref<4096x4x768xf32, #tpu.memory_space<hbm>> -> memref<8x4x768xf32, #tpu.memory_space<hbm>>
    %dma_wait3A_296 = arith.constant 0 : i32
    %dma_wait3A_297 = arith.constant 4 : i32
    %dma_wait3A_298 = arith.constant 0 : i32
    %dma_wait3A_299 = tpu.memref_slice %arg7[%dma_wait3A_284, %dma_wait3A_296, %dma_wait3A_297, %dma_wait3A_298] : memref<2x8x8x768xf32, #tpu.memory_space<vmem>> -> memref<1x8x4x768xf32, #tpu.memory_space<vmem>>
    %dma_wait3A_300 = tpu.memref_squeeze %dma_wait3A_299 : memref<1x8x4x768xf32, #tpu.memory_space<vmem>> -> memref<8x4x768xf32, #tpu.memory_space<vmem>>
    tpu.wait_dma2 semaphore(%arg10 : memref<!tpu.dma_semaphore, #tpu.memory_space<semaphore_mem>>) src(%dma_wait3A_300 : memref<8x4x768xf32, #tpu.memory_space<vmem>>) dst(%dma_wait3A_295 : memref<8x4x768xf32, #tpu.memory_space<hbm>>)
    %dma_start3A_301 = arith.constant 0 : i32
    %dma_start3A_302 = arith.constant 0 : i32
    %dma_start3A_303 = arith.constant 0 : i32
    %dma_start3A_304 = arith.constant 0 : i32
    %dma_start3A_305 = tpu.memref_slice %arg7[%dma_start3A_301, %dma_start3A_302, %dma_start3A_303, %dma_start3A_304] : memref<2x8x8x768xf32, #tpu.memory_space<vmem>> -> memref<1x8x8x768xf32, #tpu.memory_space<vmem>>
    %dma_start3A_306 = tpu.memref_squeeze %dma_start3A_305 : memref<1x8x8x768xf32, #tpu.memory_space<vmem>> -> memref<8x8x768xf32, #tpu.memory_space<vmem>>
    %dma_start3A_307 = arith.constant 32 : i32
    %dma_start3A_308 = tpu.memref_slice %arg6[%dma_start3A_307] : memref<64xi32, #tpu.memory_space<vmem>> -> memref<8xi32, #tpu.memory_space<vmem>>
    %dma_start3A_309 = arith.constant 0 : i32
    %dma_start3A_310 = arith.constant 0 : i32
    %dma_start3A_311 = arith.constant 0 : i32
    %dma_start3A_312 = tpu.memref_slice %arg2[%dma_start3A_309, %dma_start3A_310, %dma_start3A_311] : memref<1000x8x768xf32, #tpu.memory_space<hbm>> -> memref<1000x8x768xf32, #tpu.memory_space<hbm>>
    tpu.enqueue_indirect_dma source(%dma_start3A_312 : memref<1000x8x768xf32, #tpu.memory_space<hbm>>) target(%dma_start3A_306 : memref<8x8x768xf32, #tpu.memory_space<vmem>>) offsets(%dma_start3A_308 : memref<8xi32, #tpu.memory_space<vmem>>) semaphore(%arg8 : memref<!tpu.dma_semaphore, #tpu.memory_space<semaphore_mem>>)
    %dma_wait3A_313 = arith.constant 1 : i32
    %dma_wait3A_314 = arith.constant 0 : i32
    %dma_wait3A_315 = arith.constant 0 : i32
    %dma_wait3A_316 = arith.constant 0 : i32
    %dma_wait3A_317 = tpu.memref_slice %arg7[%dma_wait3A_313, %dma_wait3A_314, %dma_wait3A_315, %dma_wait3A_316] : memref<2x8x8x768xf32, #tpu.memory_space<vmem>> -> memref<1x8x8x768xf32, #tpu.memory_space<vmem>>
    %dma_wait3A_318 = tpu.memref_squeeze %dma_wait3A_317 : memref<1x8x8x768xf32, #tpu.memory_space<vmem>> -> memref<8x8x768xf32, #tpu.memory_space<vmem>>
    %dma_wait3A_319 = arith.constant 24 : i32
    %dma_wait3A_320 = tpu.memref_slice %arg6[%dma_wait3A_319] : memref<64xi32, #tpu.memory_space<vmem>> -> memref<8xi32, #tpu.memory_space<vmem>>
    %dma_wait3A_321 = arith.constant 0 : i32
    %dma_wait3A_322 = arith.constant 0 : i32
    %dma_wait3A_323 = arith.constant 0 : i32
    %dma_wait3A_324 = tpu.memref_slice %arg2[%dma_wait3A_321, %dma_wait3A_322, %dma_wait3A_323] : memref<1000x8x768xf32, #tpu.memory_space<hbm>> -> memref<1000x8x768xf32, #tpu.memory_space<hbm>>
    tpu.wait_indirect_dma semaphore(%arg9 : memref<!tpu.dma_semaphore, #tpu.memory_space<semaphore_mem>>) src(%dma_wait3A_324 : memref<1000x8x768xf32, #tpu.memory_space<hbm>>) dst(%dma_wait3A_318 : memref<8x8x768xf32, #tpu.memory_space<vmem>>)
    %add3A_325 = arith.constant 0 : i32
    %add3A_326 = arith.addi %add3A_325, %mul3A_2 : i32
    %add3A_327 = arith.constant 24 : i32
    %add3A_328 = arith.addi %add3A_326, %add3A_327 : i32
    %dma_start3A_329 = arith.constant 1 : i32
    %dma_start3A_330 = arith.constant 0 : i32
    %dma_start3A_331 = arith.constant 0 : i32
    %dma_start3A_332 = arith.constant 0 : i32
    %dma_start3A_333 = tpu.memref_slice %arg7[%dma_start3A_329, %dma_start3A_330, %dma_start3A_331, %dma_start3A_332] : memref<2x8x8x768xf32, #tpu.memory_space<vmem>> -> memref<1x8x4x768xf32, #tpu.memory_space<vmem>>
    %dma_start3A_334 = tpu.memref_squeeze %dma_start3A_333 : memref<1x8x4x768xf32, #tpu.memory_space<vmem>> -> memref<8x4x768xf32, #tpu.memory_space<vmem>>
    %dma_start3A_335 = arith.constant 0 : i32
    %dma_start3A_336 = arith.constant 0 : i32
    %dma_start3A_337 = tpu.memref_slice %arg4[%add3A_328, %dma_start3A_335, %dma_start3A_336] : memref<4096x4x768xf32, #tpu.memory_space<hbm>> -> memref<8x4x768xf32, #tpu.memory_space<hbm>>
    %dma_start3A_338 = arith.constant 0 : i32
    %dma_start3A_339 = arith.constant 0 : i32
    %dma_start3A_340 = tpu.memref_slice %arg4[%add3A_328, %dma_start3A_338, %dma_start3A_339] : memref<4096x4x768xf32, #tpu.memory_space<hbm>> -> memref<8x4x768xf32, #tpu.memory_space<hbm>>
    %dma_start3A_341 = arith.constant 0 : i32
    %dma_start3A_342 = arith.constant 0 : i32
    %dma_start3A_343 = arith.constant 0 : i32
    %dma_start3A_344 = tpu.memref_slice %arg7[%dma_start3A_329, %dma_start3A_341, %dma_start3A_342, %dma_start3A_343] : memref<2x8x8x768xf32, #tpu.memory_space<vmem>> -> memref<1x8x4x768xf32, #tpu.memory_space<vmem>>
    %dma_start3A_345 = tpu.memref_squeeze %dma_start3A_344 : memref<1x8x4x768xf32, #tpu.memory_space<vmem>> -> memref<8x4x768xf32, #tpu.memory_space<vmem>>
    tpu.enqueue_dma source(%dma_start3A_345 : memref<8x4x768xf32, #tpu.memory_space<vmem>>) target(%dma_start3A_340 : memref<8x4x768xf32, #tpu.memory_space<hbm>>) target_semaphore(%arg11 : memref<!tpu.dma_semaphore, #tpu.memory_space<semaphore_mem>>)
    %dma_start3A_346 = arith.constant 1 : i32
    %dma_start3A_347 = arith.constant 0 : i32
    %dma_start3A_348 = arith.constant 4 : i32
    %dma_start3A_349 = arith.constant 0 : i32
    %dma_start3A_350 = tpu.memref_slice %arg7[%dma_start3A_346, %dma_start3A_347, %dma_start3A_348, %dma_start3A_349] : memref<2x8x8x768xf32, #tpu.memory_space<vmem>> -> memref<1x8x4x768xf32, #tpu.memory_space<vmem>>
    %dma_start3A_351 = tpu.memref_squeeze %dma_start3A_350 : memref<1x8x4x768xf32, #tpu.memory_space<vmem>> -> memref<8x4x768xf32, #tpu.memory_space<vmem>>
    %dma_start3A_352 = arith.constant 0 : i32
    %dma_start3A_353 = arith.constant 0 : i32
    %dma_start3A_354 = tpu.memref_slice %arg5[%add3A_328, %dma_start3A_352, %dma_start3A_353] : memref<4096x4x768xf32, #tpu.memory_space<hbm>> -> memref<8x4x768xf32, #tpu.memory_space<hbm>>
    %dma_start3A_355 = arith.constant 0 : i32
    %dma_start3A_356 = arith.constant 0 : i32
    %dma_start3A_357 = tpu.memref_slice %arg5[%add3A_328, %dma_start3A_355, %dma_start3A_356] : memref<4096x4x768xf32, #tpu.memory_space<hbm>> -> memref<8x4x768xf32, #tpu.memory_space<hbm>>
    %dma_start3A_358 = arith.constant 0 : i32
    %dma_start3A_359 = arith.constant 4 : i32
    %dma_start3A_360 = arith.constant 0 : i32
    %dma_start3A_361 = tpu.memref_slice %arg7[%dma_start3A_346, %dma_start3A_358, %dma_start3A_359, %dma_start3A_360] : memref<2x8x8x768xf32, #tpu.memory_space<vmem>> -> memref<1x8x4x768xf32, #tpu.memory_space<vmem>>
    %dma_start3A_362 = tpu.memref_squeeze %dma_start3A_361 : memref<1x8x4x768xf32, #tpu.memory_space<vmem>> -> memref<8x4x768xf32, #tpu.memory_space<vmem>>
    tpu.enqueue_dma source(%dma_start3A_362 : memref<8x4x768xf32, #tpu.memory_space<vmem>>) target(%dma_start3A_357 : memref<8x4x768xf32, #tpu.memory_space<hbm>>) target_semaphore(%arg11 : memref<!tpu.dma_semaphore, #tpu.memory_space<semaphore_mem>>)
    %dma_wait3A_363 = arith.constant 1 : i32
    %dma_wait3A_364 = arith.constant 0 : i32
    %dma_wait3A_365 = arith.constant 0 : i32
    %dma_wait3A_366 = arith.constant 0 : i32
    %dma_wait3A_367 = tpu.memref_slice %arg7[%dma_wait3A_363, %dma_wait3A_364, %dma_wait3A_365, %dma_wait3A_366] : memref<2x8x8x768xf32, #tpu.memory_space<vmem>> -> memref<1x8x4x768xf32, #tpu.memory_space<vmem>>
    %dma_wait3A_368 = tpu.memref_squeeze %dma_wait3A_367 : memref<1x8x4x768xf32, #tpu.memory_space<vmem>> -> memref<8x4x768xf32, #tpu.memory_space<vmem>>
    %dma_wait3A_369 = arith.constant 0 : i32
    %dma_wait3A_370 = arith.constant 0 : i32
    %dma_wait3A_371 = tpu.memref_slice %arg4[%add3A_328, %dma_wait3A_369, %dma_wait3A_370] : memref<4096x4x768xf32, #tpu.memory_space<hbm>> -> memref<8x4x768xf32, #tpu.memory_space<hbm>>
    %dma_wait3A_372 = arith.constant 0 : i32
    %dma_wait3A_373 = arith.constant 0 : i32
    %dma_wait3A_374 = tpu.memref_slice %arg4[%add3A_328, %dma_wait3A_372, %dma_wait3A_373] : memref<4096x4x768xf32, #tpu.memory_space<hbm>> -> memref<8x4x768xf32, #tpu.memory_space<hbm>>
    %dma_wait3A_375 = arith.constant 0 : i32
    %dma_wait3A_376 = arith.constant 0 : i32
    %dma_wait3A_377 = arith.constant 0 : i32
    %dma_wait3A_378 = tpu.memref_slice %arg7[%dma_wait3A_363, %dma_wait3A_375, %dma_wait3A_376, %dma_wait3A_377] : memref<2x8x8x768xf32, #tpu.memory_space<vmem>> -> memref<1x8x4x768xf32, #tpu.memory_space<vmem>>
    %dma_wait3A_379 = tpu.memref_squeeze %dma_wait3A_378 : memref<1x8x4x768xf32, #tpu.memory_space<vmem>> -> memref<8x4x768xf32, #tpu.memory_space<vmem>>
    tpu.wait_dma2 semaphore(%arg11 : memref<!tpu.dma_semaphore, #tpu.memory_space<semaphore_mem>>) src(%dma_wait3A_379 : memref<8x4x768xf32, #tpu.memory_space<vmem>>) dst(%dma_wait3A_374 : memref<8x4x768xf32, #tpu.memory_space<hbm>>)
    %dma_wait3A_380 = arith.constant 1 : i32
    %dma_wait3A_381 = arith.constant 0 : i32
    %dma_wait3A_382 = arith.constant 4 : i32
    %dma_wait3A_383 = arith.constant 0 : i32
    %dma_wait3A_384 = tpu.memref_slice %arg7[%dma_wait3A_380, %dma_wait3A_381, %dma_wait3A_382, %dma_wait3A_383] : memref<2x8x8x768xf32, #tpu.memory_space<vmem>> -> memref<1x8x4x768xf32, #tpu.memory_space<vmem>>
    %dma_wait3A_385 = tpu.memref_squeeze %dma_wait3A_384 : memref<1x8x4x768xf32, #tpu.memory_space<vmem>> -> memref<8x4x768xf32, #tpu.memory_space<vmem>>
    %dma_wait3A_386 = arith.constant 0 : i32
    %dma_wait3A_387 = arith.constant 0 : i32
    %dma_wait3A_388 = tpu.memref_slice %arg5[%add3A_328, %dma_wait3A_386, %dma_wait3A_387] : memref<4096x4x768xf32, #tpu.memory_space<hbm>> -> memref<8x4x768xf32, #tpu.memory_space<hbm>>
    %dma_wait3A_389 = arith.constant 0 : i32
    %dma_wait3A_390 = arith.constant 0 : i32
    %dma_wait3A_391 = tpu.memref_slice %arg5[%add3A_328, %dma_wait3A_389, %dma_wait3A_390] : memref<4096x4x768xf32, #tpu.memory_space<hbm>> -> memref<8x4x768xf32, #tpu.memory_space<hbm>>
    %dma_wait3A_392 = arith.constant 0 : i32
    %dma_wait3A_393 = arith.constant 4 : i32
    %dma_wait3A_394 = arith.constant 0 : i32
    %dma_wait3A_395 = tpu.memref_slice %arg7[%dma_wait3A_380, %dma_wait3A_392, %dma_wait3A_393, %dma_wait3A_394] : memref<2x8x8x768xf32, #tpu.memory_space<vmem>> -> memref<1x8x4x768xf32, #tpu.memory_space<vmem>>
    %dma_wait3A_396 = tpu.memref_squeeze %dma_wait3A_395 : memref<1x8x4x768xf32, #tpu.memory_space<vmem>> -> memref<8x4x768xf32, #tpu.memory_space<vmem>>
    tpu.wait_dma2 semaphore(%arg11 : memref<!tpu.dma_semaphore, #tpu.memory_space<semaphore_mem>>) src(%dma_wait3A_396 : memref<8x4x768xf32, #tpu.memory_space<vmem>>) dst(%dma_wait3A_391 : memref<8x4x768xf32, #tpu.memory_space<hbm>>)
    %dma_start3A_397 = arith.constant 1 : i32
    %dma_start3A_398 = arith.constant 0 : i32
    %dma_start3A_399 = arith.constant 0 : i32
    %dma_start3A_400 = arith.constant 0 : i32
    %dma_start3A_401 = tpu.memref_slice %arg7[%dma_start3A_397, %dma_start3A_398, %dma_start3A_399, %dma_start3A_400] : memref<2x8x8x768xf32, #tpu.memory_space<vmem>> -> memref<1x8x8x768xf32, #tpu.memory_space<vmem>>
    %dma_start3A_402 = tpu.memref_squeeze %dma_start3A_401 : memref<1x8x8x768xf32, #tpu.memory_space<vmem>> -> memref<8x8x768xf32, #tpu.memory_space<vmem>>
    %dma_start3A_403 = arith.constant 40 : i32
    %dma_start3A_404 = tpu.memref_slice %arg6[%dma_start3A_403] : memref<64xi32, #tpu.memory_space<vmem>> -> memref<8xi32, #tpu.memory_space<vmem>>
    %dma_start3A_405 = arith.constant 0 : i32
    %dma_start3A_406 = arith.constant 0 : i32
    %dma_start3A_407 = arith.constant 0 : i32
    %dma_start3A_408 = tpu.memref_slice %arg2[%dma_start3A_405, %dma_start3A_406, %dma_start3A_407] : memref<1000x8x768xf32, #tpu.memory_space<hbm>> -> memref<1000x8x768xf32, #tpu.memory_space<hbm>>
    tpu.enqueue_indirect_dma source(%dma_start3A_408 : memref<1000x8x768xf32, #tpu.memory_space<hbm>>) target(%dma_start3A_402 : memref<8x8x768xf32, #tpu.memory_space<vmem>>) offsets(%dma_start3A_404 : memref<8xi32, #tpu.memory_space<vmem>>) semaphore(%arg9 : memref<!tpu.dma_semaphore, #tpu.memory_space<semaphore_mem>>)
    %dma_wait3A_409 = arith.constant 0 : i32
    %dma_wait3A_410 = arith.constant 0 : i32
    %dma_wait3A_411 = arith.constant 0 : i32
    %dma_wait3A_412 = arith.constant 0 : i32
    %dma_wait3A_413 = tpu.memref_slice %arg7[%dma_wait3A_409, %dma_wait3A_410, %dma_wait3A_411, %dma_wait3A_412] : memref<2x8x8x768xf32, #tpu.memory_space<vmem>> -> memref<1x8x8x768xf32, #tpu.memory_space<vmem>>
    %dma_wait3A_414 = tpu.memref_squeeze %dma_wait3A_413 : memref<1x8x8x768xf32, #tpu.memory_space<vmem>> -> memref<8x8x768xf32, #tpu.memory_space<vmem>>
    %dma_wait3A_415 = arith.constant 32 : i32
    %dma_wait3A_416 = tpu.memref_slice %arg6[%dma_wait3A_415] : memref<64xi32, #tpu.memory_space<vmem>> -> memref<8xi32, #tpu.memory_space<vmem>>
    %dma_wait3A_417 = arith.constant 0 : i32
    %dma_wait3A_418 = arith.constant 0 : i32
    %dma_wait3A_419 = arith.constant 0 : i32
    %dma_wait3A_420 = tpu.memref_slice %arg2[%dma_wait3A_417, %dma_wait3A_418, %dma_wait3A_419] : memref<1000x8x768xf32, #tpu.memory_space<hbm>> -> memref<1000x8x768xf32, #tpu.memory_space<hbm>>
    tpu.wait_indirect_dma semaphore(%arg8 : memref<!tpu.dma_semaphore, #tpu.memory_space<semaphore_mem>>) src(%dma_wait3A_420 : memref<1000x8x768xf32, #tpu.memory_space<hbm>>) dst(%dma_wait3A_414 : memref<8x8x768xf32, #tpu.memory_space<vmem>>)
    %add3A_421 = arith.constant 0 : i32
    %add3A_422 = arith.addi %add3A_421, %mul3A_2 : i32
    %add3A_423 = arith.constant 32 : i32
    %add3A_424 = arith.addi %add3A_422, %add3A_423 : i32
    %dma_start3A_425 = arith.constant 0 : i32
    %dma_start3A_426 = arith.constant 0 : i32
    %dma_start3A_427 = arith.constant 0 : i32
    %dma_start3A_428 = arith.constant 0 : i32
    %dma_start3A_429 = tpu.memref_slice %arg7[%dma_start3A_425, %dma_start3A_426, %dma_start3A_427, %dma_start3A_428] : memref<2x8x8x768xf32, #tpu.memory_space<vmem>> -> memref<1x8x4x768xf32, #tpu.memory_space<vmem>>
    %dma_start3A_430 = tpu.memref_squeeze %dma_start3A_429 : memref<1x8x4x768xf32, #tpu.memory_space<vmem>> -> memref<8x4x768xf32, #tpu.memory_space<vmem>>
    %dma_start3A_431 = arith.constant 0 : i32
    %dma_start3A_432 = arith.constant 0 : i32
    %dma_start3A_433 = tpu.memref_slice %arg4[%add3A_424, %dma_start3A_431, %dma_start3A_432] : memref<4096x4x768xf32, #tpu.memory_space<hbm>> -> memref<8x4x768xf32, #tpu.memory_space<hbm>>
    %dma_start3A_434 = arith.constant 0 : i32
    %dma_start3A_435 = arith.constant 0 : i32
    %dma_start3A_436 = tpu.memref_slice %arg4[%add3A_424, %dma_start3A_434, %dma_start3A_435] : memref<4096x4x768xf32, #tpu.memory_space<hbm>> -> memref<8x4x768xf32, #tpu.memory_space<hbm>>
    %dma_start3A_437 = arith.constant 0 : i32
    %dma_start3A_438 = arith.constant 0 : i32
    %dma_start3A_439 = arith.constant 0 : i32
    %dma_start3A_440 = tpu.memref_slice %arg7[%dma_start3A_425, %dma_start3A_437, %dma_start3A_438, %dma_start3A_439] : memref<2x8x8x768xf32, #tpu.memory_space<vmem>> -> memref<1x8x4x768xf32, #tpu.memory_space<vmem>>
    %dma_start3A_441 = tpu.memref_squeeze %dma_start3A_440 : memref<1x8x4x768xf32, #tpu.memory_space<vmem>> -> memref<8x4x768xf32, #tpu.memory_space<vmem>>
    tpu.enqueue_dma source(%dma_start3A_441 : memref<8x4x768xf32, #tpu.memory_space<vmem>>) target(%dma_start3A_436 : memref<8x4x768xf32, #tpu.memory_space<hbm>>) target_semaphore(%arg10 : memref<!tpu.dma_semaphore, #tpu.memory_space<semaphore_mem>>)
    %dma_start3A_442 = arith.constant 0 : i32
    %dma_start3A_443 = arith.constant 0 : i32
    %dma_start3A_444 = arith.constant 4 : i32
    %dma_start3A_445 = arith.constant 0 : i32
    %dma_start3A_446 = tpu.memref_slice %arg7[%dma_start3A_442, %dma_start3A_443, %dma_start3A_444, %dma_start3A_445] : memref<2x8x8x768xf32, #tpu.memory_space<vmem>> -> memref<1x8x4x768xf32, #tpu.memory_space<vmem>>
    %dma_start3A_447 = tpu.memref_squeeze %dma_start3A_446 : memref<1x8x4x768xf32, #tpu.memory_space<vmem>> -> memref<8x4x768xf32, #tpu.memory_space<vmem>>
    %dma_start3A_448 = arith.constant 0 : i32
    %dma_start3A_449 = arith.constant 0 : i32
    %dma_start3A_450 = tpu.memref_slice %arg5[%add3A_424, %dma_start3A_448, %dma_start3A_449] : memref<4096x4x768xf32, #tpu.memory_space<hbm>> -> memref<8x4x768xf32, #tpu.memory_space<hbm>>
    %dma_start3A_451 = arith.constant 0 : i32
    %dma_start3A_452 = arith.constant 0 : i32
    %dma_start3A_453 = tpu.memref_slice %arg5[%add3A_424, %dma_start3A_451, %dma_start3A_452] : memref<4096x4x768xf32, #tpu.memory_space<hbm>> -> memref<8x4x768xf32, #tpu.memory_space<hbm>>
    %dma_start3A_454 = arith.constant 0 : i32
    %dma_start3A_455 = arith.constant 4 : i32
    %dma_start3A_456 = arith.constant 0 : i32
    %dma_start3A_457 = tpu.memref_slice %arg7[%dma_start3A_442, %dma_start3A_454, %dma_start3A_455, %dma_start3A_456] : memref<2x8x8x768xf32, #tpu.memory_space<vmem>> -> memref<1x8x4x768xf32, #tpu.memory_space<vmem>>
    %dma_start3A_458 = tpu.memref_squeeze %dma_start3A_457 : memref<1x8x4x768xf32, #tpu.memory_space<vmem>> -> memref<8x4x768xf32, #tpu.memory_space<vmem>>
    tpu.enqueue_dma source(%dma_start3A_458 : memref<8x4x768xf32, #tpu.memory_space<vmem>>) target(%dma_start3A_453 : memref<8x4x768xf32, #tpu.memory_space<hbm>>) target_semaphore(%arg10 : memref<!tpu.dma_semaphore, #tpu.memory_space<semaphore_mem>>)
    %dma_wait3A_459 = arith.constant 0 : i32
    %dma_wait3A_460 = arith.constant 0 : i32
    %dma_wait3A_461 = arith.constant 0 : i32
    %dma_wait3A_462 = arith.constant 0 : i32
    %dma_wait3A_463 = tpu.memref_slice %arg7[%dma_wait3A_459, %dma_wait3A_460, %dma_wait3A_461, %dma_wait3A_462] : memref<2x8x8x768xf32, #tpu.memory_space<vmem>> -> memref<1x8x4x768xf32, #tpu.memory_space<vmem>>
    %dma_wait3A_464 = tpu.memref_squeeze %dma_wait3A_463 : memref<1x8x4x768xf32, #tpu.memory_space<vmem>> -> memref<8x4x768xf32, #tpu.memory_space<vmem>>
    %dma_wait3A_465 = arith.constant 0 : i32
    %dma_wait3A_466 = arith.constant 0 : i32
    %dma_wait3A_467 = tpu.memref_slice %arg4[%add3A_424, %dma_wait3A_465, %dma_wait3A_466] : memref<4096x4x768xf32, #tpu.memory_space<hbm>> -> memref<8x4x768xf32, #tpu.memory_space<hbm>>
    %dma_wait3A_468 = arith.constant 0 : i32
    %dma_wait3A_469 = arith.constant 0 : i32
    %dma_wait3A_470 = tpu.memref_slice %arg4[%add3A_424, %dma_wait3A_468, %dma_wait3A_469] : memref<4096x4x768xf32, #tpu.memory_space<hbm>> -> memref<8x4x768xf32, #tpu.memory_space<hbm>>
    %dma_wait3A_471 = arith.constant 0 : i32
    %dma_wait3A_472 = arith.constant 0 : i32
    %dma_wait3A_473 = arith.constant 0 : i32
    %dma_wait3A_474 = tpu.memref_slice %arg7[%dma_wait3A_459, %dma_wait3A_471, %dma_wait3A_472, %dma_wait3A_473] : memref<2x8x8x768xf32, #tpu.memory_space<vmem>> -> memref<1x8x4x768xf32, #tpu.memory_space<vmem>>
    %dma_wait3A_475 = tpu.memref_squeeze %dma_wait3A_474 : memref<1x8x4x768xf32, #tpu.memory_space<vmem>> -> memref<8x4x768xf32, #tpu.memory_space<vmem>>
    tpu.wait_dma2 semaphore(%arg10 : memref<!tpu.dma_semaphore, #tpu.memory_space<semaphore_mem>>) src(%dma_wait3A_475 : memref<8x4x768xf32, #tpu.memory_space<vmem>>) dst(%dma_wait3A_470 : memref<8x4x768xf32, #tpu.memory_space<hbm>>)
    %dma_wait3A_476 = arith.constant 0 : i32
    %dma_wait3A_477 = arith.constant 0 : i32
    %dma_wait3A_478 = arith.constant 4 : i32
    %dma_wait3A_479 = arith.constant 0 : i32
    %dma_wait3A_480 = tpu.memref_slice %arg7[%dma_wait3A_476, %dma_wait3A_477, %dma_wait3A_478, %dma_wait3A_479] : memref<2x8x8x768xf32, #tpu.memory_space<vmem>> -> memref<1x8x4x768xf32, #tpu.memory_space<vmem>>
    %dma_wait3A_481 = tpu.memref_squeeze %dma_wait3A_480 : memref<1x8x4x768xf32, #tpu.memory_space<vmem>> -> memref<8x4x768xf32, #tpu.memory_space<vmem>>
    %dma_wait3A_482 = arith.constant 0 : i32
    %dma_wait3A_483 = arith.constant 0 : i32
    %dma_wait3A_484 = tpu.memref_slice %arg5[%add3A_424, %dma_wait3A_482, %dma_wait3A_483] : memref<4096x4x768xf32, #tpu.memory_space<hbm>> -> memref<8x4x768xf32, #tpu.memory_space<hbm>>
    %dma_wait3A_485 = arith.constant 0 : i32
    %dma_wait3A_486 = arith.constant 0 : i32
    %dma_wait3A_487 = tpu.memref_slice %arg5[%add3A_424, %dma_wait3A_485, %dma_wait3A_486] : memref<4096x4x768xf32, #tpu.memory_space<hbm>> -> memref<8x4x768xf32, #tpu.memory_space<hbm>>
    %dma_wait3A_488 = arith.constant 0 : i32
    %dma_wait3A_489 = arith.constant 4 : i32
    %dma_wait3A_490 = arith.constant 0 : i32
    %dma_wait3A_491 = tpu.memref_slice %arg7[%dma_wait3A_476, %dma_wait3A_488, %dma_wait3A_489, %dma_wait3A_490] : memref<2x8x8x768xf32, #tpu.memory_space<vmem>> -> memref<1x8x4x768xf32, #tpu.memory_space<vmem>>
    %dma_wait3A_492 = tpu.memref_squeeze %dma_wait3A_491 : memref<1x8x4x768xf32, #tpu.memory_space<vmem>> -> memref<8x4x768xf32, #tpu.memory_space<vmem>>
    tpu.wait_dma2 semaphore(%arg10 : memref<!tpu.dma_semaphore, #tpu.memory_space<semaphore_mem>>) src(%dma_wait3A_492 : memref<8x4x768xf32, #tpu.memory_space<vmem>>) dst(%dma_wait3A_487 : memref<8x4x768xf32, #tpu.memory_space<hbm>>)
    %dma_start3A_493 = arith.constant 0 : i32
    %dma_start3A_494 = arith.constant 0 : i32
    %dma_start3A_495 = arith.constant 0 : i32
    %dma_start3A_496 = arith.constant 0 : i32
    %dma_start3A_497 = tpu.memref_slice %arg7[%dma_start3A_493, %dma_start3A_494, %dma_start3A_495, %dma_start3A_496] : memref<2x8x8x768xf32, #tpu.memory_space<vmem>> -> memref<1x8x8x768xf32, #tpu.memory_space<vmem>>
    %dma_start3A_498 = tpu.memref_squeeze %dma_start3A_497 : memref<1x8x8x768xf32, #tpu.memory_space<vmem>> -> memref<8x8x768xf32, #tpu.memory_space<vmem>>
    %dma_start3A_499 = arith.constant 48 : i32
    %dma_start3A_500 = tpu.memref_slice %arg6[%dma_start3A_499] : memref<64xi32, #tpu.memory_space<vmem>> -> memref<8xi32, #tpu.memory_space<vmem>>
    %dma_start3A_501 = arith.constant 0 : i32
    %dma_start3A_502 = arith.constant 0 : i32
    %dma_start3A_503 = arith.constant 0 : i32
    %dma_start3A_504 = tpu.memref_slice %arg2[%dma_start3A_501, %dma_start3A_502, %dma_start3A_503] : memref<1000x8x768xf32, #tpu.memory_space<hbm>> -> memref<1000x8x768xf32, #tpu.memory_space<hbm>>
    tpu.enqueue_indirect_dma source(%dma_start3A_504 : memref<1000x8x768xf32, #tpu.memory_space<hbm>>) target(%dma_start3A_498 : memref<8x8x768xf32, #tpu.memory_space<vmem>>) offsets(%dma_start3A_500 : memref<8xi32, #tpu.memory_space<vmem>>) semaphore(%arg8 : memref<!tpu.dma_semaphore, #tpu.memory_space<semaphore_mem>>)
    %dma_wait3A_505 = arith.constant 1 : i32
    %dma_wait3A_506 = arith.constant 0 : i32
    %dma_wait3A_507 = arith.constant 0 : i32
    %dma_wait3A_508 = arith.constant 0 : i32
    %dma_wait3A_509 = tpu.memref_slice %arg7[%dma_wait3A_505, %dma_wait3A_506, %dma_wait3A_507, %dma_wait3A_508] : memref<2x8x8x768xf32, #tpu.memory_space<vmem>> -> memref<1x8x8x768xf32, #tpu.memory_space<vmem>>
    %dma_wait3A_510 = tpu.memref_squeeze %dma_wait3A_509 : memref<1x8x8x768xf32, #tpu.memory_space<vmem>> -> memref<8x8x768xf32, #tpu.memory_space<vmem>>
    %dma_wait3A_511 = arith.constant 40 : i32
    %dma_wait3A_512 = tpu.memref_slice %arg6[%dma_wait3A_511] : memref<64xi32, #tpu.memory_space<vmem>> -> memref<8xi32, #tpu.memory_space<vmem>>
    %dma_wait3A_513 = arith.constant 0 : i32
    %dma_wait3A_514 = arith.constant 0 : i32
    %dma_wait3A_515 = arith.constant 0 : i32
    %dma_wait3A_516 = tpu.memref_slice %arg2[%dma_wait3A_513, %dma_wait3A_514, %dma_wait3A_515] : memref<1000x8x768xf32, #tpu.memory_space<hbm>> -> memref<1000x8x768xf32, #tpu.memory_space<hbm>>
    tpu.wait_indirect_dma semaphore(%arg9 : memref<!tpu.dma_semaphore, #tpu.memory_space<semaphore_mem>>) src(%dma_wait3A_516 : memref<1000x8x768xf32, #tpu.memory_space<hbm>>) dst(%dma_wait3A_510 : memref<8x8x768xf32, #tpu.memory_space<vmem>>)
    %add3A_517 = arith.constant 0 : i32
    %add3A_518 = arith.addi %add3A_517, %mul3A_2 : i32
    %add3A_519 = arith.constant 40 : i32
    %add3A_520 = arith.addi %add3A_518, %add3A_519 : i32
    %dma_start3A_521 = arith.constant 1 : i32
    %dma_start3A_522 = arith.constant 0 : i32
    %dma_start3A_523 = arith.constant 0 : i32
    %dma_start3A_524 = arith.constant 0 : i32
    %dma_start3A_525 = tpu.memref_slice %arg7[%dma_start3A_521, %dma_start3A_522, %dma_start3A_523, %dma_start3A_524] : memref<2x8x8x768xf32, #tpu.memory_space<vmem>> -> memref<1x8x4x768xf32, #tpu.memory_space<vmem>>
    %dma_start3A_526 = tpu.memref_squeeze %dma_start3A_525 : memref<1x8x4x768xf32, #tpu.memory_space<vmem>> -> memref<8x4x768xf32, #tpu.memory_space<vmem>>
    %dma_start3A_527 = arith.constant 0 : i32
    %dma_start3A_528 = arith.constant 0 : i32
    %dma_start3A_529 = tpu.memref_slice %arg4[%add3A_520, %dma_start3A_527, %dma_start3A_528] : memref<4096x4x768xf32, #tpu.memory_space<hbm>> -> memref<8x4x768xf32, #tpu.memory_space<hbm>>
    %dma_start3A_530 = arith.constant 0 : i32
    %dma_start3A_531 = arith.constant 0 : i32
    %dma_start3A_532 = tpu.memref_slice %arg4[%add3A_520, %dma_start3A_530, %dma_start3A_531] : memref<4096x4x768xf32, #tpu.memory_space<hbm>> -> memref<8x4x768xf32, #tpu.memory_space<hbm>>
    %dma_start3A_533 = arith.constant 0 : i32
    %dma_start3A_534 = arith.constant 0 : i32
    %dma_start3A_535 = arith.constant 0 : i32
    %dma_start3A_536 = tpu.memref_slice %arg7[%dma_start3A_521, %dma_start3A_533, %dma_start3A_534, %dma_start3A_535] : memref<2x8x8x768xf32, #tpu.memory_space<vmem>> -> memref<1x8x4x768xf32, #tpu.memory_space<vmem>>
    %dma_start3A_537 = tpu.memref_squeeze %dma_start3A_536 : memref<1x8x4x768xf32, #tpu.memory_space<vmem>> -> memref<8x4x768xf32, #tpu.memory_space<vmem>>
    tpu.enqueue_dma source(%dma_start3A_537 : memref<8x4x768xf32, #tpu.memory_space<vmem>>) target(%dma_start3A_532 : memref<8x4x768xf32, #tpu.memory_space<hbm>>) target_semaphore(%arg11 : memref<!tpu.dma_semaphore, #tpu.memory_space<semaphore_mem>>)
    %dma_start3A_538 = arith.constant 1 : i32
    %dma_start3A_539 = arith.constant 0 : i32
    %dma_start3A_540 = arith.constant 4 : i32
    %dma_start3A_541 = arith.constant 0 : i32
    %dma_start3A_542 = tpu.memref_slice %arg7[%dma_start3A_538, %dma_start3A_539, %dma_start3A_540, %dma_start3A_541] : memref<2x8x8x768xf32, #tpu.memory_space<vmem>> -> memref<1x8x4x768xf32, #tpu.memory_space<vmem>>
    %dma_start3A_543 = tpu.memref_squeeze %dma_start3A_542 : memref<1x8x4x768xf32, #tpu.memory_space<vmem>> -> memref<8x4x768xf32, #tpu.memory_space<vmem>>
    %dma_start3A_544 = arith.constant 0 : i32
    %dma_start3A_545 = arith.constant 0 : i32
    %dma_start3A_546 = tpu.memref_slice %arg5[%add3A_520, %dma_start3A_544, %dma_start3A_545] : memref<4096x4x768xf32, #tpu.memory_space<hbm>> -> memref<8x4x768xf32, #tpu.memory_space<hbm>>
    %dma_start3A_547 = arith.constant 0 : i32
    %dma_start3A_548 = arith.constant 0 : i32
    %dma_start3A_549 = tpu.memref_slice %arg5[%add3A_520, %dma_start3A_547, %dma_start3A_548] : memref<4096x4x768xf32, #tpu.memory_space<hbm>> -> memref<8x4x768xf32, #tpu.memory_space<hbm>>
    %dma_start3A_550 = arith.constant 0 : i32
    %dma_start3A_551 = arith.constant 4 : i32
    %dma_start3A_552 = arith.constant 0 : i32
    %dma_start3A_553 = tpu.memref_slice %arg7[%dma_start3A_538, %dma_start3A_550, %dma_start3A_551, %dma_start3A_552] : memref<2x8x8x768xf32, #tpu.memory_space<vmem>> -> memref<1x8x4x768xf32, #tpu.memory_space<vmem>>
    %dma_start3A_554 = tpu.memref_squeeze %dma_start3A_553 : memref<1x8x4x768xf32, #tpu.memory_space<vmem>> -> memref<8x4x768xf32, #tpu.memory_space<vmem>>
    tpu.enqueue_dma source(%dma_start3A_554 : memref<8x4x768xf32, #tpu.memory_space<vmem>>) target(%dma_start3A_549 : memref<8x4x768xf32, #tpu.memory_space<hbm>>) target_semaphore(%arg11 : memref<!tpu.dma_semaphore, #tpu.memory_space<semaphore_mem>>)
    %dma_wait3A_555 = arith.constant 1 : i32
    %dma_wait3A_556 = arith.constant 0 : i32
    %dma_wait3A_557 = arith.constant 0 : i32
    %dma_wait3A_558 = arith.constant 0 : i32
    %dma_wait3A_559 = tpu.memref_slice %arg7[%dma_wait3A_555, %dma_wait3A_556, %dma_wait3A_557, %dma_wait3A_558] : memref<2x8x8x768xf32, #tpu.memory_space<vmem>> -> memref<1x8x4x768xf32, #tpu.memory_space<vmem>>
    %dma_wait3A_560 = tpu.memref_squeeze %dma_wait3A_559 : memref<1x8x4x768xf32, #tpu.memory_space<vmem>> -> memref<8x4x768xf32, #tpu.memory_space<vmem>>
    %dma_wait3A_561 = arith.constant 0 : i32
    %dma_wait3A_562 = arith.constant 0 : i32
    %dma_wait3A_563 = tpu.memref_slice %arg4[%add3A_520, %dma_wait3A_561, %dma_wait3A_562] : memref<4096x4x768xf32, #tpu.memory_space<hbm>> -> memref<8x4x768xf32, #tpu.memory_space<hbm>>
    %dma_wait3A_564 = arith.constant 0 : i32
    %dma_wait3A_565 = arith.constant 0 : i32
    %dma_wait3A_566 = tpu.memref_slice %arg4[%add3A_520, %dma_wait3A_564, %dma_wait3A_565] : memref<4096x4x768xf32, #tpu.memory_space<hbm>> -> memref<8x4x768xf32, #tpu.memory_space<hbm>>
    %dma_wait3A_567 = arith.constant 0 : i32
    %dma_wait3A_568 = arith.constant 0 : i32
    %dma_wait3A_569 = arith.constant 0 : i32
    %dma_wait3A_570 = tpu.memref_slice %arg7[%dma_wait3A_555, %dma_wait3A_567, %dma_wait3A_568, %dma_wait3A_569] : memref<2x8x8x768xf32, #tpu.memory_space<vmem>> -> memref<1x8x4x768xf32, #tpu.memory_space<vmem>>
    %dma_wait3A_571 = tpu.memref_squeeze %dma_wait3A_570 : memref<1x8x4x768xf32, #tpu.memory_space<vmem>> -> memref<8x4x768xf32, #tpu.memory_space<vmem>>
    tpu.wait_dma2 semaphore(%arg11 : memref<!tpu.dma_semaphore, #tpu.memory_space<semaphore_mem>>) src(%dma_wait3A_571 : memref<8x4x768xf32, #tpu.memory_space<vmem>>) dst(%dma_wait3A_566 : memref<8x4x768xf32, #tpu.memory_space<hbm>>)
    %dma_wait3A_572 = arith.constant 1 : i32
    %dma_wait3A_573 = arith.constant 0 : i32
    %dma_wait3A_574 = arith.constant 4 : i32
    %dma_wait3A_575 = arith.constant 0 : i32
    %dma_wait3A_576 = tpu.memref_slice %arg7[%dma_wait3A_572, %dma_wait3A_573, %dma_wait3A_574, %dma_wait3A_575] : memref<2x8x8x768xf32, #tpu.memory_space<vmem>> -> memref<1x8x4x768xf32, #tpu.memory_space<vmem>>
    %dma_wait3A_577 = tpu.memref_squeeze %dma_wait3A_576 : memref<1x8x4x768xf32, #tpu.memory_space<vmem>> -> memref<8x4x768xf32, #tpu.memory_space<vmem>>
    %dma_wait3A_578 = arith.constant 0 : i32
    %dma_wait3A_579 = arith.constant 0 : i32
    %dma_wait3A_580 = tpu.memref_slice %arg5[%add3A_520, %dma_wait3A_578, %dma_wait3A_579] : memref<4096x4x768xf32, #tpu.memory_space<hbm>> -> memref<8x4x768xf32, #tpu.memory_space<hbm>>
    %dma_wait3A_581 = arith.constant 0 : i32
    %dma_wait3A_582 = arith.constant 0 : i32
    %dma_wait3A_583 = tpu.memref_slice %arg5[%add3A_520, %dma_wait3A_581, %dma_wait3A_582] : memref<4096x4x768xf32, #tpu.memory_space<hbm>> -> memref<8x4x768xf32, #tpu.memory_space<hbm>>
    %dma_wait3A_584 = arith.constant 0 : i32
    %dma_wait3A_585 = arith.constant 4 : i32
    %dma_wait3A_586 = arith.constant 0 : i32
    %dma_wait3A_587 = tpu.memref_slice %arg7[%dma_wait3A_572, %dma_wait3A_584, %dma_wait3A_585, %dma_wait3A_586] : memref<2x8x8x768xf32, #tpu.memory_space<vmem>> -> memref<1x8x4x768xf32, #tpu.memory_space<vmem>>
    %dma_wait3A_588 = tpu.memref_squeeze %dma_wait3A_587 : memref<1x8x4x768xf32, #tpu.memory_space<vmem>> -> memref<8x4x768xf32, #tpu.memory_space<vmem>>
    tpu.wait_dma2 semaphore(%arg11 : memref<!tpu.dma_semaphore, #tpu.memory_space<semaphore_mem>>) src(%dma_wait3A_588 : memref<8x4x768xf32, #tpu.memory_space<vmem>>) dst(%dma_wait3A_583 : memref<8x4x768xf32, #tpu.memory_space<hbm>>)
    %dma_start3A_589 = arith.constant 1 : i32
    %dma_start3A_590 = arith.constant 0 : i32
    %dma_start3A_591 = arith.constant 0 : i32
    %dma_start3A_592 = arith.constant 0 : i32
    %dma_start3A_593 = tpu.memref_slice %arg7[%dma_start3A_589, %dma_start3A_590, %dma_start3A_591, %dma_start3A_592] : memref<2x8x8x768xf32, #tpu.memory_space<vmem>> -> memref<1x8x8x768xf32, #tpu.memory_space<vmem>>
    %dma_start3A_594 = tpu.memref_squeeze %dma_start3A_593 : memref<1x8x8x768xf32, #tpu.memory_space<vmem>> -> memref<8x8x768xf32, #tpu.memory_space<vmem>>
    %dma_start3A_595 = arith.constant 56 : i32
    %dma_start3A_596 = tpu.memref_slice %arg6[%dma_start3A_595] : memref<64xi32, #tpu.memory_space<vmem>> -> memref<8xi32, #tpu.memory_space<vmem>>
    %dma_start3A_597 = arith.constant 0 : i32
    %dma_start3A_598 = arith.constant 0 : i32
    %dma_start3A_599 = arith.constant 0 : i32
    %dma_start3A_600 = tpu.memref_slice %arg2[%dma_start3A_597, %dma_start3A_598, %dma_start3A_599] : memref<1000x8x768xf32, #tpu.memory_space<hbm>> -> memref<1000x8x768xf32, #tpu.memory_space<hbm>>
    tpu.enqueue_indirect_dma source(%dma_start3A_600 : memref<1000x8x768xf32, #tpu.memory_space<hbm>>) target(%dma_start3A_594 : memref<8x8x768xf32, #tpu.memory_space<vmem>>) offsets(%dma_start3A_596 : memref<8xi32, #tpu.memory_space<vmem>>) semaphore(%arg9 : memref<!tpu.dma_semaphore, #tpu.memory_space<semaphore_mem>>)
    %dma_wait3A_601 = arith.constant 0 : i32
    %dma_wait3A_602 = arith.constant 0 : i32
    %dma_wait3A_603 = arith.constant 0 : i32
    %dma_wait3A_604 = arith.constant 0 : i32
    %dma_wait3A_605 = tpu.memref_slice %arg7[%dma_wait3A_601, %dma_wait3A_602, %dma_wait3A_603, %dma_wait3A_604] : memref<2x8x8x768xf32, #tpu.memory_space<vmem>> -> memref<1x8x8x768xf32, #tpu.memory_space<vmem>>
    %dma_wait3A_606 = tpu.memref_squeeze %dma_wait3A_605 : memref<1x8x8x768xf32, #tpu.memory_space<vmem>> -> memref<8x8x768xf32, #tpu.memory_space<vmem>>
    %dma_wait3A_607 = arith.constant 48 : i32
    %dma_wait3A_608 = tpu.memref_slice %arg6[%dma_wait3A_607] : memref<64xi32, #tpu.memory_space<vmem>> -> memref<8xi32, #tpu.memory_space<vmem>>
    %dma_wait3A_609 = arith.constant 0 : i32
    %dma_wait3A_610 = arith.constant 0 : i32
    %dma_wait3A_611 = arith.constant 0 : i32
    %dma_wait3A_612 = tpu.memref_slice %arg2[%dma_wait3A_609, %dma_wait3A_610, %dma_wait3A_611] : memref<1000x8x768xf32, #tpu.memory_space<hbm>> -> memref<1000x8x768xf32, #tpu.memory_space<hbm>>
    tpu.wait_indirect_dma semaphore(%arg8 : memref<!tpu.dma_semaphore, #tpu.memory_space<semaphore_mem>>) src(%dma_wait3A_612 : memref<1000x8x768xf32, #tpu.memory_space<hbm>>) dst(%dma_wait3A_606 : memref<8x8x768xf32, #tpu.memory_space<vmem>>)
    %add3A_613 = arith.constant 0 : i32
    %add3A_614 = arith.addi %add3A_613, %mul3A_2 : i32
    %add3A_615 = arith.constant 48 : i32
    %add3A_616 = arith.addi %add3A_614, %add3A_615 : i32
    %dma_start3A_617 = arith.constant 0 : i32
    %dma_start3A_618 = arith.constant 0 : i32
    %dma_start3A_619 = arith.constant 0 : i32
    %dma_start3A_620 = arith.constant 0 : i32
    %dma_start3A_621 = tpu.memref_slice %arg7[%dma_start3A_617, %dma_start3A_618, %dma_start3A_619, %dma_start3A_620] : memref<2x8x8x768xf32, #tpu.memory_space<vmem>> -> memref<1x8x4x768xf32, #tpu.memory_space<vmem>>
    %dma_start3A_622 = tpu.memref_squeeze %dma_start3A_621 : memref<1x8x4x768xf32, #tpu.memory_space<vmem>> -> memref<8x4x768xf32, #tpu.memory_space<vmem>>
    %dma_start3A_623 = arith.constant 0 : i32
    %dma_start3A_624 = arith.constant 0 : i32
    %dma_start3A_625 = tpu.memref_slice %arg4[%add3A_616, %dma_start3A_623, %dma_start3A_624] : memref<4096x4x768xf32, #tpu.memory_space<hbm>> -> memref<8x4x768xf32, #tpu.memory_space<hbm>>
    %dma_start3A_626 = arith.constant 0 : i32
    %dma_start3A_627 = arith.constant 0 : i32
    %dma_start3A_628 = tpu.memref_slice %arg4[%add3A_616, %dma_start3A_626, %dma_start3A_627] : memref<4096x4x768xf32, #tpu.memory_space<hbm>> -> memref<8x4x768xf32, #tpu.memory_space<hbm>>
    %dma_start3A_629 = arith.constant 0 : i32
    %dma_start3A_630 = arith.constant 0 : i32
    %dma_start3A_631 = arith.constant 0 : i32
    %dma_start3A_632 = tpu.memref_slice %arg7[%dma_start3A_617, %dma_start3A_629, %dma_start3A_630, %dma_start3A_631] : memref<2x8x8x768xf32, #tpu.memory_space<vmem>> -> memref<1x8x4x768xf32, #tpu.memory_space<vmem>>
    %dma_start3A_633 = tpu.memref_squeeze %dma_start3A_632 : memref<1x8x4x768xf32, #tpu.memory_space<vmem>> -> memref<8x4x768xf32, #tpu.memory_space<vmem>>
    tpu.enqueue_dma source(%dma_start3A_633 : memref<8x4x768xf32, #tpu.memory_space<vmem>>) target(%dma_start3A_628 : memref<8x4x768xf32, #tpu.memory_space<hbm>>) target_semaphore(%arg10 : memref<!tpu.dma_semaphore, #tpu.memory_space<semaphore_mem>>)
    %dma_start3A_634 = arith.constant 0 : i32
    %dma_start3A_635 = arith.constant 0 : i32
    %dma_start3A_636 = arith.constant 4 : i32
    %dma_start3A_637 = arith.constant 0 : i32
    %dma_start3A_638 = tpu.memref_slice %arg7[%dma_start3A_634, %dma_start3A_635, %dma_start3A_636, %dma_start3A_637] : memref<2x8x8x768xf32, #tpu.memory_space<vmem>> -> memref<1x8x4x768xf32, #tpu.memory_space<vmem>>
    %dma_start3A_639 = tpu.memref_squeeze %dma_start3A_638 : memref<1x8x4x768xf32, #tpu.memory_space<vmem>> -> memref<8x4x768xf32, #tpu.memory_space<vmem>>
    %dma_start3A_640 = arith.constant 0 : i32
    %dma_start3A_641 = arith.constant 0 : i32
    %dma_start3A_642 = tpu.memref_slice %arg5[%add3A_616, %dma_start3A_640, %dma_start3A_641] : memref<4096x4x768xf32, #tpu.memory_space<hbm>> -> memref<8x4x768xf32, #tpu.memory_space<hbm>>
    %dma_start3A_643 = arith.constant 0 : i32
    %dma_start3A_644 = arith.constant 0 : i32
    %dma_start3A_645 = tpu.memref_slice %arg5[%add3A_616, %dma_start3A_643, %dma_start3A_644] : memref<4096x4x768xf32, #tpu.memory_space<hbm>> -> memref<8x4x768xf32, #tpu.memory_space<hbm>>
    %dma_start3A_646 = arith.constant 0 : i32
    %dma_start3A_647 = arith.constant 4 : i32
    %dma_start3A_648 = arith.constant 0 : i32
    %dma_start3A_649 = tpu.memref_slice %arg7[%dma_start3A_634, %dma_start3A_646, %dma_start3A_647, %dma_start3A_648] : memref<2x8x8x768xf32, #tpu.memory_space<vmem>> -> memref<1x8x4x768xf32, #tpu.memory_space<vmem>>
    %dma_start3A_650 = tpu.memref_squeeze %dma_start3A_649 : memref<1x8x4x768xf32, #tpu.memory_space<vmem>> -> memref<8x4x768xf32, #tpu.memory_space<vmem>>
    tpu.enqueue_dma source(%dma_start3A_650 : memref<8x4x768xf32, #tpu.memory_space<vmem>>) target(%dma_start3A_645 : memref<8x4x768xf32, #tpu.memory_space<hbm>>) target_semaphore(%arg10 : memref<!tpu.dma_semaphore, #tpu.memory_space<semaphore_mem>>)
    %dma_wait3A_651 = arith.constant 1 : i32
    %dma_wait3A_652 = arith.constant 0 : i32
    %dma_wait3A_653 = arith.constant 0 : i32
    %dma_wait3A_654 = arith.constant 0 : i32
    %dma_wait3A_655 = tpu.memref_slice %arg7[%dma_wait3A_651, %dma_wait3A_652, %dma_wait3A_653, %dma_wait3A_654] : memref<2x8x8x768xf32, #tpu.memory_space<vmem>> -> memref<1x8x8x768xf32, #tpu.memory_space<vmem>>
    %dma_wait3A_656 = tpu.memref_squeeze %dma_wait3A_655 : memref<1x8x8x768xf32, #tpu.memory_space<vmem>> -> memref<8x8x768xf32, #tpu.memory_space<vmem>>
    %dma_wait3A_657 = arith.constant 56 : i32
    %dma_wait3A_658 = tpu.memref_slice %arg6[%dma_wait3A_657] : memref<64xi32, #tpu.memory_space<vmem>> -> memref<8xi32, #tpu.memory_space<vmem>>
    %dma_wait3A_659 = arith.constant 0 : i32
    %dma_wait3A_660 = arith.constant 0 : i32
    %dma_wait3A_661 = arith.constant 0 : i32
    %dma_wait3A_662 = tpu.memref_slice %arg2[%dma_wait3A_659, %dma_wait3A_660, %dma_wait3A_661] : memref<1000x8x768xf32, #tpu.memory_space<hbm>> -> memref<1000x8x768xf32, #tpu.memory_space<hbm>>
    tpu.wait_indirect_dma semaphore(%arg9 : memref<!tpu.dma_semaphore, #tpu.memory_space<semaphore_mem>>) src(%dma_wait3A_662 : memref<1000x8x768xf32, #tpu.memory_space<hbm>>) dst(%dma_wait3A_656 : memref<8x8x768xf32, #tpu.memory_space<vmem>>)
    %add3A_663 = arith.constant 0 : i32
    %add3A_664 = arith.addi %add3A_663, %mul3A_2 : i32
    %add3A_665 = arith.constant 56 : i32
    %add3A_666 = arith.addi %add3A_664, %add3A_665 : i32
    %dma_start3A_667 = arith.constant 1 : i32
    %dma_start3A_668 = arith.constant 0 : i32
    %dma_start3A_669 = arith.constant 0 : i32
    %dma_start3A_670 = arith.constant 0 : i32
    %dma_start3A_671 = tpu.memref_slice %arg7[%dma_start3A_667, %dma_start3A_668, %dma_start3A_669, %dma_start3A_670] : memref<2x8x8x768xf32, #tpu.memory_space<vmem>> -> memref<1x8x4x768xf32, #tpu.memory_space<vmem>>
    %dma_start3A_672 = tpu.memref_squeeze %dma_start3A_671 : memref<1x8x4x768xf32, #tpu.memory_space<vmem>> -> memref<8x4x768xf32, #tpu.memory_space<vmem>>
    %dma_start3A_673 = arith.constant 0 : i32
    %dma_start3A_674 = arith.constant 0 : i32
    %dma_start3A_675 = tpu.memref_slice %arg4[%add3A_666, %dma_start3A_673, %dma_start3A_674] : memref<4096x4x768xf32, #tpu.memory_space<hbm>> -> memref<8x4x768xf32, #tpu.memory_space<hbm>>
    %dma_start3A_676 = arith.constant 0 : i32
    %dma_start3A_677 = arith.constant 0 : i32
    %dma_start3A_678 = tpu.memref_slice %arg4[%add3A_666, %dma_start3A_676, %dma_start3A_677] : memref<4096x4x768xf32, #tpu.memory_space<hbm>> -> memref<8x4x768xf32, #tpu.memory_space<hbm>>
    %dma_start3A_679 = arith.constant 0 : i32
    %dma_start3A_680 = arith.constant 0 : i32
    %dma_start3A_681 = arith.constant 0 : i32
    %dma_start3A_682 = tpu.memref_slice %arg7[%dma_start3A_667, %dma_start3A_679, %dma_start3A_680, %dma_start3A_681] : memref<2x8x8x768xf32, #tpu.memory_space<vmem>> -> memref<1x8x4x768xf32, #tpu.memory_space<vmem>>
    %dma_start3A_683 = tpu.memref_squeeze %dma_start3A_682 : memref<1x8x4x768xf32, #tpu.memory_space<vmem>> -> memref<8x4x768xf32, #tpu.memory_space<vmem>>
    tpu.enqueue_dma source(%dma_start3A_683 : memref<8x4x768xf32, #tpu.memory_space<vmem>>) target(%dma_start3A_678 : memref<8x4x768xf32, #tpu.memory_space<hbm>>) target_semaphore(%arg11 : memref<!tpu.dma_semaphore, #tpu.memory_space<semaphore_mem>>)
    %dma_start3A_684 = arith.constant 1 : i32
    %dma_start3A_685 = arith.constant 0 : i32
    %dma_start3A_686 = arith.constant 4 : i32
    %dma_start3A_687 = arith.constant 0 : i32
    %dma_start3A_688 = tpu.memref_slice %arg7[%dma_start3A_684, %dma_start3A_685, %dma_start3A_686, %dma_start3A_687] : memref<2x8x8x768xf32, #tpu.memory_space<vmem>> -> memref<1x8x4x768xf32, #tpu.memory_space<vmem>>
    %dma_start3A_689 = tpu.memref_squeeze %dma_start3A_688 : memref<1x8x4x768xf32, #tpu.memory_space<vmem>> -> memref<8x4x768xf32, #tpu.memory_space<vmem>>
    %dma_start3A_690 = arith.constant 0 : i32
    %dma_start3A_691 = arith.constant 0 : i32
    %dma_start3A_692 = tpu.memref_slice %arg5[%add3A_666, %dma_start3A_690, %dma_start3A_691] : memref<4096x4x768xf32, #tpu.memory_space<hbm>> -> memref<8x4x768xf32, #tpu.memory_space<hbm>>
    %dma_start3A_693 = arith.constant 0 : i32
    %dma_start3A_694 = arith.constant 0 : i32
    %dma_start3A_695 = tpu.memref_slice %arg5[%add3A_666, %dma_start3A_693, %dma_start3A_694] : memref<4096x4x768xf32, #tpu.memory_space<hbm>> -> memref<8x4x768xf32, #tpu.memory_space<hbm>>
    %dma_start3A_696 = arith.constant 0 : i32
    %dma_start3A_697 = arith.constant 4 : i32
    %dma_start3A_698 = arith.constant 0 : i32
    %dma_start3A_699 = tpu.memref_slice %arg7[%dma_start3A_684, %dma_start3A_696, %dma_start3A_697, %dma_start3A_698] : memref<2x8x8x768xf32, #tpu.memory_space<vmem>> -> memref<1x8x4x768xf32, #tpu.memory_space<vmem>>
    %dma_start3A_700 = tpu.memref_squeeze %dma_start3A_699 : memref<1x8x4x768xf32, #tpu.memory_space<vmem>> -> memref<8x4x768xf32, #tpu.memory_space<vmem>>
    tpu.enqueue_dma source(%dma_start3A_700 : memref<8x4x768xf32, #tpu.memory_space<vmem>>) target(%dma_start3A_695 : memref<8x4x768xf32, #tpu.memory_space<hbm>>) target_semaphore(%arg11 : memref<!tpu.dma_semaphore, #tpu.memory_space<semaphore_mem>>)
    %dma_wait3A_701 = arith.constant 0 : i32
    %dma_wait3A_702 = arith.constant 0 : i32
    %dma_wait3A_703 = arith.constant 0 : i32
    %dma_wait3A_704 = arith.constant 0 : i32
    %dma_wait3A_705 = tpu.memref_slice %arg7[%dma_wait3A_701, %dma_wait3A_702, %dma_wait3A_703, %dma_wait3A_704] : memref<2x8x8x768xf32, #tpu.memory_space<vmem>> -> memref<1x8x4x768xf32, #tpu.memory_space<vmem>>
    %dma_wait3A_706 = tpu.memref_squeeze %dma_wait3A_705 : memref<1x8x4x768xf32, #tpu.memory_space<vmem>> -> memref<8x4x768xf32, #tpu.memory_space<vmem>>
    %dma_wait3A_707 = arith.constant 0 : i32
    %dma_wait3A_708 = arith.constant 0 : i32
    %dma_wait3A_709 = tpu.memref_slice %arg4[%add3A_616, %dma_wait3A_707, %dma_wait3A_708] : memref<4096x4x768xf32, #tpu.memory_space<hbm>> -> memref<8x4x768xf32, #tpu.memory_space<hbm>>
    %dma_wait3A_710 = arith.constant 0 : i32
    %dma_wait3A_711 = arith.constant 0 : i32
    %dma_wait3A_712 = tpu.memref_slice %arg4[%add3A_616, %dma_wait3A_710, %dma_wait3A_711] : memref<4096x4x768xf32, #tpu.memory_space<hbm>> -> memref<8x4x768xf32, #tpu.memory_space<hbm>>
    %dma_wait3A_713 = arith.constant 0 : i32
    %dma_wait3A_714 = arith.constant 0 : i32
    %dma_wait3A_715 = arith.constant 0 : i32
    %dma_wait3A_716 = tpu.memref_slice %arg7[%dma_wait3A_701, %dma_wait3A_713, %dma_wait3A_714, %dma_wait3A_715] : memref<2x8x8x768xf32, #tpu.memory_space<vmem>> -> memref<1x8x4x768xf32, #tpu.memory_space<vmem>>
    %dma_wait3A_717 = tpu.memref_squeeze %dma_wait3A_716 : memref<1x8x4x768xf32, #tpu.memory_space<vmem>> -> memref<8x4x768xf32, #tpu.memory_space<vmem>>
    tpu.wait_dma2 semaphore(%arg10 : memref<!tpu.dma_semaphore, #tpu.memory_space<semaphore_mem>>) src(%dma_wait3A_717 : memref<8x4x768xf32, #tpu.memory_space<vmem>>) dst(%dma_wait3A_712 : memref<8x4x768xf32, #tpu.memory_space<hbm>>)
    %dma_wait3A_718 = arith.constant 0 : i32
    %dma_wait3A_719 = arith.constant 0 : i32
    %dma_wait3A_720 = arith.constant 4 : i32
    %dma_wait3A_721 = arith.constant 0 : i32
    %dma_wait3A_722 = tpu.memref_slice %arg7[%dma_wait3A_718, %dma_wait3A_719, %dma_wait3A_720, %dma_wait3A_721] : memref<2x8x8x768xf32, #tpu.memory_space<vmem>> -> memref<1x8x4x768xf32, #tpu.memory_space<vmem>>
    %dma_wait3A_723 = tpu.memref_squeeze %dma_wait3A_722 : memref<1x8x4x768xf32, #tpu.memory_space<vmem>> -> memref<8x4x768xf32, #tpu.memory_space<vmem>>
    %dma_wait3A_724 = arith.constant 0 : i32
    %dma_wait3A_725 = arith.constant 0 : i32
    %dma_wait3A_726 = tpu.memref_slice %arg5[%add3A_616, %dma_wait3A_724, %dma_wait3A_725] : memref<4096x4x768xf32, #tpu.memory_space<hbm>> -> memref<8x4x768xf32, #tpu.memory_space<hbm>>
    %dma_wait3A_727 = arith.constant 0 : i32
    %dma_wait3A_728 = arith.constant 0 : i32
    %dma_wait3A_729 = tpu.memref_slice %arg5[%add3A_616, %dma_wait3A_727, %dma_wait3A_728] : memref<4096x4x768xf32, #tpu.memory_space<hbm>> -> memref<8x4x768xf32, #tpu.memory_space<hbm>>
    %dma_wait3A_730 = arith.constant 0 : i32
    %dma_wait3A_731 = arith.constant 4 : i32
    %dma_wait3A_732 = arith.constant 0 : i32
    %dma_wait3A_733 = tpu.memref_slice %arg7[%dma_wait3A_718, %dma_wait3A_730, %dma_wait3A_731, %dma_wait3A_732] : memref<2x8x8x768xf32, #tpu.memory_space<vmem>> -> memref<1x8x4x768xf32, #tpu.memory_space<vmem>>
    %dma_wait3A_734 = tpu.memref_squeeze %dma_wait3A_733 : memref<1x8x4x768xf32, #tpu.memory_space<vmem>> -> memref<8x4x768xf32, #tpu.memory_space<vmem>>
    tpu.wait_dma2 semaphore(%arg10 : memref<!tpu.dma_semaphore, #tpu.memory_space<semaphore_mem>>) src(%dma_wait3A_734 : memref<8x4x768xf32, #tpu.memory_space<vmem>>) dst(%dma_wait3A_729 : memref<8x4x768xf32, #tpu.memory_space<hbm>>)
    %dma_wait3A_735 = arith.constant 1 : i32
    %dma_wait3A_736 = arith.constant 0 : i32
    %dma_wait3A_737 = arith.constant 0 : i32
    %dma_wait3A_738 = arith.constant 0 : i32
    %dma_wait3A_739 = tpu.memref_slice %arg7[%dma_wait3A_735, %dma_wait3A_736, %dma_wait3A_737, %dma_wait3A_738] : memref<2x8x8x768xf32, #tpu.memory_space<vmem>> -> memref<1x8x4x768xf32, #tpu.memory_space<vmem>>
    %dma_wait3A_740 = tpu.memref_squeeze %dma_wait3A_739 : memref<1x8x4x768xf32, #tpu.memory_space<vmem>> -> memref<8x4x768xf32, #tpu.memory_space<vmem>>
    %dma_wait3A_741 = arith.constant 0 : i32
    %dma_wait3A_742 = arith.constant 0 : i32
    %dma_wait3A_743 = tpu.memref_slice %arg4[%add3A_666, %dma_wait3A_741, %dma_wait3A_742] : memref<4096x4x768xf32, #tpu.memory_space<hbm>> -> memref<8x4x768xf32, #tpu.memory_space<hbm>>
    %dma_wait3A_744 = arith.constant 0 : i32
    %dma_wait3A_745 = arith.constant 0 : i32
    %dma_wait3A_746 = tpu.memref_slice %arg4[%add3A_666, %dma_wait3A_744, %dma_wait3A_745] : memref<4096x4x768xf32, #tpu.memory_space<hbm>> -> memref<8x4x768xf32, #tpu.memory_space<hbm>>
    %dma_wait3A_747 = arith.constant 0 : i32
    %dma_wait3A_748 = arith.constant 0 : i32
    %dma_wait3A_749 = arith.constant 0 : i32
    %dma_wait3A_750 = tpu.memref_slice %arg7[%dma_wait3A_735, %dma_wait3A_747, %dma_wait3A_748, %dma_wait3A_749] : memref<2x8x8x768xf32, #tpu.memory_space<vmem>> -> memref<1x8x4x768xf32, #tpu.memory_space<vmem>>
    %dma_wait3A_751 = tpu.memref_squeeze %dma_wait3A_750 : memref<1x8x4x768xf32, #tpu.memory_space<vmem>> -> memref<8x4x768xf32, #tpu.memory_space<vmem>>
    tpu.wait_dma2 semaphore(%arg11 : memref<!tpu.dma_semaphore, #tpu.memory_space<semaphore_mem>>) src(%dma_wait3A_751 : memref<8x4x768xf32, #tpu.memory_space<vmem>>) dst(%dma_wait3A_746 : memref<8x4x768xf32, #tpu.memory_space<hbm>>)
    %dma_wait3A_752 = arith.constant 1 : i32
    %dma_wait3A_753 = arith.constant 0 : i32
    %dma_wait3A_754 = arith.constant 4 : i32
    %dma_wait3A_755 = arith.constant 0 : i32
    %dma_wait3A_756 = tpu.memref_slice %arg7[%dma_wait3A_752, %dma_wait3A_753, %dma_wait3A_754, %dma_wait3A_755] : memref<2x8x8x768xf32, #tpu.memory_space<vmem>> -> memref<1x8x4x768xf32, #tpu.memory_space<vmem>>
    %dma_wait3A_757 = tpu.memref_squeeze %dma_wait3A_756 : memref<1x8x4x768xf32, #tpu.memory_space<vmem>> -> memref<8x4x768xf32, #tpu.memory_space<vmem>>
    %dma_wait3A_758 = arith.constant 0 : i32
    %dma_wait3A_759 = arith.constant 0 : i32
    %dma_wait3A_760 = tpu.memref_slice %arg5[%add3A_666, %dma_wait3A_758, %dma_wait3A_759] : memref<4096x4x768xf32, #tpu.memory_space<hbm>> -> memref<8x4x768xf32, #tpu.memory_space<hbm>>
    %dma_wait3A_761 = arith.constant 0 : i32
    %dma_wait3A_762 = arith.constant 0 : i32
    %dma_wait3A_763 = tpu.memref_slice %arg5[%add3A_666, %dma_wait3A_761, %dma_wait3A_762] : memref<4096x4x768xf32, #tpu.memory_space<hbm>> -> memref<8x4x768xf32, #tpu.memory_space<hbm>>
    %dma_wait3A_764 = arith.constant 0 : i32
    %dma_wait3A_765 = arith.constant 4 : i32
    %dma_wait3A_766 = arith.constant 0 : i32
    %dma_wait3A_767 = tpu.memref_slice %arg7[%dma_wait3A_752, %dma_wait3A_764, %dma_wait3A_765, %dma_wait3A_766] : memref<2x8x8x768xf32, #tpu.memory_space<vmem>> -> memref<1x8x4x768xf32, #tpu.memory_space<vmem>>
    %dma_wait3A_768 = tpu.memref_squeeze %dma_wait3A_767 : memref<1x8x4x768xf32, #tpu.memory_space<vmem>> -> memref<8x4x768xf32, #tpu.memory_space<vmem>>
    tpu.wait_dma2 semaphore(%arg11 : memref<!tpu.dma_semaphore, #tpu.memory_space<semaphore_mem>>) src(%dma_wait3A_768 : memref<8x4x768xf32, #tpu.memory_space<vmem>>) dst(%dma_wait3A_763 : memref<8x4x768xf32, #tpu.memory_space<hbm>>)
    return
  }
}

#map = affine_map<(d0, d1) -> (0, 0, 0)>
#map1 = affine_map<(d0, d1) -> (0)>
module attributes {stable_mosaic.version = 14 : i64} {
  func.func @new_body(%arg0: i32, %arg1: i32, %arg2: memref<1000x8x768xf32, #tpu.memory_space<hbm>>, %arg3: memref<2048xi32, #tpu.memory_space<hbm>>, %arg4: memref<4096x4x768xf32, #tpu.memory_space<hbm>>, %arg5: memref<4096x4x768xf32, #tpu.memory_space<hbm>>, %arg6: memref<4096x4x768xf32, #tpu.memory_space<hbm>>, %arg7: memref<4096x4x768xf32, #tpu.memory_space<hbm>>, %arg8: memref<64xi32, #tpu.memory_space<vmem>>, %arg9: memref<2x8x8x768xf32, #tpu.memory_space<vmem>>, %arg10: memref<!tpu.dma_semaphore, #tpu.memory_space<semaphore_mem>>, %arg11: memref<!tpu.dma_semaphore, #tpu.memory_space<semaphore_mem>>, %arg12: memref<!tpu.dma_semaphore, #tpu.memory_space<semaphore_mem>>, %arg13: memref<!tpu.dma_semaphore, #tpu.memory_space<semaphore_mem>>) attributes {dimension_semantics = [#tpu.dimension_semantics<core_parallel>, #tpu.dimension_semantics<subcore_parallel>], iteration_bounds = array<i64: 2, 16>, scalar_prefetch = 0 : i64, scratch_operands = 6 : i64, tpu.core_type = #tpu.core_type<sc_vector_subcore>, window_params = [{transform_indices = #map}, {transform_indices = #map1}, {transform_indices = #map}, {transform_indices = #map}, {transform_indices = #map}, {transform_indices = #map}]} {
    %mul3A = arith.constant 2 : i32
    %mul3A_0 = arith.muli %arg1, %mul3A : i32
    %add3A = arith.addi %mul3A_0, %arg0 : i32
    %mul3A_1 = arith.constant 64 : i32
    %mul3A_2 = arith.muli %add3A, %mul3A_1 : i32
    "tpu.region"() ({
      %run_scoped3A = tpu.sem_alloc : memref<!tpu.dma_semaphore, #tpu.memory_space<semaphore_mem>>
      %dma_start3A_769 = tpu.memref_slice %arg3[%mul3A_2] : memref<2048xi32, #tpu.memory_space<hbm>> -> memref<64xi32, #tpu.memory_space<hbm>>
      %dma_start3A_770 = tpu.memref_slice %arg3[%mul3A_2] : memref<2048xi32, #tpu.memory_space<hbm>> -> memref<64xi32, #tpu.memory_space<hbm>>
      tpu.enqueue_dma source(%dma_start3A_770 : memref<64xi32, #tpu.memory_space<hbm>>) target(%arg8 : memref<64xi32, #tpu.memory_space<vmem>>) target_semaphore(%run_scoped3A : memref<!tpu.dma_semaphore, #tpu.memory_space<semaphore_mem>>)
      %dma_wait3A_771 = tpu.memref_slice %arg3[%mul3A_2] : memref<2048xi32, #tpu.memory_space<hbm>> -> memref<64xi32, #tpu.memory_space<hbm>>
      %dma_wait3A_772 = tpu.memref_slice %arg3[%mul3A_2] : memref<2048xi32, #tpu.memory_space<hbm>> -> memref<64xi32, #tpu.memory_space<hbm>>
      tpu.wait_dma2 semaphore(%run_scoped3A : memref<!tpu.dma_semaphore, #tpu.memory_space<semaphore_mem>>) src(%dma_wait3A_772 : memref<64xi32, #tpu.memory_space<hbm>>) dst(%arg8 : memref<64xi32, #tpu.memory_space<vmem>>)
      tpu.yield
    }) : () -> ()
    %dma_start3A = arith.constant 0 : i32
    %dma_start3A_3 = arith.constant 0 : i32
    %dma_start3A_4 = arith.constant 0 : i32
    %dma_start3A_5 = arith.constant 0 : i32
    %dma_start3A_6 = tpu.memref_slice %arg9[%dma_start3A, %dma_start3A_3, %dma_start3A_4, %dma_start3A_5] : memref<2x8x8x768xf32, #tpu.memory_space<vmem>> -> memref<1x8x8x768xf32, #tpu.memory_space<vmem>>
    %dma_start3A_7 = tpu.memref_squeeze %dma_start3A_6 : memref<1x8x8x768xf32, #tpu.memory_space<vmem>> -> memref<8x8x768xf32, #tpu.memory_space<vmem>>
    %dma_start3A_8 = arith.constant 0 : i32
    %dma_start3A_9 = tpu.memref_slice %arg8[%dma_start3A_8] : memref<64xi32, #tpu.memory_space<vmem>> -> memref<8xi32, #tpu.memory_space<vmem>>
    %dma_start3A_10 = arith.constant 0 : i32
    %dma_start3A_11 = arith.constant 0 : i32
    %dma_start3A_12 = arith.constant 0 : i32
    %dma_start3A_13 = tpu.memref_slice %arg2[%dma_start3A_10, %dma_start3A_11, %dma_start3A_12] : memref<1000x8x768xf32, #tpu.memory_space<hbm>> -> memref<1000x8x768xf32, #tpu.memory_space<hbm>>
    tpu.enqueue_indirect_dma source(%dma_start3A_13 : memref<1000x8x768xf32, #tpu.memory_space<hbm>>) target(%dma_start3A_7 : memref<8x8x768xf32, #tpu.memory_space<vmem>>) offsets(%dma_start3A_9 : memref<8xi32, #tpu.memory_space<vmem>>) semaphore(%arg10 : memref<!tpu.dma_semaphore, #tpu.memory_space<semaphore_mem>>)
    %dma_start3A_14 = arith.constant 1 : i32
    %dma_start3A_15 = arith.constant 0 : i32
    %dma_start3A_16 = arith.constant 0 : i32
    %dma_start3A_17 = arith.constant 0 : i32
    %dma_start3A_18 = tpu.memref_slice %arg9[%dma_start3A_14, %dma_start3A_15, %dma_start3A_16, %dma_start3A_17] : memref<2x8x8x768xf32, #tpu.memory_space<vmem>> -> memref<1x8x8x768xf32, #tpu.memory_space<vmem>>
    %dma_start3A_19 = tpu.memref_squeeze %dma_start3A_18 : memref<1x8x8x768xf32, #tpu.memory_space<vmem>> -> memref<8x8x768xf32, #tpu.memory_space<vmem>>
    %dma_start3A_20 = arith.constant 8 : i32
    %dma_start3A_21 = tpu.memref_slice %arg8[%dma_start3A_20] : memref<64xi32, #tpu.memory_space<vmem>> -> memref<8xi32, #tpu.memory_space<vmem>>
    %dma_start3A_22 = arith.constant 0 : i32
    %dma_start3A_23 = arith.constant 0 : i32
    %dma_start3A_24 = arith.constant 0 : i32
    %dma_start3A_25 = tpu.memref_slice %arg2[%dma_start3A_22, %dma_start3A_23, %dma_start3A_24] : memref<1000x8x768xf32, #tpu.memory_space<hbm>> -> memref<1000x8x768xf32, #tpu.memory_space<hbm>>
    tpu.enqueue_indirect_dma source(%dma_start3A_25 : memref<1000x8x768xf32, #tpu.memory_space<hbm>>) target(%dma_start3A_19 : memref<8x8x768xf32, #tpu.memory_space<vmem>>) offsets(%dma_start3A_21 : memref<8xi32, #tpu.memory_space<vmem>>) semaphore(%arg11 : memref<!tpu.dma_semaphore, #tpu.memory_space<semaphore_mem>>)
    %dma_wait3A = arith.constant 0 : i32
    %dma_wait3A_26 = arith.constant 0 : i32
    %dma_wait3A_27 = arith.constant 0 : i32
    %dma_wait3A_28 = arith.constant 0 : i32
    %dma_wait3A_29 = tpu.memref_slice %arg9[%dma_wait3A, %dma_wait3A_26, %dma_wait3A_27, %dma_wait3A_28] : memref<2x8x8x768xf32, #tpu.memory_space<vmem>> -> memref<1x8x8x768xf32, #tpu.memory_space<vmem>>
    %dma_wait3A_30 = tpu.memref_squeeze %dma_wait3A_29 : memref<1x8x8x768xf32, #tpu.memory_space<vmem>> -> memref<8x8x768xf32, #tpu.memory_space<vmem>>
    %dma_wait3A_31 = arith.constant 0 : i32
    %dma_wait3A_32 = tpu.memref_slice %arg8[%dma_wait3A_31] : memref<64xi32, #tpu.memory_space<vmem>> -> memref<8xi32, #tpu.memory_space<vmem>>
    %dma_wait3A_33 = arith.constant 0 : i32
    %dma_wait3A_34 = arith.constant 0 : i32
    %dma_wait3A_35 = arith.constant 0 : i32
    %dma_wait3A_36 = tpu.memref_slice %arg2[%dma_wait3A_33, %dma_wait3A_34, %dma_wait3A_35] : memref<1000x8x768xf32, #tpu.memory_space<hbm>> -> memref<1000x8x768xf32, #tpu.memory_space<hbm>>
    tpu.wait_indirect_dma semaphore(%arg10 : memref<!tpu.dma_semaphore, #tpu.memory_space<semaphore_mem>>) src(%dma_wait3A_36 : memref<1000x8x768xf32, #tpu.memory_space<hbm>>) dst(%dma_wait3A_30 : memref<8x8x768xf32, #tpu.memory_space<vmem>>)
    %add3A_37 = arith.constant 2048 : i32
    %add3A_38 = arith.addi %add3A_37, %mul3A_2 : i32
    %add3A_39 = arith.constant 0 : i32
    %add3A_40 = arith.addi %add3A_38, %add3A_39 : i32
    %dma_start3A_41 = arith.constant 0 : i32
    %dma_start3A_42 = arith.constant 0 : i32
    %dma_start3A_43 = arith.constant 0 : i32
    %dma_start3A_44 = arith.constant 0 : i32
    %dma_start3A_45 = tpu.memref_slice %arg9[%dma_start3A_41, %dma_start3A_42, %dma_start3A_43, %dma_start3A_44] : memref<2x8x8x768xf32, #tpu.memory_space<vmem>> -> memref<1x8x4x768xf32, #tpu.memory_space<vmem>>
    %dma_start3A_46 = tpu.memref_squeeze %dma_start3A_45 : memref<1x8x4x768xf32, #tpu.memory_space<vmem>> -> memref<8x4x768xf32, #tpu.memory_space<vmem>>
    %dma_start3A_47 = arith.constant 0 : i32
    %dma_start3A_48 = arith.constant 0 : i32
    %dma_start3A_49 = tpu.memref_slice %arg4[%add3A_40, %dma_start3A_47, %dma_start3A_48] : memref<4096x4x768xf32, #tpu.memory_space<hbm>> -> memref<8x4x768xf32, #tpu.memory_space<hbm>>
    %dma_start3A_50 = arith.constant 0 : i32
    %dma_start3A_51 = arith.constant 0 : i32
    %dma_start3A_52 = tpu.memref_slice %arg4[%add3A_40, %dma_start3A_50, %dma_start3A_51] : memref<4096x4x768xf32, #tpu.memory_space<hbm>> -> memref<8x4x768xf32, #tpu.memory_space<hbm>>
    %dma_start3A_53 = arith.constant 0 : i32
    %dma_start3A_54 = arith.constant 0 : i32
    %dma_start3A_55 = arith.constant 0 : i32
    %dma_start3A_56 = tpu.memref_slice %arg9[%dma_start3A_41, %dma_start3A_53, %dma_start3A_54, %dma_start3A_55] : memref<2x8x8x768xf32, #tpu.memory_space<vmem>> -> memref<1x8x4x768xf32, #tpu.memory_space<vmem>>
    %dma_start3A_57 = tpu.memref_squeeze %dma_start3A_56 : memref<1x8x4x768xf32, #tpu.memory_space<vmem>> -> memref<8x4x768xf32, #tpu.memory_space<vmem>>
    tpu.enqueue_dma source(%dma_start3A_57 : memref<8x4x768xf32, #tpu.memory_space<vmem>>) target(%dma_start3A_52 : memref<8x4x768xf32, #tpu.memory_space<hbm>>) target_semaphore(%arg12 : memref<!tpu.dma_semaphore, #tpu.memory_space<semaphore_mem>>)
    %dma_start3A_58 = arith.constant 0 : i32
    %dma_start3A_59 = arith.constant 0 : i32
    %dma_start3A_60 = arith.constant 4 : i32
    %dma_start3A_61 = arith.constant 0 : i32
    %dma_start3A_62 = tpu.memref_slice %arg9[%dma_start3A_58, %dma_start3A_59, %dma_start3A_60, %dma_start3A_61] : memref<2x8x8x768xf32, #tpu.memory_space<vmem>> -> memref<1x8x4x768xf32, #tpu.memory_space<vmem>>
    %dma_start3A_63 = tpu.memref_squeeze %dma_start3A_62 : memref<1x8x4x768xf32, #tpu.memory_space<vmem>> -> memref<8x4x768xf32, #tpu.memory_space<vmem>>
    %dma_start3A_64 = arith.constant 0 : i32
    %dma_start3A_65 = arith.constant 0 : i32
    %dma_start3A_66 = tpu.memref_slice %arg5[%add3A_40, %dma_start3A_64, %dma_start3A_65] : memref<4096x4x768xf32, #tpu.memory_space<hbm>> -> memref<8x4x768xf32, #tpu.memory_space<hbm>>
    %dma_start3A_67 = arith.constant 0 : i32
    %dma_start3A_68 = arith.constant 0 : i32
    %dma_start3A_69 = tpu.memref_slice %arg5[%add3A_40, %dma_start3A_67, %dma_start3A_68] : memref<4096x4x768xf32, #tpu.memory_space<hbm>> -> memref<8x4x768xf32, #tpu.memory_space<hbm>>
    %dma_start3A_70 = arith.constant 0 : i32
    %dma_start3A_71 = arith.constant 4 : i32
    %dma_start3A_72 = arith.constant 0 : i32
    %dma_start3A_73 = tpu.memref_slice %arg9[%dma_start3A_58, %dma_start3A_70, %dma_start3A_71, %dma_start3A_72] : memref<2x8x8x768xf32, #tpu.memory_space<vmem>> -> memref<1x8x4x768xf32, #tpu.memory_space<vmem>>
    %dma_start3A_74 = tpu.memref_squeeze %dma_start3A_73 : memref<1x8x4x768xf32, #tpu.memory_space<vmem>> -> memref<8x4x768xf32, #tpu.memory_space<vmem>>
    tpu.enqueue_dma source(%dma_start3A_74 : memref<8x4x768xf32, #tpu.memory_space<vmem>>) target(%dma_start3A_69 : memref<8x4x768xf32, #tpu.memory_space<hbm>>) target_semaphore(%arg12 : memref<!tpu.dma_semaphore, #tpu.memory_space<semaphore_mem>>)
    %dma_wait3A_75 = arith.constant 0 : i32
    %dma_wait3A_76 = arith.constant 0 : i32
    %dma_wait3A_77 = arith.constant 0 : i32
    %dma_wait3A_78 = arith.constant 0 : i32
    %dma_wait3A_79 = tpu.memref_slice %arg9[%dma_wait3A_75, %dma_wait3A_76, %dma_wait3A_77, %dma_wait3A_78] : memref<2x8x8x768xf32, #tpu.memory_space<vmem>> -> memref<1x8x4x768xf32, #tpu.memory_space<vmem>>
    %dma_wait3A_80 = tpu.memref_squeeze %dma_wait3A_79 : memref<1x8x4x768xf32, #tpu.memory_space<vmem>> -> memref<8x4x768xf32, #tpu.memory_space<vmem>>
    %dma_wait3A_81 = arith.constant 0 : i32
    %dma_wait3A_82 = arith.constant 0 : i32
    %dma_wait3A_83 = tpu.memref_slice %arg4[%add3A_40, %dma_wait3A_81, %dma_wait3A_82] : memref<4096x4x768xf32, #tpu.memory_space<hbm>> -> memref<8x4x768xf32, #tpu.memory_space<hbm>>
    %dma_wait3A_84 = arith.constant 0 : i32
    %dma_wait3A_85 = arith.constant 0 : i32
    %dma_wait3A_86 = tpu.memref_slice %arg4[%add3A_40, %dma_wait3A_84, %dma_wait3A_85] : memref<4096x4x768xf32, #tpu.memory_space<hbm>> -> memref<8x4x768xf32, #tpu.memory_space<hbm>>
    %dma_wait3A_87 = arith.constant 0 : i32
    %dma_wait3A_88 = arith.constant 0 : i32
    %dma_wait3A_89 = arith.constant 0 : i32
    %dma_wait3A_90 = tpu.memref_slice %arg9[%dma_wait3A_75, %dma_wait3A_87, %dma_wait3A_88, %dma_wait3A_89] : memref<2x8x8x768xf32, #tpu.memory_space<vmem>> -> memref<1x8x4x768xf32, #tpu.memory_space<vmem>>
    %dma_wait3A_91 = tpu.memref_squeeze %dma_wait3A_90 : memref<1x8x4x768xf32, #tpu.memory_space<vmem>> -> memref<8x4x768xf32, #tpu.memory_space<vmem>>
    tpu.wait_dma2 semaphore(%arg12 : memref<!tpu.dma_semaphore, #tpu.memory_space<semaphore_mem>>) src(%dma_wait3A_91 : memref<8x4x768xf32, #tpu.memory_space<vmem>>) dst(%dma_wait3A_86 : memref<8x4x768xf32, #tpu.memory_space<hbm>>)
    %dma_wait3A_92 = arith.constant 0 : i32
    %dma_wait3A_93 = arith.constant 0 : i32
    %dma_wait3A_94 = arith.constant 4 : i32
    %dma_wait3A_95 = arith.constant 0 : i32
    %dma_wait3A_96 = tpu.memref_slice %arg9[%dma_wait3A_92, %dma_wait3A_93, %dma_wait3A_94, %dma_wait3A_95] : memref<2x8x8x768xf32, #tpu.memory_space<vmem>> -> memref<1x8x4x768xf32, #tpu.memory_space<vmem>>
    %dma_wait3A_97 = tpu.memref_squeeze %dma_wait3A_96 : memref<1x8x4x768xf32, #tpu.memory_space<vmem>> -> memref<8x4x768xf32, #tpu.memory_space<vmem>>
    %dma_wait3A_98 = arith.constant 0 : i32
    %dma_wait3A_99 = arith.constant 0 : i32
    %dma_wait3A_100 = tpu.memref_slice %arg5[%add3A_40, %dma_wait3A_98, %dma_wait3A_99] : memref<4096x4x768xf32, #tpu.memory_space<hbm>> -> memref<8x4x768xf32, #tpu.memory_space<hbm>>
    %dma_wait3A_101 = arith.constant 0 : i32
    %dma_wait3A_102 = arith.constant 0 : i32
    %dma_wait3A_103 = tpu.memref_slice %arg5[%add3A_40, %dma_wait3A_101, %dma_wait3A_102] : memref<4096x4x768xf32, #tpu.memory_space<hbm>> -> memref<8x4x768xf32, #tpu.memory_space<hbm>>
    %dma_wait3A_104 = arith.constant 0 : i32
    %dma_wait3A_105 = arith.constant 4 : i32
    %dma_wait3A_106 = arith.constant 0 : i32
    %dma_wait3A_107 = tpu.memref_slice %arg9[%dma_wait3A_92, %dma_wait3A_104, %dma_wait3A_105, %dma_wait3A_106] : memref<2x8x8x768xf32, #tpu.memory_space<vmem>> -> memref<1x8x4x768xf32, #tpu.memory_space<vmem>>
    %dma_wait3A_108 = tpu.memref_squeeze %dma_wait3A_107 : memref<1x8x4x768xf32, #tpu.memory_space<vmem>> -> memref<8x4x768xf32, #tpu.memory_space<vmem>>
    tpu.wait_dma2 semaphore(%arg12 : memref<!tpu.dma_semaphore, #tpu.memory_space<semaphore_mem>>) src(%dma_wait3A_108 : memref<8x4x768xf32, #tpu.memory_space<vmem>>) dst(%dma_wait3A_103 : memref<8x4x768xf32, #tpu.memory_space<hbm>>)
    %dma_start3A_109 = arith.constant 0 : i32
    %dma_start3A_110 = arith.constant 0 : i32
    %dma_start3A_111 = arith.constant 0 : i32
    %dma_start3A_112 = arith.constant 0 : i32
    %dma_start3A_113 = tpu.memref_slice %arg9[%dma_start3A_109, %dma_start3A_110, %dma_start3A_111, %dma_start3A_112] : memref<2x8x8x768xf32, #tpu.memory_space<vmem>> -> memref<1x8x8x768xf32, #tpu.memory_space<vmem>>
    %dma_start3A_114 = tpu.memref_squeeze %dma_start3A_113 : memref<1x8x8x768xf32, #tpu.memory_space<vmem>> -> memref<8x8x768xf32, #tpu.memory_space<vmem>>
    %dma_start3A_115 = arith.constant 16 : i32
    %dma_start3A_116 = tpu.memref_slice %arg8[%dma_start3A_115] : memref<64xi32, #tpu.memory_space<vmem>> -> memref<8xi32, #tpu.memory_space<vmem>>
    %dma_start3A_117 = arith.constant 0 : i32
    %dma_start3A_118 = arith.constant 0 : i32
    %dma_start3A_119 = arith.constant 0 : i32
    %dma_start3A_120 = tpu.memref_slice %arg2[%dma_start3A_117, %dma_start3A_118, %dma_start3A_119] : memref<1000x8x768xf32, #tpu.memory_space<hbm>> -> memref<1000x8x768xf32, #tpu.memory_space<hbm>>
    tpu.enqueue_indirect_dma source(%dma_start3A_120 : memref<1000x8x768xf32, #tpu.memory_space<hbm>>) target(%dma_start3A_114 : memref<8x8x768xf32, #tpu.memory_space<vmem>>) offsets(%dma_start3A_116 : memref<8xi32, #tpu.memory_space<vmem>>) semaphore(%arg10 : memref<!tpu.dma_semaphore, #tpu.memory_space<semaphore_mem>>)
    %dma_wait3A_121 = arith.constant 1 : i32
    %dma_wait3A_122 = arith.constant 0 : i32
    %dma_wait3A_123 = arith.constant 0 : i32
    %dma_wait3A_124 = arith.constant 0 : i32
    %dma_wait3A_125 = tpu.memref_slice %arg9[%dma_wait3A_121, %dma_wait3A_122, %dma_wait3A_123, %dma_wait3A_124] : memref<2x8x8x768xf32, #tpu.memory_space<vmem>> -> memref<1x8x8x768xf32, #tpu.memory_space<vmem>>
    %dma_wait3A_126 = tpu.memref_squeeze %dma_wait3A_125 : memref<1x8x8x768xf32, #tpu.memory_space<vmem>> -> memref<8x8x768xf32, #tpu.memory_space<vmem>>
    %dma_wait3A_127 = arith.constant 8 : i32
    %dma_wait3A_128 = tpu.memref_slice %arg8[%dma_wait3A_127] : memref<64xi32, #tpu.memory_space<vmem>> -> memref<8xi32, #tpu.memory_space<vmem>>
    %dma_wait3A_129 = arith.constant 0 : i32
    %dma_wait3A_130 = arith.constant 0 : i32
    %dma_wait3A_131 = arith.constant 0 : i32
    %dma_wait3A_132 = tpu.memref_slice %arg2[%dma_wait3A_129, %dma_wait3A_130, %dma_wait3A_131] : memref<1000x8x768xf32, #tpu.memory_space<hbm>> -> memref<1000x8x768xf32, #tpu.memory_space<hbm>>
    tpu.wait_indirect_dma semaphore(%arg11 : memref<!tpu.dma_semaphore, #tpu.memory_space<semaphore_mem>>) src(%dma_wait3A_132 : memref<1000x8x768xf32, #tpu.memory_space<hbm>>) dst(%dma_wait3A_126 : memref<8x8x768xf32, #tpu.memory_space<vmem>>)
    %add3A_133 = arith.constant 2048 : i32
    %add3A_134 = arith.addi %add3A_133, %mul3A_2 : i32
    %add3A_135 = arith.constant 8 : i32
    %add3A_136 = arith.addi %add3A_134, %add3A_135 : i32
    %dma_start3A_137 = arith.constant 1 : i32
    %dma_start3A_138 = arith.constant 0 : i32
    %dma_start3A_139 = arith.constant 0 : i32
    %dma_start3A_140 = arith.constant 0 : i32
    %dma_start3A_141 = tpu.memref_slice %arg9[%dma_start3A_137, %dma_start3A_138, %dma_start3A_139, %dma_start3A_140] : memref<2x8x8x768xf32, #tpu.memory_space<vmem>> -> memref<1x8x4x768xf32, #tpu.memory_space<vmem>>
    %dma_start3A_142 = tpu.memref_squeeze %dma_start3A_141 : memref<1x8x4x768xf32, #tpu.memory_space<vmem>> -> memref<8x4x768xf32, #tpu.memory_space<vmem>>
    %dma_start3A_143 = arith.constant 0 : i32
    %dma_start3A_144 = arith.constant 0 : i32
    %dma_start3A_145 = tpu.memref_slice %arg4[%add3A_136, %dma_start3A_143, %dma_start3A_144] : memref<4096x4x768xf32, #tpu.memory_space<hbm>> -> memref<8x4x768xf32, #tpu.memory_space<hbm>>
    %dma_start3A_146 = arith.constant 0 : i32
    %dma_start3A_147 = arith.constant 0 : i32
    %dma_start3A_148 = tpu.memref_slice %arg4[%add3A_136, %dma_start3A_146, %dma_start3A_147] : memref<4096x4x768xf32, #tpu.memory_space<hbm>> -> memref<8x4x768xf32, #tpu.memory_space<hbm>>
    %dma_start3A_149 = arith.constant 0 : i32
    %dma_start3A_150 = arith.constant 0 : i32
    %dma_start3A_151 = arith.constant 0 : i32
    %dma_start3A_152 = tpu.memref_slice %arg9[%dma_start3A_137, %dma_start3A_149, %dma_start3A_150, %dma_start3A_151] : memref<2x8x8x768xf32, #tpu.memory_space<vmem>> -> memref<1x8x4x768xf32, #tpu.memory_space<vmem>>
    %dma_start3A_153 = tpu.memref_squeeze %dma_start3A_152 : memref<1x8x4x768xf32, #tpu.memory_space<vmem>> -> memref<8x4x768xf32, #tpu.memory_space<vmem>>
    tpu.enqueue_dma source(%dma_start3A_153 : memref<8x4x768xf32, #tpu.memory_space<vmem>>) target(%dma_start3A_148 : memref<8x4x768xf32, #tpu.memory_space<hbm>>) target_semaphore(%arg13 : memref<!tpu.dma_semaphore, #tpu.memory_space<semaphore_mem>>)
    %dma_start3A_154 = arith.constant 1 : i32
    %dma_start3A_155 = arith.constant 0 : i32
    %dma_start3A_156 = arith.constant 4 : i32
    %dma_start3A_157 = arith.constant 0 : i32
    %dma_start3A_158 = tpu.memref_slice %arg9[%dma_start3A_154, %dma_start3A_155, %dma_start3A_156, %dma_start3A_157] : memref<2x8x8x768xf32, #tpu.memory_space<vmem>> -> memref<1x8x4x768xf32, #tpu.memory_space<vmem>>
    %dma_start3A_159 = tpu.memref_squeeze %dma_start3A_158 : memref<1x8x4x768xf32, #tpu.memory_space<vmem>> -> memref<8x4x768xf32, #tpu.memory_space<vmem>>
    %dma_start3A_160 = arith.constant 0 : i32
    %dma_start3A_161 = arith.constant 0 : i32
    %dma_start3A_162 = tpu.memref_slice %arg5[%add3A_136, %dma_start3A_160, %dma_start3A_161] : memref<4096x4x768xf32, #tpu.memory_space<hbm>> -> memref<8x4x768xf32, #tpu.memory_space<hbm>>
    %dma_start3A_163 = arith.constant 0 : i32
    %dma_start3A_164 = arith.constant 0 : i32
    %dma_start3A_165 = tpu.memref_slice %arg5[%add3A_136, %dma_start3A_163, %dma_start3A_164] : memref<4096x4x768xf32, #tpu.memory_space<hbm>> -> memref<8x4x768xf32, #tpu.memory_space<hbm>>
    %dma_start3A_166 = arith.constant 0 : i32
    %dma_start3A_167 = arith.constant 4 : i32
    %dma_start3A_168 = arith.constant 0 : i32
    %dma_start3A_169 = tpu.memref_slice %arg9[%dma_start3A_154, %dma_start3A_166, %dma_start3A_167, %dma_start3A_168] : memref<2x8x8x768xf32, #tpu.memory_space<vmem>> -> memref<1x8x4x768xf32, #tpu.memory_space<vmem>>
    %dma_start3A_170 = tpu.memref_squeeze %dma_start3A_169 : memref<1x8x4x768xf32, #tpu.memory_space<vmem>> -> memref<8x4x768xf32, #tpu.memory_space<vmem>>
    tpu.enqueue_dma source(%dma_start3A_170 : memref<8x4x768xf32, #tpu.memory_space<vmem>>) target(%dma_start3A_165 : memref<8x4x768xf32, #tpu.memory_space<hbm>>) target_semaphore(%arg13 : memref<!tpu.dma_semaphore, #tpu.memory_space<semaphore_mem>>)
    %dma_wait3A_171 = arith.constant 1 : i32
    %dma_wait3A_172 = arith.constant 0 : i32
    %dma_wait3A_173 = arith.constant 0 : i32
    %dma_wait3A_174 = arith.constant 0 : i32
    %dma_wait3A_175 = tpu.memref_slice %arg9[%dma_wait3A_171, %dma_wait3A_172, %dma_wait3A_173, %dma_wait3A_174] : memref<2x8x8x768xf32, #tpu.memory_space<vmem>> -> memref<1x8x4x768xf32, #tpu.memory_space<vmem>>
    %dma_wait3A_176 = tpu.memref_squeeze %dma_wait3A_175 : memref<1x8x4x768xf32, #tpu.memory_space<vmem>> -> memref<8x4x768xf32, #tpu.memory_space<vmem>>
    %dma_wait3A_177 = arith.constant 0 : i32
    %dma_wait3A_178 = arith.constant 0 : i32
    %dma_wait3A_179 = tpu.memref_slice %arg4[%add3A_136, %dma_wait3A_177, %dma_wait3A_178] : memref<4096x4x768xf32, #tpu.memory_space<hbm>> -> memref<8x4x768xf32, #tpu.memory_space<hbm>>
    %dma_wait3A_180 = arith.constant 0 : i32
    %dma_wait3A_181 = arith.constant 0 : i32
    %dma_wait3A_182 = tpu.memref_slice %arg4[%add3A_136, %dma_wait3A_180, %dma_wait3A_181] : memref<4096x4x768xf32, #tpu.memory_space<hbm>> -> memref<8x4x768xf32, #tpu.memory_space<hbm>>
    %dma_wait3A_183 = arith.constant 0 : i32
    %dma_wait3A_184 = arith.constant 0 : i32
    %dma_wait3A_185 = arith.constant 0 : i32
    %dma_wait3A_186 = tpu.memref_slice %arg9[%dma_wait3A_171, %dma_wait3A_183, %dma_wait3A_184, %dma_wait3A_185] : memref<2x8x8x768xf32, #tpu.memory_space<vmem>> -> memref<1x8x4x768xf32, #tpu.memory_space<vmem>>
    %dma_wait3A_187 = tpu.memref_squeeze %dma_wait3A_186 : memref<1x8x4x768xf32, #tpu.memory_space<vmem>> -> memref<8x4x768xf32, #tpu.memory_space<vmem>>
    tpu.wait_dma2 semaphore(%arg13 : memref<!tpu.dma_semaphore, #tpu.memory_space<semaphore_mem>>) src(%dma_wait3A_187 : memref<8x4x768xf32, #tpu.memory_space<vmem>>) dst(%dma_wait3A_182 : memref<8x4x768xf32, #tpu.memory_space<hbm>>)
    %dma_wait3A_188 = arith.constant 1 : i32
    %dma_wait3A_189 = arith.constant 0 : i32
    %dma_wait3A_190 = arith.constant 4 : i32
    %dma_wait3A_191 = arith.constant 0 : i32
    %dma_wait3A_192 = tpu.memref_slice %arg9[%dma_wait3A_188, %dma_wait3A_189, %dma_wait3A_190, %dma_wait3A_191] : memref<2x8x8x768xf32, #tpu.memory_space<vmem>> -> memref<1x8x4x768xf32, #tpu.memory_space<vmem>>
    %dma_wait3A_193 = tpu.memref_squeeze %dma_wait3A_192 : memref<1x8x4x768xf32, #tpu.memory_space<vmem>> -> memref<8x4x768xf32, #tpu.memory_space<vmem>>
    %dma_wait3A_194 = arith.constant 0 : i32
    %dma_wait3A_195 = arith.constant 0 : i32
    %dma_wait3A_196 = tpu.memref_slice %arg5[%add3A_136, %dma_wait3A_194, %dma_wait3A_195] : memref<4096x4x768xf32, #tpu.memory_space<hbm>> -> memref<8x4x768xf32, #tpu.memory_space<hbm>>
    %dma_wait3A_197 = arith.constant 0 : i32
    %dma_wait3A_198 = arith.constant 0 : i32
    %dma_wait3A_199 = tpu.memref_slice %arg5[%add3A_136, %dma_wait3A_197, %dma_wait3A_198] : memref<4096x4x768xf32, #tpu.memory_space<hbm>> -> memref<8x4x768xf32, #tpu.memory_space<hbm>>
    %dma_wait3A_200 = arith.constant 0 : i32
    %dma_wait3A_201 = arith.constant 4 : i32
    %dma_wait3A_202 = arith.constant 0 : i32
    %dma_wait3A_203 = tpu.memref_slice %arg9[%dma_wait3A_188, %dma_wait3A_200, %dma_wait3A_201, %dma_wait3A_202] : memref<2x8x8x768xf32, #tpu.memory_space<vmem>> -> memref<1x8x4x768xf32, #tpu.memory_space<vmem>>
    %dma_wait3A_204 = tpu.memref_squeeze %dma_wait3A_203 : memref<1x8x4x768xf32, #tpu.memory_space<vmem>> -> memref<8x4x768xf32, #tpu.memory_space<vmem>>
    tpu.wait_dma2 semaphore(%arg13 : memref<!tpu.dma_semaphore, #tpu.memory_space<semaphore_mem>>) src(%dma_wait3A_204 : memref<8x4x768xf32, #tpu.memory_space<vmem>>) dst(%dma_wait3A_199 : memref<8x4x768xf32, #tpu.memory_space<hbm>>)
    %dma_start3A_205 = arith.constant 1 : i32
    %dma_start3A_206 = arith.constant 0 : i32
    %dma_start3A_207 = arith.constant 0 : i32
    %dma_start3A_208 = arith.constant 0 : i32
    %dma_start3A_209 = tpu.memref_slice %arg9[%dma_start3A_205, %dma_start3A_206, %dma_start3A_207, %dma_start3A_208] : memref<2x8x8x768xf32, #tpu.memory_space<vmem>> -> memref<1x8x8x768xf32, #tpu.memory_space<vmem>>
    %dma_start3A_210 = tpu.memref_squeeze %dma_start3A_209 : memref<1x8x8x768xf32, #tpu.memory_space<vmem>> -> memref<8x8x768xf32, #tpu.memory_space<vmem>>
    %dma_start3A_211 = arith.constant 24 : i32
    %dma_start3A_212 = tpu.memref_slice %arg8[%dma_start3A_211] : memref<64xi32, #tpu.memory_space<vmem>> -> memref<8xi32, #tpu.memory_space<vmem>>
    %dma_start3A_213 = arith.constant 0 : i32
    %dma_start3A_214 = arith.constant 0 : i32
    %dma_start3A_215 = arith.constant 0 : i32
    %dma_start3A_216 = tpu.memref_slice %arg2[%dma_start3A_213, %dma_start3A_214, %dma_start3A_215] : memref<1000x8x768xf32, #tpu.memory_space<hbm>> -> memref<1000x8x768xf32, #tpu.memory_space<hbm>>
    tpu.enqueue_indirect_dma source(%dma_start3A_216 : memref<1000x8x768xf32, #tpu.memory_space<hbm>>) target(%dma_start3A_210 : memref<8x8x768xf32, #tpu.memory_space<vmem>>) offsets(%dma_start3A_212 : memref<8xi32, #tpu.memory_space<vmem>>) semaphore(%arg11 : memref<!tpu.dma_semaphore, #tpu.memory_space<semaphore_mem>>)
    %dma_wait3A_217 = arith.constant 0 : i32
    %dma_wait3A_218 = arith.constant 0 : i32
    %dma_wait3A_219 = arith.constant 0 : i32
    %dma_wait3A_220 = arith.constant 0 : i32
    %dma_wait3A_221 = tpu.memref_slice %arg9[%dma_wait3A_217, %dma_wait3A_218, %dma_wait3A_219, %dma_wait3A_220] : memref<2x8x8x768xf32, #tpu.memory_space<vmem>> -> memref<1x8x8x768xf32, #tpu.memory_space<vmem>>
    %dma_wait3A_222 = tpu.memref_squeeze %dma_wait3A_221 : memref<1x8x8x768xf32, #tpu.memory_space<vmem>> -> memref<8x8x768xf32, #tpu.memory_space<vmem>>
    %dma_wait3A_223 = arith.constant 16 : i32
    %dma_wait3A_224 = tpu.memref_slice %arg8[%dma_wait3A_223] : memref<64xi32, #tpu.memory_space<vmem>> -> memref<8xi32, #tpu.memory_space<vmem>>
    %dma_wait3A_225 = arith.constant 0 : i32
    %dma_wait3A_226 = arith.constant 0 : i32
    %dma_wait3A_227 = arith.constant 0 : i32
    %dma_wait3A_228 = tpu.memref_slice %arg2[%dma_wait3A_225, %dma_wait3A_226, %dma_wait3A_227] : memref<1000x8x768xf32, #tpu.memory_space<hbm>> -> memref<1000x8x768xf32, #tpu.memory_space<hbm>>
    tpu.wait_indirect_dma semaphore(%arg10 : memref<!tpu.dma_semaphore, #tpu.memory_space<semaphore_mem>>) src(%dma_wait3A_228 : memref<1000x8x768xf32, #tpu.memory_space<hbm>>) dst(%dma_wait3A_222 : memref<8x8x768xf32, #tpu.memory_space<vmem>>)
    %add3A_229 = arith.constant 2048 : i32
    %add3A_230 = arith.addi %add3A_229, %mul3A_2 : i32
    %add3A_231 = arith.constant 16 : i32
    %add3A_232 = arith.addi %add3A_230, %add3A_231 : i32
    %dma_start3A_233 = arith.constant 0 : i32
    %dma_start3A_234 = arith.constant 0 : i32
    %dma_start3A_235 = arith.constant 0 : i32
    %dma_start3A_236 = arith.constant 0 : i32
    %dma_start3A_237 = tpu.memref_slice %arg9[%dma_start3A_233, %dma_start3A_234, %dma_start3A_235, %dma_start3A_236] : memref<2x8x8x768xf32, #tpu.memory_space<vmem>> -> memref<1x8x4x768xf32, #tpu.memory_space<vmem>>
    %dma_start3A_238 = tpu.memref_squeeze %dma_start3A_237 : memref<1x8x4x768xf32, #tpu.memory_space<vmem>> -> memref<8x4x768xf32, #tpu.memory_space<vmem>>
    %dma_start3A_239 = arith.constant 0 : i32
    %dma_start3A_240 = arith.constant 0 : i32
    %dma_start3A_241 = tpu.memref_slice %arg4[%add3A_232, %dma_start3A_239, %dma_start3A_240] : memref<4096x4x768xf32, #tpu.memory_space<hbm>> -> memref<8x4x768xf32, #tpu.memory_space<hbm>>
    %dma_start3A_242 = arith.constant 0 : i32
    %dma_start3A_243 = arith.constant 0 : i32
    %dma_start3A_244 = tpu.memref_slice %arg4[%add3A_232, %dma_start3A_242, %dma_start3A_243] : memref<4096x4x768xf32, #tpu.memory_space<hbm>> -> memref<8x4x768xf32, #tpu.memory_space<hbm>>
    %dma_start3A_245 = arith.constant 0 : i32
    %dma_start3A_246 = arith.constant 0 : i32
    %dma_start3A_247 = arith.constant 0 : i32
    %dma_start3A_248 = tpu.memref_slice %arg9[%dma_start3A_233, %dma_start3A_245, %dma_start3A_246, %dma_start3A_247] : memref<2x8x8x768xf32, #tpu.memory_space<vmem>> -> memref<1x8x4x768xf32, #tpu.memory_space<vmem>>
    %dma_start3A_249 = tpu.memref_squeeze %dma_start3A_248 : memref<1x8x4x768xf32, #tpu.memory_space<vmem>> -> memref<8x4x768xf32, #tpu.memory_space<vmem>>
    tpu.enqueue_dma source(%dma_start3A_249 : memref<8x4x768xf32, #tpu.memory_space<vmem>>) target(%dma_start3A_244 : memref<8x4x768xf32, #tpu.memory_space<hbm>>) target_semaphore(%arg12 : memref<!tpu.dma_semaphore, #tpu.memory_space<semaphore_mem>>)
    %dma_start3A_250 = arith.constant 0 : i32
    %dma_start3A_251 = arith.constant 0 : i32
    %dma_start3A_252 = arith.constant 4 : i32
    %dma_start3A_253 = arith.constant 0 : i32
    %dma_start3A_254 = tpu.memref_slice %arg9[%dma_start3A_250, %dma_start3A_251, %dma_start3A_252, %dma_start3A_253] : memref<2x8x8x768xf32, #tpu.memory_space<vmem>> -> memref<1x8x4x768xf32, #tpu.memory_space<vmem>>
    %dma_start3A_255 = tpu.memref_squeeze %dma_start3A_254 : memref<1x8x4x768xf32, #tpu.memory_space<vmem>> -> memref<8x4x768xf32, #tpu.memory_space<vmem>>
    %dma_start3A_256 = arith.constant 0 : i32
    %dma_start3A_257 = arith.constant 0 : i32
    %dma_start3A_258 = tpu.memref_slice %arg5[%add3A_232, %dma_start3A_256, %dma_start3A_257] : memref<4096x4x768xf32, #tpu.memory_space<hbm>> -> memref<8x4x768xf32, #tpu.memory_space<hbm>>
    %dma_start3A_259 = arith.constant 0 : i32
    %dma_start3A_260 = arith.constant 0 : i32
    %dma_start3A_261 = tpu.memref_slice %arg5[%add3A_232, %dma_start3A_259, %dma_start3A_260] : memref<4096x4x768xf32, #tpu.memory_space<hbm>> -> memref<8x4x768xf32, #tpu.memory_space<hbm>>
    %dma_start3A_262 = arith.constant 0 : i32
    %dma_start3A_263 = arith.constant 4 : i32
    %dma_start3A_264 = arith.constant 0 : i32
    %dma_start3A_265 = tpu.memref_slice %arg9[%dma_start3A_250, %dma_start3A_262, %dma_start3A_263, %dma_start3A_264] : memref<2x8x8x768xf32, #tpu.memory_space<vmem>> -> memref<1x8x4x768xf32, #tpu.memory_space<vmem>>
    %dma_start3A_266 = tpu.memref_squeeze %dma_start3A_265 : memref<1x8x4x768xf32, #tpu.memory_space<vmem>> -> memref<8x4x768xf32, #tpu.memory_space<vmem>>
    tpu.enqueue_dma source(%dma_start3A_266 : memref<8x4x768xf32, #tpu.memory_space<vmem>>) target(%dma_start3A_261 : memref<8x4x768xf32, #tpu.memory_space<hbm>>) target_semaphore(%arg12 : memref<!tpu.dma_semaphore, #tpu.memory_space<semaphore_mem>>)
    %dma_wait3A_267 = arith.constant 0 : i32
    %dma_wait3A_268 = arith.constant 0 : i32
    %dma_wait3A_269 = arith.constant 0 : i32
    %dma_wait3A_270 = arith.constant 0 : i32
    %dma_wait3A_271 = tpu.memref_slice %arg9[%dma_wait3A_267, %dma_wait3A_268, %dma_wait3A_269, %dma_wait3A_270] : memref<2x8x8x768xf32, #tpu.memory_space<vmem>> -> memref<1x8x4x768xf32, #tpu.memory_space<vmem>>
    %dma_wait3A_272 = tpu.memref_squeeze %dma_wait3A_271 : memref<1x8x4x768xf32, #tpu.memory_space<vmem>> -> memref<8x4x768xf32, #tpu.memory_space<vmem>>
    %dma_wait3A_273 = arith.constant 0 : i32
    %dma_wait3A_274 = arith.constant 0 : i32
    %dma_wait3A_275 = tpu.memref_slice %arg4[%add3A_232, %dma_wait3A_273, %dma_wait3A_274] : memref<4096x4x768xf32, #tpu.memory_space<hbm>> -> memref<8x4x768xf32, #tpu.memory_space<hbm>>
    %dma_wait3A_276 = arith.constant 0 : i32
    %dma_wait3A_277 = arith.constant 0 : i32
    %dma_wait3A_278 = tpu.memref_slice %arg4[%add3A_232, %dma_wait3A_276, %dma_wait3A_277] : memref<4096x4x768xf32, #tpu.memory_space<hbm>> -> memref<8x4x768xf32, #tpu.memory_space<hbm>>
    %dma_wait3A_279 = arith.constant 0 : i32
    %dma_wait3A_280 = arith.constant 0 : i32
    %dma_wait3A_281 = arith.constant 0 : i32
    %dma_wait3A_282 = tpu.memref_slice %arg9[%dma_wait3A_267, %dma_wait3A_279, %dma_wait3A_280, %dma_wait3A_281] : memref<2x8x8x768xf32, #tpu.memory_space<vmem>> -> memref<1x8x4x768xf32, #tpu.memory_space<vmem>>
    %dma_wait3A_283 = tpu.memref_squeeze %dma_wait3A_282 : memref<1x8x4x768xf32, #tpu.memory_space<vmem>> -> memref<8x4x768xf32, #tpu.memory_space<vmem>>
    tpu.wait_dma2 semaphore(%arg12 : memref<!tpu.dma_semaphore, #tpu.memory_space<semaphore_mem>>) src(%dma_wait3A_283 : memref<8x4x768xf32, #tpu.memory_space<vmem>>) dst(%dma_wait3A_278 : memref<8x4x768xf32, #tpu.memory_space<hbm>>)
    %dma_wait3A_284 = arith.constant 0 : i32
    %dma_wait3A_285 = arith.constant 0 : i32
    %dma_wait3A_286 = arith.constant 4 : i32
    %dma_wait3A_287 = arith.constant 0 : i32
    %dma_wait3A_288 = tpu.memref_slice %arg9[%dma_wait3A_284, %dma_wait3A_285, %dma_wait3A_286, %dma_wait3A_287] : memref<2x8x8x768xf32, #tpu.memory_space<vmem>> -> memref<1x8x4x768xf32, #tpu.memory_space<vmem>>
    %dma_wait3A_289 = tpu.memref_squeeze %dma_wait3A_288 : memref<1x8x4x768xf32, #tpu.memory_space<vmem>> -> memref<8x4x768xf32, #tpu.memory_space<vmem>>
    %dma_wait3A_290 = arith.constant 0 : i32
    %dma_wait3A_291 = arith.constant 0 : i32
    %dma_wait3A_292 = tpu.memref_slice %arg5[%add3A_232, %dma_wait3A_290, %dma_wait3A_291] : memref<4096x4x768xf32, #tpu.memory_space<hbm>> -> memref<8x4x768xf32, #tpu.memory_space<hbm>>
    %dma_wait3A_293 = arith.constant 0 : i32
    %dma_wait3A_294 = arith.constant 0 : i32
    %dma_wait3A_295 = tpu.memref_slice %arg5[%add3A_232, %dma_wait3A_293, %dma_wait3A_294] : memref<4096x4x768xf32, #tpu.memory_space<hbm>> -> memref<8x4x768xf32, #tpu.memory_space<hbm>>
    %dma_wait3A_296 = arith.constant 0 : i32
    %dma_wait3A_297 = arith.constant 4 : i32
    %dma_wait3A_298 = arith.constant 0 : i32
    %dma_wait3A_299 = tpu.memref_slice %arg9[%dma_wait3A_284, %dma_wait3A_296, %dma_wait3A_297, %dma_wait3A_298] : memref<2x8x8x768xf32, #tpu.memory_space<vmem>> -> memref<1x8x4x768xf32, #tpu.memory_space<vmem>>
    %dma_wait3A_300 = tpu.memref_squeeze %dma_wait3A_299 : memref<1x8x4x768xf32, #tpu.memory_space<vmem>> -> memref<8x4x768xf32, #tpu.memory_space<vmem>>
    tpu.wait_dma2 semaphore(%arg12 : memref<!tpu.dma_semaphore, #tpu.memory_space<semaphore_mem>>) src(%dma_wait3A_300 : memref<8x4x768xf32, #tpu.memory_space<vmem>>) dst(%dma_wait3A_295 : memref<8x4x768xf32, #tpu.memory_space<hbm>>)
    %dma_start3A_301 = arith.constant 0 : i32
    %dma_start3A_302 = arith.constant 0 : i32
    %dma_start3A_303 = arith.constant 0 : i32
    %dma_start3A_304 = arith.constant 0 : i32
    %dma_start3A_305 = tpu.memref_slice %arg9[%dma_start3A_301, %dma_start3A_302, %dma_start3A_303, %dma_start3A_304] : memref<2x8x8x768xf32, #tpu.memory_space<vmem>> -> memref<1x8x8x768xf32, #tpu.memory_space<vmem>>
    %dma_start3A_306 = tpu.memref_squeeze %dma_start3A_305 : memref<1x8x8x768xf32, #tpu.memory_space<vmem>> -> memref<8x8x768xf32, #tpu.memory_space<vmem>>
    %dma_start3A_307 = arith.constant 32 : i32
    %dma_start3A_308 = tpu.memref_slice %arg8[%dma_start3A_307] : memref<64xi32, #tpu.memory_space<vmem>> -> memref<8xi32, #tpu.memory_space<vmem>>
    %dma_start3A_309 = arith.constant 0 : i32
    %dma_start3A_310 = arith.constant 0 : i32
    %dma_start3A_311 = arith.constant 0 : i32
    %dma_start3A_312 = tpu.memref_slice %arg2[%dma_start3A_309, %dma_start3A_310, %dma_start3A_311] : memref<1000x8x768xf32, #tpu.memory_space<hbm>> -> memref<1000x8x768xf32, #tpu.memory_space<hbm>>
    tpu.enqueue_indirect_dma source(%dma_start3A_312 : memref<1000x8x768xf32, #tpu.memory_space<hbm>>) target(%dma_start3A_306 : memref<8x8x768xf32, #tpu.memory_space<vmem>>) offsets(%dma_start3A_308 : memref<8xi32, #tpu.memory_space<vmem>>) semaphore(%arg10 : memref<!tpu.dma_semaphore, #tpu.memory_space<semaphore_mem>>)
    %dma_wait3A_313 = arith.constant 1 : i32
    %dma_wait3A_314 = arith.constant 0 : i32
    %dma_wait3A_315 = arith.constant 0 : i32
    %dma_wait3A_316 = arith.constant 0 : i32
    %dma_wait3A_317 = tpu.memref_slice %arg9[%dma_wait3A_313, %dma_wait3A_314, %dma_wait3A_315, %dma_wait3A_316] : memref<2x8x8x768xf32, #tpu.memory_space<vmem>> -> memref<1x8x8x768xf32, #tpu.memory_space<vmem>>
    %dma_wait3A_318 = tpu.memref_squeeze %dma_wait3A_317 : memref<1x8x8x768xf32, #tpu.memory_space<vmem>> -> memref<8x8x768xf32, #tpu.memory_space<vmem>>
    %dma_wait3A_319 = arith.constant 24 : i32
    %dma_wait3A_320 = tpu.memref_slice %arg8[%dma_wait3A_319] : memref<64xi32, #tpu.memory_space<vmem>> -> memref<8xi32, #tpu.memory_space<vmem>>
    %dma_wait3A_321 = arith.constant 0 : i32
    %dma_wait3A_322 = arith.constant 0 : i32
    %dma_wait3A_323 = arith.constant 0 : i32
    %dma_wait3A_324 = tpu.memref_slice %arg2[%dma_wait3A_321, %dma_wait3A_322, %dma_wait3A_323] : memref<1000x8x768xf32, #tpu.memory_space<hbm>> -> memref<1000x8x768xf32, #tpu.memory_space<hbm>>
    tpu.wait_indirect_dma semaphore(%arg11 : memref<!tpu.dma_semaphore, #tpu.memory_space<semaphore_mem>>) src(%dma_wait3A_324 : memref<1000x8x768xf32, #tpu.memory_space<hbm>>) dst(%dma_wait3A_318 : memref<8x8x768xf32, #tpu.memory_space<vmem>>)
    %add3A_325 = arith.constant 2048 : i32
    %add3A_326 = arith.addi %add3A_325, %mul3A_2 : i32
    %add3A_327 = arith.constant 24 : i32
    %add3A_328 = arith.addi %add3A_326, %add3A_327 : i32
    %dma_start3A_329 = arith.constant 1 : i32
    %dma_start3A_330 = arith.constant 0 : i32
    %dma_start3A_331 = arith.constant 0 : i32
    %dma_start3A_332 = arith.constant 0 : i32
    %dma_start3A_333 = tpu.memref_slice %arg9[%dma_start3A_329, %dma_start3A_330, %dma_start3A_331, %dma_start3A_332] : memref<2x8x8x768xf32, #tpu.memory_space<vmem>> -> memref<1x8x4x768xf32, #tpu.memory_space<vmem>>
    %dma_start3A_334 = tpu.memref_squeeze %dma_start3A_333 : memref<1x8x4x768xf32, #tpu.memory_space<vmem>> -> memref<8x4x768xf32, #tpu.memory_space<vmem>>
    %dma_start3A_335 = arith.constant 0 : i32
    %dma_start3A_336 = arith.constant 0 : i32
    %dma_start3A_337 = tpu.memref_slice %arg4[%add3A_328, %dma_start3A_335, %dma_start3A_336] : memref<4096x4x768xf32, #tpu.memory_space<hbm>> -> memref<8x4x768xf32, #tpu.memory_space<hbm>>
    %dma_start3A_338 = arith.constant 0 : i32
    %dma_start3A_339 = arith.constant 0 : i32
    %dma_start3A_340 = tpu.memref_slice %arg4[%add3A_328, %dma_start3A_338, %dma_start3A_339] : memref<4096x4x768xf32, #tpu.memory_space<hbm>> -> memref<8x4x768xf32, #tpu.memory_space<hbm>>
    %dma_start3A_341 = arith.constant 0 : i32
    %dma_start3A_342 = arith.constant 0 : i32
    %dma_start3A_343 = arith.constant 0 : i32
    %dma_start3A_344 = tpu.memref_slice %arg9[%dma_start3A_329, %dma_start3A_341, %dma_start3A_342, %dma_start3A_343] : memref<2x8x8x768xf32, #tpu.memory_space<vmem>> -> memref<1x8x4x768xf32, #tpu.memory_space<vmem>>
    %dma_start3A_345 = tpu.memref_squeeze %dma_start3A_344 : memref<1x8x4x768xf32, #tpu.memory_space<vmem>> -> memref<8x4x768xf32, #tpu.memory_space<vmem>>
    tpu.enqueue_dma source(%dma_start3A_345 : memref<8x4x768xf32, #tpu.memory_space<vmem>>) target(%dma_start3A_340 : memref<8x4x768xf32, #tpu.memory_space<hbm>>) target_semaphore(%arg13 : memref<!tpu.dma_semaphore, #tpu.memory_space<semaphore_mem>>)
    %dma_start3A_346 = arith.constant 1 : i32
    %dma_start3A_347 = arith.constant 0 : i32
    %dma_start3A_348 = arith.constant 4 : i32
    %dma_start3A_349 = arith.constant 0 : i32
    %dma_start3A_350 = tpu.memref_slice %arg9[%dma_start3A_346, %dma_start3A_347, %dma_start3A_348, %dma_start3A_349] : memref<2x8x8x768xf32, #tpu.memory_space<vmem>> -> memref<1x8x4x768xf32, #tpu.memory_space<vmem>>
    %dma_start3A_351 = tpu.memref_squeeze %dma_start3A_350 : memref<1x8x4x768xf32, #tpu.memory_space<vmem>> -> memref<8x4x768xf32, #tpu.memory_space<vmem>>
    %dma_start3A_352 = arith.constant 0 : i32
    %dma_start3A_353 = arith.constant 0 : i32
    %dma_start3A_354 = tpu.memref_slice %arg5[%add3A_328, %dma_start3A_352, %dma_start3A_353] : memref<4096x4x768xf32, #tpu.memory_space<hbm>> -> memref<8x4x768xf32, #tpu.memory_space<hbm>>
    %dma_start3A_355 = arith.constant 0 : i32
    %dma_start3A_356 = arith.constant 0 : i32
    %dma_start3A_357 = tpu.memref_slice %arg5[%add3A_328, %dma_start3A_355, %dma_start3A_356] : memref<4096x4x768xf32, #tpu.memory_space<hbm>> -> memref<8x4x768xf32, #tpu.memory_space<hbm>>
    %dma_start3A_358 = arith.constant 0 : i32
    %dma_start3A_359 = arith.constant 4 : i32
    %dma_start3A_360 = arith.constant 0 : i32
    %dma_start3A_361 = tpu.memref_slice %arg9[%dma_start3A_346, %dma_start3A_358, %dma_start3A_359, %dma_start3A_360] : memref<2x8x8x768xf32, #tpu.memory_space<vmem>> -> memref<1x8x4x768xf32, #tpu.memory_space<vmem>>
    %dma_start3A_362 = tpu.memref_squeeze %dma_start3A_361 : memref<1x8x4x768xf32, #tpu.memory_space<vmem>> -> memref<8x4x768xf32, #tpu.memory_space<vmem>>
    tpu.enqueue_dma source(%dma_start3A_362 : memref<8x4x768xf32, #tpu.memory_space<vmem>>) target(%dma_start3A_357 : memref<8x4x768xf32, #tpu.memory_space<hbm>>) target_semaphore(%arg13 : memref<!tpu.dma_semaphore, #tpu.memory_space<semaphore_mem>>)
    %dma_wait3A_363 = arith.constant 1 : i32
    %dma_wait3A_364 = arith.constant 0 : i32
    %dma_wait3A_365 = arith.constant 0 : i32
    %dma_wait3A_366 = arith.constant 0 : i32
    %dma_wait3A_367 = tpu.memref_slice %arg9[%dma_wait3A_363, %dma_wait3A_364, %dma_wait3A_365, %dma_wait3A_366] : memref<2x8x8x768xf32, #tpu.memory_space<vmem>> -> memref<1x8x4x768xf32, #tpu.memory_space<vmem>>
    %dma_wait3A_368 = tpu.memref_squeeze %dma_wait3A_367 : memref<1x8x4x768xf32, #tpu.memory_space<vmem>> -> memref<8x4x768xf32, #tpu.memory_space<vmem>>
    %dma_wait3A_369 = arith.constant 0 : i32
    %dma_wait3A_370 = arith.constant 0 : i32
    %dma_wait3A_371 = tpu.memref_slice %arg4[%add3A_328, %dma_wait3A_369, %dma_wait3A_370] : memref<4096x4x768xf32, #tpu.memory_space<hbm>> -> memref<8x4x768xf32, #tpu.memory_space<hbm>>
    %dma_wait3A_372 = arith.constant 0 : i32
    %dma_wait3A_373 = arith.constant 0 : i32
    %dma_wait3A_374 = tpu.memref_slice %arg4[%add3A_328, %dma_wait3A_372, %dma_wait3A_373] : memref<4096x4x768xf32, #tpu.memory_space<hbm>> -> memref<8x4x768xf32, #tpu.memory_space<hbm>>
    %dma_wait3A_375 = arith.constant 0 : i32
    %dma_wait3A_376 = arith.constant 0 : i32
    %dma_wait3A_377 = arith.constant 0 : i32
    %dma_wait3A_378 = tpu.memref_slice %arg9[%dma_wait3A_363, %dma_wait3A_375, %dma_wait3A_376, %dma_wait3A_377] : memref<2x8x8x768xf32, #tpu.memory_space<vmem>> -> memref<1x8x4x768xf32, #tpu.memory_space<vmem>>
    %dma_wait3A_379 = tpu.memref_squeeze %dma_wait3A_378 : memref<1x8x4x768xf32, #tpu.memory_space<vmem>> -> memref<8x4x768xf32, #tpu.memory_space<vmem>>
    tpu.wait_dma2 semaphore(%arg13 : memref<!tpu.dma_semaphore, #tpu.memory_space<semaphore_mem>>) src(%dma_wait3A_379 : memref<8x4x768xf32, #tpu.memory_space<vmem>>) dst(%dma_wait3A_374 : memref<8x4x768xf32, #tpu.memory_space<hbm>>)
    %dma_wait3A_380 = arith.constant 1 : i32
    %dma_wait3A_381 = arith.constant 0 : i32
    %dma_wait3A_382 = arith.constant 4 : i32
    %dma_wait3A_383 = arith.constant 0 : i32
    %dma_wait3A_384 = tpu.memref_slice %arg9[%dma_wait3A_380, %dma_wait3A_381, %dma_wait3A_382, %dma_wait3A_383] : memref<2x8x8x768xf32, #tpu.memory_space<vmem>> -> memref<1x8x4x768xf32, #tpu.memory_space<vmem>>
    %dma_wait3A_385 = tpu.memref_squeeze %dma_wait3A_384 : memref<1x8x4x768xf32, #tpu.memory_space<vmem>> -> memref<8x4x768xf32, #tpu.memory_space<vmem>>
    %dma_wait3A_386 = arith.constant 0 : i32
    %dma_wait3A_387 = arith.constant 0 : i32
    %dma_wait3A_388 = tpu.memref_slice %arg5[%add3A_328, %dma_wait3A_386, %dma_wait3A_387] : memref<4096x4x768xf32, #tpu.memory_space<hbm>> -> memref<8x4x768xf32, #tpu.memory_space<hbm>>
    %dma_wait3A_389 = arith.constant 0 : i32
    %dma_wait3A_390 = arith.constant 0 : i32
    %dma_wait3A_391 = tpu.memref_slice %arg5[%add3A_328, %dma_wait3A_389, %dma_wait3A_390] : memref<4096x4x768xf32, #tpu.memory_space<hbm>> -> memref<8x4x768xf32, #tpu.memory_space<hbm>>
    %dma_wait3A_392 = arith.constant 0 : i32
    %dma_wait3A_393 = arith.constant 4 : i32
    %dma_wait3A_394 = arith.constant 0 : i32
    %dma_wait3A_395 = tpu.memref_slice %arg9[%dma_wait3A_380, %dma_wait3A_392, %dma_wait3A_393, %dma_wait3A_394] : memref<2x8x8x768xf32, #tpu.memory_space<vmem>> -> memref<1x8x4x768xf32, #tpu.memory_space<vmem>>
    %dma_wait3A_396 = tpu.memref_squeeze %dma_wait3A_395 : memref<1x8x4x768xf32, #tpu.memory_space<vmem>> -> memref<8x4x768xf32, #tpu.memory_space<vmem>>
    tpu.wait_dma2 semaphore(%arg13 : memref<!tpu.dma_semaphore, #tpu.memory_space<semaphore_mem>>) src(%dma_wait3A_396 : memref<8x4x768xf32, #tpu.memory_space<vmem>>) dst(%dma_wait3A_391 : memref<8x4x768xf32, #tpu.memory_space<hbm>>)
    %dma_start3A_397 = arith.constant 1 : i32
    %dma_start3A_398 = arith.constant 0 : i32
    %dma_start3A_399 = arith.constant 0 : i32
    %dma_start3A_400 = arith.constant 0 : i32
    %dma_start3A_401 = tpu.memref_slice %arg9[%dma_start3A_397, %dma_start3A_398, %dma_start3A_399, %dma_start3A_400] : memref<2x8x8x768xf32, #tpu.memory_space<vmem>> -> memref<1x8x8x768xf32, #tpu.memory_space<vmem>>
    %dma_start3A_402 = tpu.memref_squeeze %dma_start3A_401 : memref<1x8x8x768xf32, #tpu.memory_space<vmem>> -> memref<8x8x768xf32, #tpu.memory_space<vmem>>
    %dma_start3A_403 = arith.constant 40 : i32
    %dma_start3A_404 = tpu.memref_slice %arg8[%dma_start3A_403] : memref<64xi32, #tpu.memory_space<vmem>> -> memref<8xi32, #tpu.memory_space<vmem>>
    %dma_start3A_405 = arith.constant 0 : i32
    %dma_start3A_406 = arith.constant 0 : i32
    %dma_start3A_407 = arith.constant 0 : i32
    %dma_start3A_408 = tpu.memref_slice %arg2[%dma_start3A_405, %dma_start3A_406, %dma_start3A_407] : memref<1000x8x768xf32, #tpu.memory_space<hbm>> -> memref<1000x8x768xf32, #tpu.memory_space<hbm>>
    tpu.enqueue_indirect_dma source(%dma_start3A_408 : memref<1000x8x768xf32, #tpu.memory_space<hbm>>) target(%dma_start3A_402 : memref<8x8x768xf32, #tpu.memory_space<vmem>>) offsets(%dma_start3A_404 : memref<8xi32, #tpu.memory_space<vmem>>) semaphore(%arg11 : memref<!tpu.dma_semaphore, #tpu.memory_space<semaphore_mem>>)
    %dma_wait3A_409 = arith.constant 0 : i32
    %dma_wait3A_410 = arith.constant 0 : i32
    %dma_wait3A_411 = arith.constant 0 : i32
    %dma_wait3A_412 = arith.constant 0 : i32
    %dma_wait3A_413 = tpu.memref_slice %arg9[%dma_wait3A_409, %dma_wait3A_410, %dma_wait3A_411, %dma_wait3A_412] : memref<2x8x8x768xf32, #tpu.memory_space<vmem>> -> memref<1x8x8x768xf32, #tpu.memory_space<vmem>>
    %dma_wait3A_414 = tpu.memref_squeeze %dma_wait3A_413 : memref<1x8x8x768xf32, #tpu.memory_space<vmem>> -> memref<8x8x768xf32, #tpu.memory_space<vmem>>
    %dma_wait3A_415 = arith.constant 32 : i32
    %dma_wait3A_416 = tpu.memref_slice %arg8[%dma_wait3A_415] : memref<64xi32, #tpu.memory_space<vmem>> -> memref<8xi32, #tpu.memory_space<vmem>>
    %dma_wait3A_417 = arith.constant 0 : i32
    %dma_wait3A_418 = arith.constant 0 : i32
    %dma_wait3A_419 = arith.constant 0 : i32
    %dma_wait3A_420 = tpu.memref_slice %arg2[%dma_wait3A_417, %dma_wait3A_418, %dma_wait3A_419] : memref<1000x8x768xf32, #tpu.memory_space<hbm>> -> memref<1000x8x768xf32, #tpu.memory_space<hbm>>
    tpu.wait_indirect_dma semaphore(%arg10 : memref<!tpu.dma_semaphore, #tpu.memory_space<semaphore_mem>>) src(%dma_wait3A_420 : memref<1000x8x768xf32, #tpu.memory_space<hbm>>) dst(%dma_wait3A_414 : memref<8x8x768xf32, #tpu.memory_space<vmem>>)
    %add3A_421 = arith.constant 2048 : i32
    %add3A_422 = arith.addi %add3A_421, %mul3A_2 : i32
    %add3A_423 = arith.constant 32 : i32
    %add3A_424 = arith.addi %add3A_422, %add3A_423 : i32
    %dma_start3A_425 = arith.constant 0 : i32
    %dma_start3A_426 = arith.constant 0 : i32
    %dma_start3A_427 = arith.constant 0 : i32
    %dma_start3A_428 = arith.constant 0 : i32
    %dma_start3A_429 = tpu.memref_slice %arg9[%dma_start3A_425, %dma_start3A_426, %dma_start3A_427, %dma_start3A_428] : memref<2x8x8x768xf32, #tpu.memory_space<vmem>> -> memref<1x8x4x768xf32, #tpu.memory_space<vmem>>
    %dma_start3A_430 = tpu.memref_squeeze %dma_start3A_429 : memref<1x8x4x768xf32, #tpu.memory_space<vmem>> -> memref<8x4x768xf32, #tpu.memory_space<vmem>>
    %dma_start3A_431 = arith.constant 0 : i32
    %dma_start3A_432 = arith.constant 0 : i32
    %dma_start3A_433 = tpu.memref_slice %arg4[%add3A_424, %dma_start3A_431, %dma_start3A_432] : memref<4096x4x768xf32, #tpu.memory_space<hbm>> -> memref<8x4x768xf32, #tpu.memory_space<hbm>>
    %dma_start3A_434 = arith.constant 0 : i32
    %dma_start3A_435 = arith.constant 0 : i32
    %dma_start3A_436 = tpu.memref_slice %arg4[%add3A_424, %dma_start3A_434, %dma_start3A_435] : memref<4096x4x768xf32, #tpu.memory_space<hbm>> -> memref<8x4x768xf32, #tpu.memory_space<hbm>>
    %dma_start3A_437 = arith.constant 0 : i32
    %dma_start3A_438 = arith.constant 0 : i32
    %dma_start3A_439 = arith.constant 0 : i32
    %dma_start3A_440 = tpu.memref_slice %arg9[%dma_start3A_425, %dma_start3A_437, %dma_start3A_438, %dma_start3A_439] : memref<2x8x8x768xf32, #tpu.memory_space<vmem>> -> memref<1x8x4x768xf32, #tpu.memory_space<vmem>>
    %dma_start3A_441 = tpu.memref_squeeze %dma_start3A_440 : memref<1x8x4x768xf32, #tpu.memory_space<vmem>> -> memref<8x4x768xf32, #tpu.memory_space<vmem>>
    tpu.enqueue_dma source(%dma_start3A_441 : memref<8x4x768xf32, #tpu.memory_space<vmem>>) target(%dma_start3A_436 : memref<8x4x768xf32, #tpu.memory_space<hbm>>) target_semaphore(%arg12 : memref<!tpu.dma_semaphore, #tpu.memory_space<semaphore_mem>>)
    %dma_start3A_442 = arith.constant 0 : i32
    %dma_start3A_443 = arith.constant 0 : i32
    %dma_start3A_444 = arith.constant 4 : i32
    %dma_start3A_445 = arith.constant 0 : i32
    %dma_start3A_446 = tpu.memref_slice %arg9[%dma_start3A_442, %dma_start3A_443, %dma_start3A_444, %dma_start3A_445] : memref<2x8x8x768xf32, #tpu.memory_space<vmem>> -> memref<1x8x4x768xf32, #tpu.memory_space<vmem>>
    %dma_start3A_447 = tpu.memref_squeeze %dma_start3A_446 : memref<1x8x4x768xf32, #tpu.memory_space<vmem>> -> memref<8x4x768xf32, #tpu.memory_space<vmem>>
    %dma_start3A_448 = arith.constant 0 : i32
    %dma_start3A_449 = arith.constant 0 : i32
    %dma_start3A_450 = tpu.memref_slice %arg5[%add3A_424, %dma_start3A_448, %dma_start3A_449] : memref<4096x4x768xf32, #tpu.memory_space<hbm>> -> memref<8x4x768xf32, #tpu.memory_space<hbm>>
    %dma_start3A_451 = arith.constant 0 : i32
    %dma_start3A_452 = arith.constant 0 : i32
    %dma_start3A_453 = tpu.memref_slice %arg5[%add3A_424, %dma_start3A_451, %dma_start3A_452] : memref<4096x4x768xf32, #tpu.memory_space<hbm>> -> memref<8x4x768xf32, #tpu.memory_space<hbm>>
    %dma_start3A_454 = arith.constant 0 : i32
    %dma_start3A_455 = arith.constant 4 : i32
    %dma_start3A_456 = arith.constant 0 : i32
    %dma_start3A_457 = tpu.memref_slice %arg9[%dma_start3A_442, %dma_start3A_454, %dma_start3A_455, %dma_start3A_456] : memref<2x8x8x768xf32, #tpu.memory_space<vmem>> -> memref<1x8x4x768xf32, #tpu.memory_space<vmem>>
    %dma_start3A_458 = tpu.memref_squeeze %dma_start3A_457 : memref<1x8x4x768xf32, #tpu.memory_space<vmem>> -> memref<8x4x768xf32, #tpu.memory_space<vmem>>
    tpu.enqueue_dma source(%dma_start3A_458 : memref<8x4x768xf32, #tpu.memory_space<vmem>>) target(%dma_start3A_453 : memref<8x4x768xf32, #tpu.memory_space<hbm>>) target_semaphore(%arg12 : memref<!tpu.dma_semaphore, #tpu.memory_space<semaphore_mem>>)
    %dma_wait3A_459 = arith.constant 0 : i32
    %dma_wait3A_460 = arith.constant 0 : i32
    %dma_wait3A_461 = arith.constant 0 : i32
    %dma_wait3A_462 = arith.constant 0 : i32
    %dma_wait3A_463 = tpu.memref_slice %arg9[%dma_wait3A_459, %dma_wait3A_460, %dma_wait3A_461, %dma_wait3A_462] : memref<2x8x8x768xf32, #tpu.memory_space<vmem>> -> memref<1x8x4x768xf32, #tpu.memory_space<vmem>>
    %dma_wait3A_464 = tpu.memref_squeeze %dma_wait3A_463 : memref<1x8x4x768xf32, #tpu.memory_space<vmem>> -> memref<8x4x768xf32, #tpu.memory_space<vmem>>
    %dma_wait3A_465 = arith.constant 0 : i32
    %dma_wait3A_466 = arith.constant 0 : i32
    %dma_wait3A_467 = tpu.memref_slice %arg4[%add3A_424, %dma_wait3A_465, %dma_wait3A_466] : memref<4096x4x768xf32, #tpu.memory_space<hbm>> -> memref<8x4x768xf32, #tpu.memory_space<hbm>>
    %dma_wait3A_468 = arith.constant 0 : i32
    %dma_wait3A_469 = arith.constant 0 : i32
    %dma_wait3A_470 = tpu.memref_slice %arg4[%add3A_424, %dma_wait3A_468, %dma_wait3A_469] : memref<4096x4x768xf32, #tpu.memory_space<hbm>> -> memref<8x4x768xf32, #tpu.memory_space<hbm>>
    %dma_wait3A_471 = arith.constant 0 : i32
    %dma_wait3A_472 = arith.constant 0 : i32
    %dma_wait3A_473 = arith.constant 0 : i32
    %dma_wait3A_474 = tpu.memref_slice %arg9[%dma_wait3A_459, %dma_wait3A_471, %dma_wait3A_472, %dma_wait3A_473] : memref<2x8x8x768xf32, #tpu.memory_space<vmem>> -> memref<1x8x4x768xf32, #tpu.memory_space<vmem>>
    %dma_wait3A_475 = tpu.memref_squeeze %dma_wait3A_474 : memref<1x8x4x768xf32, #tpu.memory_space<vmem>> -> memref<8x4x768xf32, #tpu.memory_space<vmem>>
    tpu.wait_dma2 semaphore(%arg12 : memref<!tpu.dma_semaphore, #tpu.memory_space<semaphore_mem>>) src(%dma_wait3A_475 : memref<8x4x768xf32, #tpu.memory_space<vmem>>) dst(%dma_wait3A_470 : memref<8x4x768xf32, #tpu.memory_space<hbm>>)
    %dma_wait3A_476 = arith.constant 0 : i32
    %dma_wait3A_477 = arith.constant 0 : i32
    %dma_wait3A_478 = arith.constant 4 : i32
    %dma_wait3A_479 = arith.constant 0 : i32
    %dma_wait3A_480 = tpu.memref_slice %arg9[%dma_wait3A_476, %dma_wait3A_477, %dma_wait3A_478, %dma_wait3A_479] : memref<2x8x8x768xf32, #tpu.memory_space<vmem>> -> memref<1x8x4x768xf32, #tpu.memory_space<vmem>>
    %dma_wait3A_481 = tpu.memref_squeeze %dma_wait3A_480 : memref<1x8x4x768xf32, #tpu.memory_space<vmem>> -> memref<8x4x768xf32, #tpu.memory_space<vmem>>
    %dma_wait3A_482 = arith.constant 0 : i32
    %dma_wait3A_483 = arith.constant 0 : i32
    %dma_wait3A_484 = tpu.memref_slice %arg5[%add3A_424, %dma_wait3A_482, %dma_wait3A_483] : memref<4096x4x768xf32, #tpu.memory_space<hbm>> -> memref<8x4x768xf32, #tpu.memory_space<hbm>>
    %dma_wait3A_485 = arith.constant 0 : i32
    %dma_wait3A_486 = arith.constant 0 : i32
    %dma_wait3A_487 = tpu.memref_slice %arg5[%add3A_424, %dma_wait3A_485, %dma_wait3A_486] : memref<4096x4x768xf32, #tpu.memory_space<hbm>> -> memref<8x4x768xf32, #tpu.memory_space<hbm>>
    %dma_wait3A_488 = arith.constant 0 : i32
    %dma_wait3A_489 = arith.constant 4 : i32
    %dma_wait3A_490 = arith.constant 0 : i32
    %dma_wait3A_491 = tpu.memref_slice %arg9[%dma_wait3A_476, %dma_wait3A_488, %dma_wait3A_489, %dma_wait3A_490] : memref<2x8x8x768xf32, #tpu.memory_space<vmem>> -> memref<1x8x4x768xf32, #tpu.memory_space<vmem>>
    %dma_wait3A_492 = tpu.memref_squeeze %dma_wait3A_491 : memref<1x8x4x768xf32, #tpu.memory_space<vmem>> -> memref<8x4x768xf32, #tpu.memory_space<vmem>>
    tpu.wait_dma2 semaphore(%arg12 : memref<!tpu.dma_semaphore, #tpu.memory_space<semaphore_mem>>) src(%dma_wait3A_492 : memref<8x4x768xf32, #tpu.memory_space<vmem>>) dst(%dma_wait3A_487 : memref<8x4x768xf32, #tpu.memory_space<hbm>>)
    %dma_start3A_493 = arith.constant 0 : i32
    %dma_start3A_494 = arith.constant 0 : i32
    %dma_start3A_495 = arith.constant 0 : i32
    %dma_start3A_496 = arith.constant 0 : i32
    %dma_start3A_497 = tpu.memref_slice %arg9[%dma_start3A_493, %dma_start3A_494, %dma_start3A_495, %dma_start3A_496] : memref<2x8x8x768xf32, #tpu.memory_space<vmem>> -> memref<1x8x8x768xf32, #tpu.memory_space<vmem>>
    %dma_start3A_498 = tpu.memref_squeeze %dma_start3A_497 : memref<1x8x8x768xf32, #tpu.memory_space<vmem>> -> memref<8x8x768xf32, #tpu.memory_space<vmem>>
    %dma_start3A_499 = arith.constant 48 : i32
    %dma_start3A_500 = tpu.memref_slice %arg8[%dma_start3A_499] : memref<64xi32, #tpu.memory_space<vmem>> -> memref<8xi32, #tpu.memory_space<vmem>>
    %dma_start3A_501 = arith.constant 0 : i32
    %dma_start3A_502 = arith.constant 0 : i32
    %dma_start3A_503 = arith.constant 0 : i32
    %dma_start3A_504 = tpu.memref_slice %arg2[%dma_start3A_501, %dma_start3A_502, %dma_start3A_503] : memref<1000x8x768xf32, #tpu.memory_space<hbm>> -> memref<1000x8x768xf32, #tpu.memory_space<hbm>>
    tpu.enqueue_indirect_dma source(%dma_start3A_504 : memref<1000x8x768xf32, #tpu.memory_space<hbm>>) target(%dma_start3A_498 : memref<8x8x768xf32, #tpu.memory_space<vmem>>) offsets(%dma_start3A_500 : memref<8xi32, #tpu.memory_space<vmem>>) semaphore(%arg10 : memref<!tpu.dma_semaphore, #tpu.memory_space<semaphore_mem>>)
    %dma_wait3A_505 = arith.constant 1 : i32
    %dma_wait3A_506 = arith.constant 0 : i32
    %dma_wait3A_507 = arith.constant 0 : i32
    %dma_wait3A_508 = arith.constant 0 : i32
    %dma_wait3A_509 = tpu.memref_slice %arg9[%dma_wait3A_505, %dma_wait3A_506, %dma_wait3A_507, %dma_wait3A_508] : memref<2x8x8x768xf32, #tpu.memory_space<vmem>> -> memref<1x8x8x768xf32, #tpu.memory_space<vmem>>
    %dma_wait3A_510 = tpu.memref_squeeze %dma_wait3A_509 : memref<1x8x8x768xf32, #tpu.memory_space<vmem>> -> memref<8x8x768xf32, #tpu.memory_space<vmem>>
    %dma_wait3A_511 = arith.constant 40 : i32
    %dma_wait3A_512 = tpu.memref_slice %arg8[%dma_wait3A_511] : memref<64xi32, #tpu.memory_space<vmem>> -> memref<8xi32, #tpu.memory_space<vmem>>
    %dma_wait3A_513 = arith.constant 0 : i32
    %dma_wait3A_514 = arith.constant 0 : i32
    %dma_wait3A_515 = arith.constant 0 : i32
    %dma_wait3A_516 = tpu.memref_slice %arg2[%dma_wait3A_513, %dma_wait3A_514, %dma_wait3A_515] : memref<1000x8x768xf32, #tpu.memory_space<hbm>> -> memref<1000x8x768xf32, #tpu.memory_space<hbm>>
    tpu.wait_indirect_dma semaphore(%arg11 : memref<!tpu.dma_semaphore, #tpu.memory_space<semaphore_mem>>) src(%dma_wait3A_516 : memref<1000x8x768xf32, #tpu.memory_space<hbm>>) dst(%dma_wait3A_510 : memref<8x8x768xf32, #tpu.memory_space<vmem>>)
    %add3A_517 = arith.constant 2048 : i32
    %add3A_518 = arith.addi %add3A_517, %mul3A_2 : i32
    %add3A_519 = arith.constant 40 : i32
    %add3A_520 = arith.addi %add3A_518, %add3A_519 : i32
    %dma_start3A_521 = arith.constant 1 : i32
    %dma_start3A_522 = arith.constant 0 : i32
    %dma_start3A_523 = arith.constant 0 : i32
    %dma_start3A_524 = arith.constant 0 : i32
    %dma_start3A_525 = tpu.memref_slice %arg9[%dma_start3A_521, %dma_start3A_522, %dma_start3A_523, %dma_start3A_524] : memref<2x8x8x768xf32, #tpu.memory_space<vmem>> -> memref<1x8x4x768xf32, #tpu.memory_space<vmem>>
    %dma_start3A_526 = tpu.memref_squeeze %dma_start3A_525 : memref<1x8x4x768xf32, #tpu.memory_space<vmem>> -> memref<8x4x768xf32, #tpu.memory_space<vmem>>
    %dma_start3A_527 = arith.constant 0 : i32
    %dma_start3A_528 = arith.constant 0 : i32
    %dma_start3A_529 = tpu.memref_slice %arg4[%add3A_520, %dma_start3A_527, %dma_start3A_528] : memref<4096x4x768xf32, #tpu.memory_space<hbm>> -> memref<8x4x768xf32, #tpu.memory_space<hbm>>
    %dma_start3A_530 = arith.constant 0 : i32
    %dma_start3A_531 = arith.constant 0 : i32
    %dma_start3A_532 = tpu.memref_slice %arg4[%add3A_520, %dma_start3A_530, %dma_start3A_531] : memref<4096x4x768xf32, #tpu.memory_space<hbm>> -> memref<8x4x768xf32, #tpu.memory_space<hbm>>
    %dma_start3A_533 = arith.constant 0 : i32
    %dma_start3A_534 = arith.constant 0 : i32
    %dma_start3A_535 = arith.constant 0 : i32
    %dma_start3A_536 = tpu.memref_slice %arg9[%dma_start3A_521, %dma_start3A_533, %dma_start3A_534, %dma_start3A_535] : memref<2x8x8x768xf32, #tpu.memory_space<vmem>> -> memref<1x8x4x768xf32, #tpu.memory_space<vmem>>
    %dma_start3A_537 = tpu.memref_squeeze %dma_start3A_536 : memref<1x8x4x768xf32, #tpu.memory_space<vmem>> -> memref<8x4x768xf32, #tpu.memory_space<vmem>>
    tpu.enqueue_dma source(%dma_start3A_537 : memref<8x4x768xf32, #tpu.memory_space<vmem>>) target(%dma_start3A_532 : memref<8x4x768xf32, #tpu.memory_space<hbm>>) target_semaphore(%arg13 : memref<!tpu.dma_semaphore, #tpu.memory_space<semaphore_mem>>)
    %dma_start3A_538 = arith.constant 1 : i32
    %dma_start3A_539 = arith.constant 0 : i32
    %dma_start3A_540 = arith.constant 4 : i32
    %dma_start3A_541 = arith.constant 0 : i32
    %dma_start3A_542 = tpu.memref_slice %arg9[%dma_start3A_538, %dma_start3A_539, %dma_start3A_540, %dma_start3A_541] : memref<2x8x8x768xf32, #tpu.memory_space<vmem>> -> memref<1x8x4x768xf32, #tpu.memory_space<vmem>>
    %dma_start3A_543 = tpu.memref_squeeze %dma_start3A_542 : memref<1x8x4x768xf32, #tpu.memory_space<vmem>> -> memref<8x4x768xf32, #tpu.memory_space<vmem>>
    %dma_start3A_544 = arith.constant 0 : i32
    %dma_start3A_545 = arith.constant 0 : i32
    %dma_start3A_546 = tpu.memref_slice %arg5[%add3A_520, %dma_start3A_544, %dma_start3A_545] : memref<4096x4x768xf32, #tpu.memory_space<hbm>> -> memref<8x4x768xf32, #tpu.memory_space<hbm>>
    %dma_start3A_547 = arith.constant 0 : i32
    %dma_start3A_548 = arith.constant 0 : i32
    %dma_start3A_549 = tpu.memref_slice %arg5[%add3A_520, %dma_start3A_547, %dma_start3A_548] : memref<4096x4x768xf32, #tpu.memory_space<hbm>> -> memref<8x4x768xf32, #tpu.memory_space<hbm>>
    %dma_start3A_550 = arith.constant 0 : i32
    %dma_start3A_551 = arith.constant 4 : i32
    %dma_start3A_552 = arith.constant 0 : i32
    %dma_start3A_553 = tpu.memref_slice %arg9[%dma_start3A_538, %dma_start3A_550, %dma_start3A_551, %dma_start3A_552] : memref<2x8x8x768xf32, #tpu.memory_space<vmem>> -> memref<1x8x4x768xf32, #tpu.memory_space<vmem>>
    %dma_start3A_554 = tpu.memref_squeeze %dma_start3A_553 : memref<1x8x4x768xf32, #tpu.memory_space<vmem>> -> memref<8x4x768xf32, #tpu.memory_space<vmem>>
    tpu.enqueue_dma source(%dma_start3A_554 : memref<8x4x768xf32, #tpu.memory_space<vmem>>) target(%dma_start3A_549 : memref<8x4x768xf32, #tpu.memory_space<hbm>>) target_semaphore(%arg13 : memref<!tpu.dma_semaphore, #tpu.memory_space<semaphore_mem>>)
    %dma_wait3A_555 = arith.constant 1 : i32
    %dma_wait3A_556 = arith.constant 0 : i32
    %dma_wait3A_557 = arith.constant 0 : i32
    %dma_wait3A_558 = arith.constant 0 : i32
    %dma_wait3A_559 = tpu.memref_slice %arg9[%dma_wait3A_555, %dma_wait3A_556, %dma_wait3A_557, %dma_wait3A_558] : memref<2x8x8x768xf32, #tpu.memory_space<vmem>> -> memref<1x8x4x768xf32, #tpu.memory_space<vmem>>
    %dma_wait3A_560 = tpu.memref_squeeze %dma_wait3A_559 : memref<1x8x4x768xf32, #tpu.memory_space<vmem>> -> memref<8x4x768xf32, #tpu.memory_space<vmem>>
    %dma_wait3A_561 = arith.constant 0 : i32
    %dma_wait3A_562 = arith.constant 0 : i32
    %dma_wait3A_563 = tpu.memref_slice %arg4[%add3A_520, %dma_wait3A_561, %dma_wait3A_562] : memref<4096x4x768xf32, #tpu.memory_space<hbm>> -> memref<8x4x768xf32, #tpu.memory_space<hbm>>
    %dma_wait3A_564 = arith.constant 0 : i32
    %dma_wait3A_565 = arith.constant 0 : i32
    %dma_wait3A_566 = tpu.memref_slice %arg4[%add3A_520, %dma_wait3A_564, %dma_wait3A_565] : memref<4096x4x768xf32, #tpu.memory_space<hbm>> -> memref<8x4x768xf32, #tpu.memory_space<hbm>>
    %dma_wait3A_567 = arith.constant 0 : i32
    %dma_wait3A_568 = arith.constant 0 : i32
    %dma_wait3A_569 = arith.constant 0 : i32
    %dma_wait3A_570 = tpu.memref_slice %arg9[%dma_wait3A_555, %dma_wait3A_567, %dma_wait3A_568, %dma_wait3A_569] : memref<2x8x8x768xf32, #tpu.memory_space<vmem>> -> memref<1x8x4x768xf32, #tpu.memory_space<vmem>>
    %dma_wait3A_571 = tpu.memref_squeeze %dma_wait3A_570 : memref<1x8x4x768xf32, #tpu.memory_space<vmem>> -> memref<8x4x768xf32, #tpu.memory_space<vmem>>
    tpu.wait_dma2 semaphore(%arg13 : memref<!tpu.dma_semaphore, #tpu.memory_space<semaphore_mem>>) src(%dma_wait3A_571 : memref<8x4x768xf32, #tpu.memory_space<vmem>>) dst(%dma_wait3A_566 : memref<8x4x768xf32, #tpu.memory_space<hbm>>)
    %dma_wait3A_572 = arith.constant 1 : i32
    %dma_wait3A_573 = arith.constant 0 : i32
    %dma_wait3A_574 = arith.constant 4 : i32
    %dma_wait3A_575 = arith.constant 0 : i32
    %dma_wait3A_576 = tpu.memref_slice %arg9[%dma_wait3A_572, %dma_wait3A_573, %dma_wait3A_574, %dma_wait3A_575] : memref<2x8x8x768xf32, #tpu.memory_space<vmem>> -> memref<1x8x4x768xf32, #tpu.memory_space<vmem>>
    %dma_wait3A_577 = tpu.memref_squeeze %dma_wait3A_576 : memref<1x8x4x768xf32, #tpu.memory_space<vmem>> -> memref<8x4x768xf32, #tpu.memory_space<vmem>>
    %dma_wait3A_578 = arith.constant 0 : i32
    %dma_wait3A_579 = arith.constant 0 : i32
    %dma_wait3A_580 = tpu.memref_slice %arg5[%add3A_520, %dma_wait3A_578, %dma_wait3A_579] : memref<4096x4x768xf32, #tpu.memory_space<hbm>> -> memref<8x4x768xf32, #tpu.memory_space<hbm>>
    %dma_wait3A_581 = arith.constant 0 : i32
    %dma_wait3A_582 = arith.constant 0 : i32
    %dma_wait3A_583 = tpu.memref_slice %arg5[%add3A_520, %dma_wait3A_581, %dma_wait3A_582] : memref<4096x4x768xf32, #tpu.memory_space<hbm>> -> memref<8x4x768xf32, #tpu.memory_space<hbm>>
    %dma_wait3A_584 = arith.constant 0 : i32
    %dma_wait3A_585 = arith.constant 4 : i32
    %dma_wait3A_586 = arith.constant 0 : i32
    %dma_wait3A_587 = tpu.memref_slice %arg9[%dma_wait3A_572, %dma_wait3A_584, %dma_wait3A_585, %dma_wait3A_586] : memref<2x8x8x768xf32, #tpu.memory_space<vmem>> -> memref<1x8x4x768xf32, #tpu.memory_space<vmem>>
    %dma_wait3A_588 = tpu.memref_squeeze %dma_wait3A_587 : memref<1x8x4x768xf32, #tpu.memory_space<vmem>> -> memref<8x4x768xf32, #tpu.memory_space<vmem>>
    tpu.wait_dma2 semaphore(%arg13 : memref<!tpu.dma_semaphore, #tpu.memory_space<semaphore_mem>>) src(%dma_wait3A_588 : memref<8x4x768xf32, #tpu.memory_space<vmem>>) dst(%dma_wait3A_583 : memref<8x4x768xf32, #tpu.memory_space<hbm>>)
    %dma_start3A_589 = arith.constant 1 : i32
    %dma_start3A_590 = arith.constant 0 : i32
    %dma_start3A_591 = arith.constant 0 : i32
    %dma_start3A_592 = arith.constant 0 : i32
    %dma_start3A_593 = tpu.memref_slice %arg9[%dma_start3A_589, %dma_start3A_590, %dma_start3A_591, %dma_start3A_592] : memref<2x8x8x768xf32, #tpu.memory_space<vmem>> -> memref<1x8x8x768xf32, #tpu.memory_space<vmem>>
    %dma_start3A_594 = tpu.memref_squeeze %dma_start3A_593 : memref<1x8x8x768xf32, #tpu.memory_space<vmem>> -> memref<8x8x768xf32, #tpu.memory_space<vmem>>
    %dma_start3A_595 = arith.constant 56 : i32
    %dma_start3A_596 = tpu.memref_slice %arg8[%dma_start3A_595] : memref<64xi32, #tpu.memory_space<vmem>> -> memref<8xi32, #tpu.memory_space<vmem>>
    %dma_start3A_597 = arith.constant 0 : i32
    %dma_start3A_598 = arith.constant 0 : i32
    %dma_start3A_599 = arith.constant 0 : i32
    %dma_start3A_600 = tpu.memref_slice %arg2[%dma_start3A_597, %dma_start3A_598, %dma_start3A_599] : memref<1000x8x768xf32, #tpu.memory_space<hbm>> -> memref<1000x8x768xf32, #tpu.memory_space<hbm>>
    tpu.enqueue_indirect_dma source(%dma_start3A_600 : memref<1000x8x768xf32, #tpu.memory_space<hbm>>) target(%dma_start3A_594 : memref<8x8x768xf32, #tpu.memory_space<vmem>>) offsets(%dma_start3A_596 : memref<8xi32, #tpu.memory_space<vmem>>) semaphore(%arg11 : memref<!tpu.dma_semaphore, #tpu.memory_space<semaphore_mem>>)
    %dma_wait3A_601 = arith.constant 0 : i32
    %dma_wait3A_602 = arith.constant 0 : i32
    %dma_wait3A_603 = arith.constant 0 : i32
    %dma_wait3A_604 = arith.constant 0 : i32
    %dma_wait3A_605 = tpu.memref_slice %arg9[%dma_wait3A_601, %dma_wait3A_602, %dma_wait3A_603, %dma_wait3A_604] : memref<2x8x8x768xf32, #tpu.memory_space<vmem>> -> memref<1x8x8x768xf32, #tpu.memory_space<vmem>>
    %dma_wait3A_606 = tpu.memref_squeeze %dma_wait3A_605 : memref<1x8x8x768xf32, #tpu.memory_space<vmem>> -> memref<8x8x768xf32, #tpu.memory_space<vmem>>
    %dma_wait3A_607 = arith.constant 48 : i32
    %dma_wait3A_608 = tpu.memref_slice %arg8[%dma_wait3A_607] : memref<64xi32, #tpu.memory_space<vmem>> -> memref<8xi32, #tpu.memory_space<vmem>>
    %dma_wait3A_609 = arith.constant 0 : i32
    %dma_wait3A_610 = arith.constant 0 : i32
    %dma_wait3A_611 = arith.constant 0 : i32
    %dma_wait3A_612 = tpu.memref_slice %arg2[%dma_wait3A_609, %dma_wait3A_610, %dma_wait3A_611] : memref<1000x8x768xf32, #tpu.memory_space<hbm>> -> memref<1000x8x768xf32, #tpu.memory_space<hbm>>
    tpu.wait_indirect_dma semaphore(%arg10 : memref<!tpu.dma_semaphore, #tpu.memory_space<semaphore_mem>>) src(%dma_wait3A_612 : memref<1000x8x768xf32, #tpu.memory_space<hbm>>) dst(%dma_wait3A_606 : memref<8x8x768xf32, #tpu.memory_space<vmem>>)
    %add3A_613 = arith.constant 2048 : i32
    %add3A_614 = arith.addi %add3A_613, %mul3A_2 : i32
    %add3A_615 = arith.constant 48 : i32
    %add3A_616 = arith.addi %add3A_614, %add3A_615 : i32
    %dma_start3A_617 = arith.constant 0 : i32
    %dma_start3A_618 = arith.constant 0 : i32
    %dma_start3A_619 = arith.constant 0 : i32
    %dma_start3A_620 = arith.constant 0 : i32
    %dma_start3A_621 = tpu.memref_slice %arg9[%dma_start3A_617, %dma_start3A_618, %dma_start3A_619, %dma_start3A_620] : memref<2x8x8x768xf32, #tpu.memory_space<vmem>> -> memref<1x8x4x768xf32, #tpu.memory_space<vmem>>
    %dma_start3A_622 = tpu.memref_squeeze %dma_start3A_621 : memref<1x8x4x768xf32, #tpu.memory_space<vmem>> -> memref<8x4x768xf32, #tpu.memory_space<vmem>>
    %dma_start3A_623 = arith.constant 0 : i32
    %dma_start3A_624 = arith.constant 0 : i32
    %dma_start3A_625 = tpu.memref_slice %arg4[%add3A_616, %dma_start3A_623, %dma_start3A_624] : memref<4096x4x768xf32, #tpu.memory_space<hbm>> -> memref<8x4x768xf32, #tpu.memory_space<hbm>>
    %dma_start3A_626 = arith.constant 0 : i32
    %dma_start3A_627 = arith.constant 0 : i32
    %dma_start3A_628 = tpu.memref_slice %arg4[%add3A_616, %dma_start3A_626, %dma_start3A_627] : memref<4096x4x768xf32, #tpu.memory_space<hbm>> -> memref<8x4x768xf32, #tpu.memory_space<hbm>>
    %dma_start3A_629 = arith.constant 0 : i32
    %dma_start3A_630 = arith.constant 0 : i32
    %dma_start3A_631 = arith.constant 0 : i32
    %dma_start3A_632 = tpu.memref_slice %arg9[%dma_start3A_617, %dma_start3A_629, %dma_start3A_630, %dma_start3A_631] : memref<2x8x8x768xf32, #tpu.memory_space<vmem>> -> memref<1x8x4x768xf32, #tpu.memory_space<vmem>>
    %dma_start3A_633 = tpu.memref_squeeze %dma_start3A_632 : memref<1x8x4x768xf32, #tpu.memory_space<vmem>> -> memref<8x4x768xf32, #tpu.memory_space<vmem>>
    tpu.enqueue_dma source(%dma_start3A_633 : memref<8x4x768xf32, #tpu.memory_space<vmem>>) target(%dma_start3A_628 : memref<8x4x768xf32, #tpu.memory_space<hbm>>) target_semaphore(%arg12 : memref<!tpu.dma_semaphore, #tpu.memory_space<semaphore_mem>>)
    %dma_start3A_634 = arith.constant 0 : i32
    %dma_start3A_635 = arith.constant 0 : i32
    %dma_start3A_636 = arith.constant 4 : i32
    %dma_start3A_637 = arith.constant 0 : i32
    %dma_start3A_638 = tpu.memref_slice %arg9[%dma_start3A_634, %dma_start3A_635, %dma_start3A_636, %dma_start3A_637] : memref<2x8x8x768xf32, #tpu.memory_space<vmem>> -> memref<1x8x4x768xf32, #tpu.memory_space<vmem>>
    %dma_start3A_639 = tpu.memref_squeeze %dma_start3A_638 : memref<1x8x4x768xf32, #tpu.memory_space<vmem>> -> memref<8x4x768xf32, #tpu.memory_space<vmem>>
    %dma_start3A_640 = arith.constant 0 : i32
    %dma_start3A_641 = arith.constant 0 : i32
    %dma_start3A_642 = tpu.memref_slice %arg5[%add3A_616, %dma_start3A_640, %dma_start3A_641] : memref<4096x4x768xf32, #tpu.memory_space<hbm>> -> memref<8x4x768xf32, #tpu.memory_space<hbm>>
    %dma_start3A_643 = arith.constant 0 : i32
    %dma_start3A_644 = arith.constant 0 : i32
    %dma_start3A_645 = tpu.memref_slice %arg5[%add3A_616, %dma_start3A_643, %dma_start3A_644] : memref<4096x4x768xf32, #tpu.memory_space<hbm>> -> memref<8x4x768xf32, #tpu.memory_space<hbm>>
    %dma_start3A_646 = arith.constant 0 : i32
    %dma_start3A_647 = arith.constant 4 : i32
    %dma_start3A_648 = arith.constant 0 : i32
    %dma_start3A_649 = tpu.memref_slice %arg9[%dma_start3A_634, %dma_start3A_646, %dma_start3A_647, %dma_start3A_648] : memref<2x8x8x768xf32, #tpu.memory_space<vmem>> -> memref<1x8x4x768xf32, #tpu.memory_space<vmem>>
    %dma_start3A_650 = tpu.memref_squeeze %dma_start3A_649 : memref<1x8x4x768xf32, #tpu.memory_space<vmem>> -> memref<8x4x768xf32, #tpu.memory_space<vmem>>
    tpu.enqueue_dma source(%dma_start3A_650 : memref<8x4x768xf32, #tpu.memory_space<vmem>>) target(%dma_start3A_645 : memref<8x4x768xf32, #tpu.memory_space<hbm>>) target_semaphore(%arg12 : memref<!tpu.dma_semaphore, #tpu.memory_space<semaphore_mem>>)
    %dma_wait3A_651 = arith.constant 1 : i32
    %dma_wait3A_652 = arith.constant 0 : i32
    %dma_wait3A_653 = arith.constant 0 : i32
    %dma_wait3A_654 = arith.constant 0 : i32
    %dma_wait3A_655 = tpu.memref_slice %arg9[%dma_wait3A_651, %dma_wait3A_652, %dma_wait3A_653, %dma_wait3A_654] : memref<2x8x8x768xf32, #tpu.memory_space<vmem>> -> memref<1x8x8x768xf32, #tpu.memory_space<vmem>>
    %dma_wait3A_656 = tpu.memref_squeeze %dma_wait3A_655 : memref<1x8x8x768xf32, #tpu.memory_space<vmem>> -> memref<8x8x768xf32, #tpu.memory_space<vmem>>
    %dma_wait3A_657 = arith.constant 56 : i32
    %dma_wait3A_658 = tpu.memref_slice %arg8[%dma_wait3A_657] : memref<64xi32, #tpu.memory_space<vmem>> -> memref<8xi32, #tpu.memory_space<vmem>>
    %dma_wait3A_659 = arith.constant 0 : i32
    %dma_wait3A_660 = arith.constant 0 : i32
    %dma_wait3A_661 = arith.constant 0 : i32
    %dma_wait3A_662 = tpu.memref_slice %arg2[%dma_wait3A_659, %dma_wait3A_660, %dma_wait3A_661] : memref<1000x8x768xf32, #tpu.memory_space<hbm>> -> memref<1000x8x768xf32, #tpu.memory_space<hbm>>
    tpu.wait_indirect_dma semaphore(%arg11 : memref<!tpu.dma_semaphore, #tpu.memory_space<semaphore_mem>>) src(%dma_wait3A_662 : memref<1000x8x768xf32, #tpu.memory_space<hbm>>) dst(%dma_wait3A_656 : memref<8x8x768xf32, #tpu.memory_space<vmem>>)
    %add3A_663 = arith.constant 2048 : i32
    %add3A_664 = arith.addi %add3A_663, %mul3A_2 : i32
    %add3A_665 = arith.constant 56 : i32
    %add3A_666 = arith.addi %add3A_664, %add3A_665 : i32
    %dma_start3A_667 = arith.constant 1 : i32
    %dma_start3A_668 = arith.constant 0 : i32
    %dma_start3A_669 = arith.constant 0 : i32
    %dma_start3A_670 = arith.constant 0 : i32
    %dma_start3A_671 = tpu.memref_slice %arg9[%dma_start3A_667, %dma_start3A_668, %dma_start3A_669, %dma_start3A_670] : memref<2x8x8x768xf32, #tpu.memory_space<vmem>> -> memref<1x8x4x768xf32, #tpu.memory_space<vmem>>
    %dma_start3A_672 = tpu.memref_squeeze %dma_start3A_671 : memref<1x8x4x768xf32, #tpu.memory_space<vmem>> -> memref<8x4x768xf32, #tpu.memory_space<vmem>>
    %dma_start3A_673 = arith.constant 0 : i32
    %dma_start3A_674 = arith.constant 0 : i32
    %dma_start3A_675 = tpu.memref_slice %arg4[%add3A_666, %dma_start3A_673, %dma_start3A_674] : memref<4096x4x768xf32, #tpu.memory_space<hbm>> -> memref<8x4x768xf32, #tpu.memory_space<hbm>>
    %dma_start3A_676 = arith.constant 0 : i32
    %dma_start3A_677 = arith.constant 0 : i32
    %dma_start3A_678 = tpu.memref_slice %arg4[%add3A_666, %dma_start3A_676, %dma_start3A_677] : memref<4096x4x768xf32, #tpu.memory_space<hbm>> -> memref<8x4x768xf32, #tpu.memory_space<hbm>>
    %dma_start3A_679 = arith.constant 0 : i32
    %dma_start3A_680 = arith.constant 0 : i32
    %dma_start3A_681 = arith.constant 0 : i32
    %dma_start3A_682 = tpu.memref_slice %arg9[%dma_start3A_667, %dma_start3A_679, %dma_start3A_680, %dma_start3A_681] : memref<2x8x8x768xf32, #tpu.memory_space<vmem>> -> memref<1x8x4x768xf32, #tpu.memory_space<vmem>>
    %dma_start3A_683 = tpu.memref_squeeze %dma_start3A_682 : memref<1x8x4x768xf32, #tpu.memory_space<vmem>> -> memref<8x4x768xf32, #tpu.memory_space<vmem>>
    tpu.enqueue_dma source(%dma_start3A_683 : memref<8x4x768xf32, #tpu.memory_space<vmem>>) target(%dma_start3A_678 : memref<8x4x768xf32, #tpu.memory_space<hbm>>) target_semaphore(%arg13 : memref<!tpu.dma_semaphore, #tpu.memory_space<semaphore_mem>>)
    %dma_start3A_684 = arith.constant 1 : i32
    %dma_start3A_685 = arith.constant 0 : i32
    %dma_start3A_686 = arith.constant 4 : i32
    %dma_start3A_687 = arith.constant 0 : i32
    %dma_start3A_688 = tpu.memref_slice %arg9[%dma_start3A_684, %dma_start3A_685, %dma_start3A_686, %dma_start3A_687] : memref<2x8x8x768xf32, #tpu.memory_space<vmem>> -> memref<1x8x4x768xf32, #tpu.memory_space<vmem>>
    %dma_start3A_689 = tpu.memref_squeeze %dma_start3A_688 : memref<1x8x4x768xf32, #tpu.memory_space<vmem>> -> memref<8x4x768xf32, #tpu.memory_space<vmem>>
    %dma_start3A_690 = arith.constant 0 : i32
    %dma_start3A_691 = arith.constant 0 : i32
    %dma_start3A_692 = tpu.memref_slice %arg5[%add3A_666, %dma_start3A_690, %dma_start3A_691] : memref<4096x4x768xf32, #tpu.memory_space<hbm>> -> memref<8x4x768xf32, #tpu.memory_space<hbm>>
    %dma_start3A_693 = arith.constant 0 : i32
    %dma_start3A_694 = arith.constant 0 : i32
    %dma_start3A_695 = tpu.memref_slice %arg5[%add3A_666, %dma_start3A_693, %dma_start3A_694] : memref<4096x4x768xf32, #tpu.memory_space<hbm>> -> memref<8x4x768xf32, #tpu.memory_space<hbm>>
    %dma_start3A_696 = arith.constant 0 : i32
    %dma_start3A_697 = arith.constant 4 : i32
    %dma_start3A_698 = arith.constant 0 : i32
    %dma_start3A_699 = tpu.memref_slice %arg9[%dma_start3A_684, %dma_start3A_696, %dma_start3A_697, %dma_start3A_698] : memref<2x8x8x768xf32, #tpu.memory_space<vmem>> -> memref<1x8x4x768xf32, #tpu.memory_space<vmem>>
    %dma_start3A_700 = tpu.memref_squeeze %dma_start3A_699 : memref<1x8x4x768xf32, #tpu.memory_space<vmem>> -> memref<8x4x768xf32, #tpu.memory_space<vmem>>
    tpu.enqueue_dma source(%dma_start3A_700 : memref<8x4x768xf32, #tpu.memory_space<vmem>>) target(%dma_start3A_695 : memref<8x4x768xf32, #tpu.memory_space<hbm>>) target_semaphore(%arg13 : memref<!tpu.dma_semaphore, #tpu.memory_space<semaphore_mem>>)
    %dma_wait3A_701 = arith.constant 0 : i32
    %dma_wait3A_702 = arith.constant 0 : i32
    %dma_wait3A_703 = arith.constant 0 : i32
    %dma_wait3A_704 = arith.constant 0 : i32
    %dma_wait3A_705 = tpu.memref_slice %arg9[%dma_wait3A_701, %dma_wait3A_702, %dma_wait3A_703, %dma_wait3A_704] : memref<2x8x8x768xf32, #tpu.memory_space<vmem>> -> memref<1x8x4x768xf32, #tpu.memory_space<vmem>>
    %dma_wait3A_706 = tpu.memref_squeeze %dma_wait3A_705 : memref<1x8x4x768xf32, #tpu.memory_space<vmem>> -> memref<8x4x768xf32, #tpu.memory_space<vmem>>
    %dma_wait3A_707 = arith.constant 0 : i32
    %dma_wait3A_708 = arith.constant 0 : i32
    %dma_wait3A_709 = tpu.memref_slice %arg4[%add3A_616, %dma_wait3A_707, %dma_wait3A_708] : memref<4096x4x768xf32, #tpu.memory_space<hbm>> -> memref<8x4x768xf32, #tpu.memory_space<hbm>>
    %dma_wait3A_710 = arith.constant 0 : i32
    %dma_wait3A_711 = arith.constant 0 : i32
    %dma_wait3A_712 = tpu.memref_slice %arg4[%add3A_616, %dma_wait3A_710, %dma_wait3A_711] : memref<4096x4x768xf32, #tpu.memory_space<hbm>> -> memref<8x4x768xf32, #tpu.memory_space<hbm>>
    %dma_wait3A_713 = arith.constant 0 : i32
    %dma_wait3A_714 = arith.constant 0 : i32
    %dma_wait3A_715 = arith.constant 0 : i32
    %dma_wait3A_716 = tpu.memref_slice %arg9[%dma_wait3A_701, %dma_wait3A_713, %dma_wait3A_714, %dma_wait3A_715] : memref<2x8x8x768xf32, #tpu.memory_space<vmem>> -> memref<1x8x4x768xf32, #tpu.memory_space<vmem>>
    %dma_wait3A_717 = tpu.memref_squeeze %dma_wait3A_716 : memref<1x8x4x768xf32, #tpu.memory_space<vmem>> -> memref<8x4x768xf32, #tpu.memory_space<vmem>>
    tpu.wait_dma2 semaphore(%arg12 : memref<!tpu.dma_semaphore, #tpu.memory_space<semaphore_mem>>) src(%dma_wait3A_717 : memref<8x4x768xf32, #tpu.memory_space<vmem>>) dst(%dma_wait3A_712 : memref<8x4x768xf32, #tpu.memory_space<hbm>>)
    %dma_wait3A_718 = arith.constant 0 : i32
    %dma_wait3A_719 = arith.constant 0 : i32
    %dma_wait3A_720 = arith.constant 4 : i32
    %dma_wait3A_721 = arith.constant 0 : i32
    %dma_wait3A_722 = tpu.memref_slice %arg9[%dma_wait3A_718, %dma_wait3A_719, %dma_wait3A_720, %dma_wait3A_721] : memref<2x8x8x768xf32, #tpu.memory_space<vmem>> -> memref<1x8x4x768xf32, #tpu.memory_space<vmem>>
    %dma_wait3A_723 = tpu.memref_squeeze %dma_wait3A_722 : memref<1x8x4x768xf32, #tpu.memory_space<vmem>> -> memref<8x4x768xf32, #tpu.memory_space<vmem>>
    %dma_wait3A_724 = arith.constant 0 : i32
    %dma_wait3A_725 = arith.constant 0 : i32
    %dma_wait3A_726 = tpu.memref_slice %arg5[%add3A_616, %dma_wait3A_724, %dma_wait3A_725] : memref<4096x4x768xf32, #tpu.memory_space<hbm>> -> memref<8x4x768xf32, #tpu.memory_space<hbm>>
    %dma_wait3A_727 = arith.constant 0 : i32
    %dma_wait3A_728 = arith.constant 0 : i32
    %dma_wait3A_729 = tpu.memref_slice %arg5[%add3A_616, %dma_wait3A_727, %dma_wait3A_728] : memref<4096x4x768xf32, #tpu.memory_space<hbm>> -> memref<8x4x768xf32, #tpu.memory_space<hbm>>
    %dma_wait3A_730 = arith.constant 0 : i32
    %dma_wait3A_731 = arith.constant 4 : i32
    %dma_wait3A_732 = arith.constant 0 : i32
    %dma_wait3A_733 = tpu.memref_slice %arg9[%dma_wait3A_718, %dma_wait3A_730, %dma_wait3A_731, %dma_wait3A_732] : memref<2x8x8x768xf32, #tpu.memory_space<vmem>> -> memref<1x8x4x768xf32, #tpu.memory_space<vmem>>
    %dma_wait3A_734 = tpu.memref_squeeze %dma_wait3A_733 : memref<1x8x4x768xf32, #tpu.memory_space<vmem>> -> memref<8x4x768xf32, #tpu.memory_space<vmem>>
    tpu.wait_dma2 semaphore(%arg12 : memref<!tpu.dma_semaphore, #tpu.memory_space<semaphore_mem>>) src(%dma_wait3A_734 : memref<8x4x768xf32, #tpu.memory_space<vmem>>) dst(%dma_wait3A_729 : memref<8x4x768xf32, #tpu.memory_space<hbm>>)
    %dma_wait3A_735 = arith.constant 1 : i32
    %dma_wait3A_736 = arith.constant 0 : i32
    %dma_wait3A_737 = arith.constant 0 : i32
    %dma_wait3A_738 = arith.constant 0 : i32
    %dma_wait3A_739 = tpu.memref_slice %arg9[%dma_wait3A_735, %dma_wait3A_736, %dma_wait3A_737, %dma_wait3A_738] : memref<2x8x8x768xf32, #tpu.memory_space<vmem>> -> memref<1x8x4x768xf32, #tpu.memory_space<vmem>>
    %dma_wait3A_740 = tpu.memref_squeeze %dma_wait3A_739 : memref<1x8x4x768xf32, #tpu.memory_space<vmem>> -> memref<8x4x768xf32, #tpu.memory_space<vmem>>
    %dma_wait3A_741 = arith.constant 0 : i32
    %dma_wait3A_742 = arith.constant 0 : i32
    %dma_wait3A_743 = tpu.memref_slice %arg4[%add3A_666, %dma_wait3A_741, %dma_wait3A_742] : memref<4096x4x768xf32, #tpu.memory_space<hbm>> -> memref<8x4x768xf32, #tpu.memory_space<hbm>>
    %dma_wait3A_744 = arith.constant 0 : i32
    %dma_wait3A_745 = arith.constant 0 : i32
    %dma_wait3A_746 = tpu.memref_slice %arg4[%add3A_666, %dma_wait3A_744, %dma_wait3A_745] : memref<4096x4x768xf32, #tpu.memory_space<hbm>> -> memref<8x4x768xf32, #tpu.memory_space<hbm>>
    %dma_wait3A_747 = arith.constant 0 : i32
    %dma_wait3A_748 = arith.constant 0 : i32
    %dma_wait3A_749 = arith.constant 0 : i32
    %dma_wait3A_750 = tpu.memref_slice %arg9[%dma_wait3A_735, %dma_wait3A_747, %dma_wait3A_748, %dma_wait3A_749] : memref<2x8x8x768xf32, #tpu.memory_space<vmem>> -> memref<1x8x4x768xf32, #tpu.memory_space<vmem>>
    %dma_wait3A_751 = tpu.memref_squeeze %dma_wait3A_750 : memref<1x8x4x768xf32, #tpu.memory_space<vmem>> -> memref<8x4x768xf32, #tpu.memory_space<vmem>>
    tpu.wait_dma2 semaphore(%arg13 : memref<!tpu.dma_semaphore, #tpu.memory_space<semaphore_mem>>) src(%dma_wait3A_751 : memref<8x4x768xf32, #tpu.memory_space<vmem>>) dst(%dma_wait3A_746 : memref<8x4x768xf32, #tpu.memory_space<hbm>>)
    %dma_wait3A_752 = arith.constant 1 : i32
    %dma_wait3A_753 = arith.constant 0 : i32
    %dma_wait3A_754 = arith.constant 4 : i32
    %dma_wait3A_755 = arith.constant 0 : i32
    %dma_wait3A_756 = tpu.memref_slice %arg9[%dma_wait3A_752, %dma_wait3A_753, %dma_wait3A_754, %dma_wait3A_755] : memref<2x8x8x768xf32, #tpu.memory_space<vmem>> -> memref<1x8x4x768xf32, #tpu.memory_space<vmem>>
    %dma_wait3A_757 = tpu.memref_squeeze %dma_wait3A_756 : memref<1x8x4x768xf32, #tpu.memory_space<vmem>> -> memref<8x4x768xf32, #tpu.memory_space<vmem>>
    %dma_wait3A_758 = arith.constant 0 : i32
    %dma_wait3A_759 = arith.constant 0 : i32
    %dma_wait3A_760 = tpu.memref_slice %arg5[%add3A_666, %dma_wait3A_758, %dma_wait3A_759] : memref<4096x4x768xf32, #tpu.memory_space<hbm>> -> memref<8x4x768xf32, #tpu.memory_space<hbm>>
    %dma_wait3A_761 = arith.constant 0 : i32
    %dma_wait3A_762 = arith.constant 0 : i32
    %dma_wait3A_763 = tpu.memref_slice %arg5[%add3A_666, %dma_wait3A_761, %dma_wait3A_762] : memref<4096x4x768xf32, #tpu.memory_space<hbm>> -> memref<8x4x768xf32, #tpu.memory_space<hbm>>
    %dma_wait3A_764 = arith.constant 0 : i32
    %dma_wait3A_765 = arith.constant 4 : i32
    %dma_wait3A_766 = arith.constant 0 : i32
    %dma_wait3A_767 = tpu.memref_slice %arg9[%dma_wait3A_752, %dma_wait3A_764, %dma_wait3A_765, %dma_wait3A_766] : memref<2x8x8x768xf32, #tpu.memory_space<vmem>> -> memref<1x8x4x768xf32, #tpu.memory_space<vmem>>
    %dma_wait3A_768 = tpu.memref_squeeze %dma_wait3A_767 : memref<1x8x4x768xf32, #tpu.memory_space<vmem>> -> memref<8x4x768xf32, #tpu.memory_space<vmem>>
    tpu.wait_dma2 semaphore(%arg13 : memref<!tpu.dma_semaphore, #tpu.memory_space<semaphore_mem>>) src(%dma_wait3A_768 : memref<8x4x768xf32, #tpu.memory_space<vmem>>) dst(%dma_wait3A_763 : memref<8x4x768xf32, #tpu.memory_space<hbm>>)
    return
  }
}

module attributes {stable_mosaic.version = 14 : i64} {
  func.func @_topk_body(%arg0: i32, %arg1: memref<512x768xf32, #tpu.memory_space<vmem>>, %arg2: memref<1024x768xf32, #tpu.memory_space<vmem>>, %arg3: memref<1x1x512xi32, #tpu.memory_space<vmem>>) attributes {dimension_semantics = [#tpu.dimension_semantics<arbitrary>], iteration_bounds = array<i64: 4>, scalar_prefetch = 0 : i64, scratch_operands = 0 : i64, tpu.core_type = #tpu.core_type<tc>, window_params = [{transform_indices = @transform_0, window_bounds = array<i64: 512, 768>}, {pipeline_mode = #tpu.pipeline_mode<synchronous>, transform_indices = @transform_1, window_bounds = array<i64: 1024, 768>}, {transform_indices = @transform_2, window_bounds = array<i64: 1, 1, 512>}]} {
    %get3A = arith.constant 0 : index
    %get3A_0 = arith.constant 0 : index
    %get3A_1 = vector.load %arg1[%get3A, %get3A_0] : memref<512x768xf32, #tpu.memory_space<vmem>>, vector<512x768xf32>
    %get3A_2 = arith.constant 0 : index
    %get3A_3 = arith.constant 0 : index
    %get3A_4 = vector.load %arg2[%get3A_2, %get3A_3] : memref<1024x768xf32, #tpu.memory_space<vmem>>, vector<1024x768xf32>
    %dot_general3A = arith.constant dense<0.000000e+00> : vector<512x1024xf32>
    %dot_general3A_5 = tpu.matmul %get3A_1, %get3A_4, %dot_general3A {dimension_numbers = #tpu.dot_dimension_numbers<[1], [1], [0], [0], [0, 0, 1, 0], [], []>, transpose_lhs_hint = false} : vector<512x768xf32>, vector<1024x768xf32>, vector<512x1024xf32> -> vector<512x1024xf32>
    %iota3A = tpu.iota {dimensions = array<i32: 1>} : vector<512x1024xi32>
    %lt3A = arith.constant 1000 : i32
    %lt3A_6 = vector.broadcast %lt3A : i32 to vector<512x1024xi32>
    %lt3A_7 = arith.cmpi slt, %iota3A, %lt3A_6 : vector<512x1024xi32>
    %jit3A = arith.constant 0xFF800000 : f32
    %broadcast_in_dim3A = vector.broadcast %jit3A : f32 to vector<512x1024xf32>
    %select_n3A = arith.select %lt3A_7, %dot_general3A_5, %broadcast_in_dim3A : vector<512x1024xi1>, vector<512x1024xf32>
    %reduce_max3A = arith.constant dense<0xFF800000> : vector<512xf32>
    %reduce_max3A_8 = vector.multi_reduction <maximumf>, %select_n3A, %reduce_max3A [1] : vector<512x1024xf32> to vector<512xf32>
    %broadcast_in_dim3A_9 = vector.shape_cast %reduce_max3A_8 : vector<512xf32> to vector<512x1xf32>
    %eq3A = vector.broadcast %broadcast_in_dim3A_9 : vector<512x1xf32> to vector<512x1024xf32>
    %eq3A_10 = arith.cmpf oeq, %select_n3A, %eq3A : vector<512x1024xf32>
    %jit3A_11 = arith.constant 1024 : i32
    %broadcast_in_dim3A_12 = vector.broadcast %jit3A_11 : i32 to vector<512x1024xi32>
    %select_n3A_13 = arith.select %eq3A_10, %iota3A, %broadcast_in_dim3A_12 : vector<512x1024xi1>, vector<512x1024xi32>
    %reduce_min3A = arith.constant dense<2147483647> : vector<512xi32>
    %reduce_min3A_14 = vector.multi_reduction <minsi>, %select_n3A_13, %reduce_min3A [1] : vector<512x1024xi32> to vector<512xi32>
    %reshape3A = vector.shape_cast %reduce_min3A_14 : vector<512xi32> to vector<1x1x512xi32>
    %swap3A = arith.constant 0 : index
    %swap3A_15 = arith.constant 0 : index
    %swap3A_16 = arith.constant 0 : index
    %swap3A_17 = vector.load %arg3[%swap3A, %swap3A_15, %swap3A_16] : memref<1x1x512xi32, #tpu.memory_space<vmem>>, vector<1x1x512xi32>
    tpu.vector_store %arg3[%swap3A, %swap3A_15, %swap3A_16], %reshape3A {strides = array<i32>} : memref<1x1x512xi32, #tpu.memory_space<vmem>>, vector<1x1x512xi32>,
    return
  }
  func.func @transform_0(%arg0: i32) -> (i32, i32) {
    %add3A = arith.constant 0 : i32
    %add3A_0 = arith.addi %arg0, %add3A : i32
    %c0_i32 = arith.constant 0 : i32
    %c0_i32_1 = arith.constant 0 : i32
    return %add3A_0, %c0_i32 : i32, i32
  }
  func.func @transform_1(%arg0: i32) -> (i32, i32) {
    %c0_i32 = arith.constant 0 : i32
    %c0_i32_0 = arith.constant 0 : i32
    %c0_i32_1 = arith.constant 0 : i32
    return %c0_i32, %c0_i32_0 : i32, i32
  }
  func.func @transform_2(%arg0: i32) -> (i32, i32, i32) {
    %c0_i32 = arith.constant 0 : i32
    %c0_i32_0 = arith.constant 0 : i32
    %c0_i32_1 = arith.constant 0 : i32
    return %arg0, %c0_i32, %c0_i32_0 : i32, i32, i32
  }
}

module attributes {stable_mosaic.version = 14 : i64} {
  func.func @_topk_body(%arg0: i32, %arg1: memref<512x768xf32, #tpu.memory_space<vmem>>, %arg2: memref<1024x768xf32, #tpu.memory_space<vmem>>, %arg3: memref<1x1x512xi32, #tpu.memory_space<vmem>>) attributes {dimension_semantics = [#tpu.dimension_semantics<arbitrary>], iteration_bounds = array<i64: 4>, scalar_prefetch = 0 : i64, scratch_operands = 0 : i64, tpu.core_type = #tpu.core_type<tc>, window_params = [{transform_indices = @transform_0, window_bounds = array<i64: 512, 768>}, {pipeline_mode = #tpu.pipeline_mode<synchronous>, transform_indices = @transform_1, window_bounds = array<i64: 1024, 768>}, {transform_indices = @transform_2, window_bounds = array<i64: 1, 1, 512>}]} {
    %get3A = arith.constant 0 : index
    %get3A_0 = arith.constant 0 : index
    %get3A_1 = vector.load %arg1[%get3A, %get3A_0] : memref<512x768xf32, #tpu.memory_space<vmem>>, vector<512x768xf32>
    %get3A_2 = arith.constant 0 : index
    %get3A_3 = arith.constant 0 : index
    %get3A_4 = vector.load %arg2[%get3A_2, %get3A_3] : memref<1024x768xf32, #tpu.memory_space<vmem>>, vector<1024x768xf32>
    %dot_general3A = arith.constant dense<0.000000e+00> : vector<512x1024xf32>
    %dot_general3A_5 = tpu.matmul %get3A_1, %get3A_4, %dot_general3A {dimension_numbers = #tpu.dot_dimension_numbers<[1], [1], [0], [0], [0, 0, 1, 0], [], []>, transpose_lhs_hint = false} : vector<512x768xf32>, vector<1024x768xf32>, vector<512x1024xf32> -> vector<512x1024xf32>
    %iota3A = tpu.iota {dimensions = array<i32: 1>} : vector<512x1024xi32>
    %lt3A = arith.constant 1000 : i32
    %lt3A_6 = vector.broadcast %lt3A : i32 to vector<512x1024xi32>
    %lt3A_7 = arith.cmpi slt, %iota3A, %lt3A_6 : vector<512x1024xi32>
    %jit3A = arith.constant 0xFF800000 : f32
    %broadcast_in_dim3A = vector.broadcast %jit3A : f32 to vector<512x1024xf32>
    %select_n3A = arith.select %lt3A_7, %dot_general3A_5, %broadcast_in_dim3A : vector<512x1024xi1>, vector<512x1024xf32>
    %reduce_max3A = arith.constant dense<0xFF800000> : vector<512xf32>
    %reduce_max3A_8 = vector.multi_reduction <maximumf>, %select_n3A, %reduce_max3A [1] : vector<512x1024xf32> to vector<512xf32>
    %broadcast_in_dim3A_9 = vector.shape_cast %reduce_max3A_8 : vector<512xf32> to vector<512x1xf32>
    %eq3A = vector.broadcast %broadcast_in_dim3A_9 : vector<512x1xf32> to vector<512x1024xf32>
    %eq3A_10 = arith.cmpf oeq, %select_n3A, %eq3A : vector<512x1024xf32>
    %jit3A_11 = arith.constant 1024 : i32
    %broadcast_in_dim3A_12 = vector.broadcast %jit3A_11 : i32 to vector<512x1024xi32>
    %select_n3A_13 = arith.select %eq3A_10, %iota3A, %broadcast_in_dim3A_12 : vector<512x1024xi1>, vector<512x1024xi32>
    %reduce_min3A = arith.constant dense<2147483647> : vector<512xi32>
    %reduce_min3A_14 = vector.multi_reduction <minsi>, %select_n3A_13, %reduce_min3A [1] : vector<512x1024xi32> to vector<512xi32>
    %reshape3A = vector.shape_cast %reduce_min3A_14 : vector<512xi32> to vector<1x1x512xi32>
    %swap3A = arith.constant 0 : index
    %swap3A_15 = arith.constant 0 : index
    %swap3A_16 = arith.constant 0 : index
    %swap3A_17 = vector.load %arg3[%swap3A, %swap3A_15, %swap3A_16] : memref<1x1x512xi32, #tpu.memory_space<vmem>>, vector<1x1x512xi32>
    tpu.vector_store %arg3[%swap3A, %swap3A_15, %swap3A_16], %reshape3A {strides = array<i32>} : memref<1x1x512xi32, #tpu.memory_space<vmem>>, vector<1x1x512xi32>,
    return
  }
  func.func @transform_0(%arg0: i32) -> (i32, i32) {
    %add3A = arith.constant 4 : i32
    %add3A_0 = arith.addi %arg0, %add3A : i32
    %c0_i32 = arith.constant 0 : i32
    %c0_i32_1 = arith.constant 0 : i32
    return %add3A_0, %c0_i32 : i32, i32
  }
  func.func @transform_1(%arg0: i32) -> (i32, i32) {
    %c0_i32 = arith.constant 0 : i32
    %c0_i32_0 = arith.constant 0 : i32
    %c0_i32_1 = arith.constant 0 : i32
    return %c0_i32, %c0_i32_0 : i32, i32
  }
  func.func @transform_2(%arg0: i32) -> (i32, i32, i32) {
    %c0_i32 = arith.constant 0 : i32
    %c0_i32_0 = arith.constant 0 : i32
    %c0_i32_1 = arith.constant 0 : i32
    return %arg0, %c0_i32, %c0_i32_0 : i32, i32, i32
  }
}

module attributes {stable_mosaic.version = 14 : i64} {
  func.func @_xb_body(%arg0: i32, %arg1: memref<1024x768xf32, #tpu.memory_space<vmem>>, %arg2: memref<1x1x512xi32, #tpu.memory_space<vmem>>, %arg3: memref<1024x768xf32, #tpu.memory_space<vmem>>) attributes {dimension_semantics = [#tpu.dimension_semantics<arbitrary>], iteration_bounds = array<i64: 4>, scalar_prefetch = 0 : i64, scratch_operands = 0 : i64, tpu.core_type = #tpu.core_type<tc>, window_params = [{transform_indices = @transform_0, window_bounds = array<i64: 1024, 768>}, {transform_indices = @transform_1, window_bounds = array<i64: 1, 1, 512>}, {transform_indices = @transform_2, window_bounds = array<i64: 1024, 768>}]} {
    %get3A = arith.constant 0 : index
    %get3A_0 = arith.constant 0 : index
    %get3A_1 = vector.load %arg1[%get3A, %get3A_0] : memref<1024x768xf32, #tpu.memory_space<vmem>>, vector<1024x768xf32>
    %swap3A = arith.constant 0 : index
    %swap3A_2 = arith.constant 0 : index
    %swap3A_3 = vector.load %arg3[%swap3A, %swap3A_2] : memref<1024x768xf32, #tpu.memory_space<vmem>>, vector<1024x768xf32>
    tpu.vector_store %arg3[%swap3A, %swap3A_2], %get3A_1 {strides = array<i32>} : memref<1024x768xf32, #tpu.memory_space<vmem>>, vector<1024x768xf32>,
    return
  }
  func.func @transform_0(%arg0: i32) -> (i32, i32) {
    %c0_i32 = arith.constant 0 : i32
    %c0_i32_0 = arith.constant 0 : i32
    return %arg0, %c0_i32 : i32, i32
  }
  func.func @transform_1(%arg0: i32) -> (i32, i32, i32) {
    %c0_i32 = arith.constant 0 : i32
    %c0_i32_0 = arith.constant 0 : i32
    %c0_i32_1 = arith.constant 0 : i32
    %c0_i32_2 = arith.constant 0 : i32
    return %c0_i32, %c0_i32_0, %c0_i32_1 : i32, i32, i32
  }
  func.func @transform_2(%arg0: i32) -> (i32, i32) {
    %c0_i32 = arith.constant 0 : i32
    %c0_i32_0 = arith.constant 0 : i32
    return %arg0, %c0_i32 : i32, i32
  }
}

</mosaic_0001>

<sc_bundles>
// kernel: kernel.10.cloned.1.call-start
scs
__scs_entry_jumppad:
0x0: {  	(pc) =	sbr.rel $0x88, $3  }
0x1: {  	(tag) =	ssettag $0x0;
	lr =	simm.s32 $0x1  }
0x2: {  	[smem:$0x3F9D] =	sst lr;
	_ =	strace $0xD0000000  }
0x3: {  	_ = 	snop  }
0x4: {  	_ = 	snop  }
0x5: {  	_ = 	snop  }
0x6: {  	_ = 	snop  }
0x7: {  	_ = 	snop  }
__scs_overlays_trampoline_lowered:
0x8: {  	[smem:$0x3FAC] =	sst s0  }
0x9: {  	[smem:$0x3FAD] =	sst s1  }
0xa: {  	[smem:$0x3FAE] =	sst s2  }
0xb: {  	[smem:$0x3FAF] =	sst s3  }
0xc: {  	[smem:$0x3FB0] =	sst s4  }
0xd: {  	[smem:$0x3FB1] =	sst s5  }
0xe: {  	[smem:$0x3FB2] =	sst s6  }
0xf: {  	[smem:$0x3FB3] =	sst s7  }
0x10: {  	[smem:$0x3FB4] =	sst s8  }
0x11: {  	[smem:$0x3FB5] =	sst s9;
	s0 =	simm.s32 @!p0 $0x0  }
0x12: {  	s1 =	sld [smem:$0x3F9B];
	s0 =	simm.s32 @p0 $0x1  }
0x13: {  	[smem:$0x3FB6] =	sst s0;
	s0 =	simm.s32 @!p1 $0x0  }
0x14: {  	s2 =	sld [smem:$0x3F9A];
	s0 =	simm.s32 @p1 $0x1  }
0x15: {  	[smem:$0x3FB7] =	sst s0;
	s0 =	simm.s32 @!p2 $0x0  }
0x16: {  	s3 =	sld [smem:$0x3FDB];
	s0 =	simm.s32 @p2 $0x1  }
0x17: {  	s4 =	simm.s32 $0x1BF5;
	[smem:$0x3FB9] =	sst s0  }
0x18: {  	s0 =	sld [smem:$0x3F9C];
	_ =	swait.ge [sflag:s4], $0x0  }
0x19: {  	s7 =	sld [smem:$0x3F9D]  }
0x1a: {  	s8 =	sadd.s32 $0xFFFFE003, lr  }
0x1b: {  	s9 =	sadd.s32 $0xFFFFFEF7, lr;
	s5 =	simm.s32 $0xFFFFFFFF;
	p2 =	slt.u32 s8, $0xFFFFF086  }
0x1c: {  	p1 =	slt.u32 s9, $0xF7A;
	s5 =	simm.s32 @!p2 $0x0  }
0x1d: {  	s5 =	simm.s32 @p1 $0x1;
	p0 =	seq.s32 s7, s2  }
0x1e: {  	s7 =	smul.u32 @!p0 $0xF7A, s2;
	p2 =	seq.s32 @!p0 s5, $0x0  }
0x1f: {  	s9 =	smul.u32 $0xF7A, s1;
	s8 =	simm.s32 @!p0 $0x1BF5;
	p2 =	por !p2, p0  }
0x20: {  	[sflag:s8] =	ssyncset.s32 @!p0 $0xFFFFF086;
	s6 =	sadd.s32 @!p0 s3, s7;
	s7 =	simm.s32 @!p0 $0x108  }
0x21: {  	s3 =	sadd.s32 s3, s9;
	s6 =	sadd.s32 @!p0 $0x88, s6;
	s7 =	simm.s32 @p2 $0x1082  }
0x22: {  	[simem:s7], [sflag:s8] =	dma.local @!p0 [hbm:s6], $0xF7A  }
0x23: {  	s9 =	sor.u32 $0xD0000000, s2;
	s6 =	simm.s32 $0x108;
	_ =	swait.ge @!p0 [sflag:s8], $0x0  }
0x24: {  	s3 =	sadd.s32 $0x88, s3;
	s6 =	simm.s32 @!p1 $0x1082;
	[sflag:s4] =	ssyncset.s32 $0xFFFFF086  }
0x25: {  	[simem:s6], [sflag:s4] =	dma.local [hbm:s3], $0xF7A  }
0x26: {  	[smem:$0x3F9D] =	sst s1;
	(tag) =	ssettag s2;
	_ =	strace s9  }
0x27: {  	s1 =	sld [smem:$0x3FAD]  }
0x28: {  	s2 =	sld [smem:$0x3FAE]  }
0x29: {  	s4 =	sld [smem:$0x3FB0]  }
0x2a: {  	p0 =	seq.s32 s5, $0x0;
	s5 =	sld [smem:$0x3FB1]  }
0x2b: {  	s6 =	sld [smem:$0x3FB2]  }
0x2c: {  	s7 =	sld [smem:$0x3FB3]  }
0x2d: {  	s3 =	simm.s32 $0x108;
	s8 =	sld [smem:$0x3FB4]  }
0x2e: {  	s3 =	simm.s32 @!p0 $0x1082;
	s9 =	sld [smem:$0x3FB5]  }
0x2f: {  	lr =	sadd.s32 s0, s3;
	s0 =	sld [smem:$0x3FAC]  }
0x30: {  	s3 =	sld [smem:$0x3FAF]  }
0x31: {  	[smem:$0x3FB8] =	sst s10  }
0x32: {  	s10 =	sld [smem:$0x3FB6];
	_ =	sdelay $0x3  }
0x33: {  	p0 =	seq.s32 s10, $0x1;
	s10 =	sld [smem:$0x3FB8];
	_ =	sdelay $0x3  }
0x34: {  	[smem:$0x3FB8] =	sst s10  }
0x35: {  	s10 =	sld [smem:$0x3FB7];
	_ =	sdelay $0x3  }
0x36: {  	p1 =	seq.s32 s10, $0x1;
	s10 =	sld [smem:$0x3FB8];
	_ =	sdelay $0x3  }
0x37: {  	[smem:$0x3FB8] =	sst s10  }
0x38: {  	s10 =	sld [smem:$0x3FB9]  }
0x39: {  	_ = 	snop;
	(pc) =	sbr.ind lr, $3  }
0x3a: {  	_ = 	snop  }
0x3b: {  	_ = 	snop  }
0x3c: {  	p2 =	seq.s32 s10, $0x1;
	s10 =	sld [smem:$0x3FB8]  }
0x3d: {  	_ =	shalt  }
0x3e: {  	_ =	shalt  }
0x3f: {  	_ =	shalt  }
0x40: {  	_ =	shalt  }
0x41: {  	_ =	shalt  }
0x42: {  	_ =	shalt  }
0x43: {  	_ =	shalt  }
0x44: {  	_ =	shalt  }
0x45: {  	_ =	shalt  }
0x46: {  	_ =	shalt  }
0x47: {  	_ =	shalt  }
0x48: {  	_ =	shalt  }
0x49: {  	_ =	shalt  }
0x4a: {  	_ =	shalt  }
0x4b: {  	_ =	shalt  }
0x4c: {  	_ =	shalt  }
0x4d: {  	_ =	shalt  }
0x4e: {  	_ =	shalt  }
0x4f: {  	_ =	shalt  }
0x50: {  	_ =	shalt  }
0x51: {  	_ =	shalt  }
0x52: {  	_ =	shalt  }
0x53: {  	_ =	shalt  }
0x54: {  	_ =	shalt  }
0x55: {  	_ =	shalt  }
0x56: {  	_ =	shalt  }
0x57: {  	_ =	shalt  }
0x58: {  	_ =	shalt  }
0x59: {  	_ =	shalt  }
0x5a: {  	_ =	shalt  }
0x5b: {  	_ =	shalt  }
0x5c: {  	_ =	shalt  }
0x5d: {  	_ =	shalt  }
0x5e: {  	_ =	shalt  }
0x5f: {  	_ =	shalt  }
0x60: {  	_ =	shalt  }
0x61: {  	_ =	shalt  }
0x62: {  	_ =	shalt  }
0x63: {  	_ =	shalt  }
0x64: {  	_ =	shalt  }
0x65: {  	_ =	shalt  }
0x66: {  	_ =	shalt  }
0x67: {  	_ =	shalt  }
0x68: {  	_ =	shalt  }
0x69: {  	_ =	shalt  }
0x6a: {  	_ =	shalt  }
0x6b: {  	_ =	shalt  }
0x6c: {  	_ =	shalt  }
0x6d: {  	_ =	shalt  }
0x6e: {  	_ =	shalt  }
0x6f: {  	_ =	shalt  }
0x70: {  	_ =	shalt  }
0x71: {  	_ =	shalt  }
0x72: {  	_ =	shalt  }
0x73: {  	_ =	shalt  }
0x74: {  	_ =	shalt  }
0x75: {  	_ =	shalt  }
0x76: {  	_ =	shalt  }
0x77: {  	_ =	shalt  }
0x78: {  	_ =	shalt  }
0x79: {  	_ =	shalt  }
0x7a: {  	_ =	shalt  }
0x7b: {  	_ =	shalt  }
0x7c: {  	_ =	shalt  }
0x7d: {  	_ =	shalt  }
0x7e: {  	_ =	shalt  }
0x7f: {  	_ =	shalt  }
0x80: {  	_ =	shalt  }
0x81: {  	_ =	shalt  }
0x82: {  	_ =	shalt  }
0x83: {  	_ =	shalt  }
0x84: {  	_ =	shalt  }
0x85: {  	_ =	shalt  }
0x86: {  	_ =	shalt  }
0x87: {  	_ =	shalt  }
.Lfunc_end0:
.L_simem_size_0:
called_computation.1_lowered:
.L_overlay_start_0:
0x88: {  	s2 =	sld [smem:$0x3FD9]  }
0x89: {  	s3 =	sld [smem:$0x3FFE];
	_ =	sdelay $0x1  }
0x8a: {  	s1 =	srdreg.scid  }
0x8b: {  	s0 =	sand.u32 $0x1, s1  }
0x8c: {  	s14 =	sshll.u32 s0, $0xA;
	s2 =	sadd.s32 s3, s2  }
0x8d: {  	s2 =	sadd.s32 s2, s14  }
0x8e: {  	[smem:$0x3FC4] =	sst s2  }
0x8f: {  	_ = 	snop  }
0x90: {  	s2 =	sld [smem:$0x3FD0];
	_ =	sdelay $0x2  }
0x91: {  	s4 =	simm.s32 $0xA;
	s5 =	simm.s32 $0x10;
	s15 =	sld [smem:$0x3FC6]  }
0x92: {  	[smem:s5], [sflag:s4] =	dma.local [hbm:s2], $0x1  }
0x93: {  	_ =	swait.eq [sflag:s4], $0x1  }
0x94: {  	[sflag:s4] =	ssyncset.done $0x0  }
0x95: {  	s16 =	sld [smem:$0x10];
	[sflag:s4] =	ssyncadd.s32 $0xFFFFFFFF  }
0x96: {  	s17 =	sld [smem:$0x11];
	(tm) =	ssettm $0x1  }
0x97: {  	s18 =	sld [smem:$0x3FFB];
	_ =	sdelay $0x3  }
0x98: {  	_ =	strace s18  }
0x99: {  	s5 =	sld [smem:$0x3FFC];
	_ =	sdelay $0x3  }
0x9a: {  	_ =	strace s5  }
0x9b: {  	s5 =	sld [smem:$0x3FFD];
	_ =	sdelay $0x3  }
0x9c: {  	_ =	strace s5  }
0x9d: {  	_ =	strace $0x8FFFFFFF  }
0x9e: {  	s19 =	sld [smem:$0x3FDB];
	_ =	sdelay $0x1  }
0x9f: {  	s6 =	simm.s32 $_scs_section_size  }
0xa0: {  	s7 =	simm.s32 $_size__tile_overlayer_lowered;
	s8 =	simm.s32 $_tile_overlayer_lowered  }
0xa1: {  	s22 =	simm.s32 $0x1BFF;
	s21 =	sshll.u32 s8, $0x1;
	s5 =	sadd.s32 s6, s19  }
0xa2: {  	s9 =	simm.s32 $0x0;
	s20 =	sshll.u32 s7, $0x1;
	s7 =	sadd.s32 s21, s5  }
0xa3: {  	[timem:s9], [sflag:s22] =	dma.local [hbm:s7], s20  }
0xa4: {  	_ =	swait.ge [sflag:s22], s20  }
0xa5: {  	s6 =	ssub.s32 $0x0, s20;
	[sflag:s22] =	ssyncset.done $0x0  }
0xa6: {  	[sflag:s22] =	ssyncadd.s32 s6;
	_ =	sdelay $0x1  }
0xa7: {  	s23 =	simm.s32 $0x1B8B  }
0xa8: {  	_ =	swait.ge [sflag:s23], $0x1  }
0xa9: {  	[sflag:s23] =	ssyncset.done $0x0  }
0xaa: {  	s25 =	simm.s32 $0x1B8E;
	s24 =	sld [smem:$0x3FFE];
	[sflag:s23] =	ssyncadd.s32 $0xFFFFFFFF  }
0xab: {  	s26 =	simm.s32 $execute0_lowered;
	[smem:$0x3FD2] =	sst s25  }
0xac: {  	s7 =	sshll.u32 s26, $0x1;
	_ =	strace $0x80000049;
	[dreg:$0x1] =	wrdreg $0xFFFFFFFF  }
0xad: {  	s28 =	simm.s32 $_size_execute0_lowered;
	s5 =	sadd.s32 s5, s7;
	[dreg:$0x0] =	wrdreg $0x0  }
0xae: {  	s7 =	sshll.u32 s28, $0x1;
	[dreg:$0x2] =	wrdreg s5  }
0xaf: {  	[dreg:$0x3] =	wrdreg s7  }
0xb0: {  	[dreg:$0x4] =	wrdreg $0xC0  }
0xb1: {  	_ =	task [dreg:s9], $0x5FFFF  }
0xb2: {  	[dreg:$0x1] =	wrdreg $0xFFFFFFFF  }
0xb3: {  	[dreg:$0x0] =	wrdreg $0x60  }
0xb4: {  	[dreg:$0x2] =	wrdreg s15  }
0xb5: {  	[dreg:$0x3] =	wrdreg s24  }
0xb6: {  	[dreg:$0x4] =	wrdreg s16  }
0xb7: {  	[dreg:$0x5] =	wrdreg s17  }
0xb8: {  	[dreg:$0x6] =	wrdreg $0x9  }
0xb9: {  	_ =	task.clear_ibuf [dreg:s9], $0x7FFFF;
	_ =	strace $0x90000049  }
0xba: {  	s29 =	simm.s32 $0x9;
	_ =	strace $0x8000004B  }
0xbb: {  	_ =	swait.ge [sflag:s29], $0x1  }
0xbc: {  	[sflag:s29] =	ssyncadd.s32 $0xFFFFFFFF  }
0xbd: {  	_ =	strace $0x9000004B  }
0xbe: {  	_ =	sfence  }
0xbf: {  	s30 =	sld [smem:$0x0];
	_ =	sdelay $0x2  }
0xc0: {  	s31 =	sshll.u32 s1, $0xD;
	s1 =	sshrl.u32 s1, $0x2  }
0xc1: {  	s3 =	sand.u32 $0x4000, s31;
	s1 =	sadd.s32 s1, s30  }
0xc2: {  	s0 =	sor.u32 s3, s0;
	s1 =	sshll.u32 s1, $0x11  }
0xc3: {  	s0 =	sor.u32 s1, s0  }
0xc4: {  	s0 =	sadd.s32 $0x8F2B, s0  }
0xc5: {  	[sflag:s0] =	ssyncadd.remote.s32 $0x1  }
0xc6: {  	_ =	sfence.sel $0xFFFF  }
0xc7: {  	[dreg:$0x0] =	wrdreg $0xFFFFFFFF;
	(pc) =	sbr.abs _section_cstart, $3  }
0xc8: {  	[dreg:$0x1] =	wrdreg $0xFFFFFFFF  }
0xc9: {  	_ =	task.clear_ibuf [dreg:s9], $0x2FFFF;
	_ =	strace $0x9FFFFFFF  }
0xca: {  	(tm) =	ssettm $0x7FFFFFFF  }
0xcb: {  	_ =	shalt  }
tec
execute0_lowered:
.L_overlay_start_1:
0x0: {  	(tag) =	ssettag $0x1  }
0x1: {  	s1 =	rddreg [dreg:$0x0]  }
0x2: {  	s0 =	rddreg [dreg:$0x1]  }
0x3: {  	s2 =	srdreg.scid;
	s4 =	rddreg [dreg:$0x2]  }
0x4: {  	s3 =	stileid.u32;
	s20 =	rddreg [dreg:$0x3];
	s22 =	simm.s32 $0x5  }
0x5: {  	s23 =	simm.s32 $0xC080;
	s28 =	simm.s32 $0x2;
	s2 =	sand.u32 $0x1, s2  }
0x6: {  	s29 =	simm.s32 $0x4;
	s5 =	sshll.u32 s3, $0x7;
	s6 =	sshll.u32 s2, $0x6  }
0x7: {  	s30 =	simm.s32 $0x0;
	s3 =	simm.s32 $0x0;
	s5 =	sor.u32 s6, s5  }
0x8: {  	[smem:$0x7FF] =	sst s3;
	s2 =	ssub.s32 $0x2, s2;
	s6 =	smul.u32 $0xC00, s5  }
0x9: {  	_ =	strace $0x8000004A;
	s7 =	sshrl.u32 s2, $0x1;
	s5 =	sshrl.u32 s5, $0x3  }
0xa: {  	s2 =	ssub.s32 s2, s7;
	s0 =	sadd.s32 s5, s0;
	s18 =	sshrl.u32 s6, $0x3  }
0xb: {  	s21 =	smax.u32 s2, $0x1;
	s0 =	sadd.s32 $0x1C00, s0;
	s6 =	sadd.s32 $0xC0000, s18  }
0xc: {  	[dreg:$0x5] =	wrdreg s0;
	s24 =	sadd.s32 $0xC0C00, s18;
	s10 =	sadd.s32 $0xC1800, s18  }
0xd: {  	s25 =	sadd.s32 $0xC2400, s18;
	s14 =	sadd.s32 $0xC3000, s18;
	s26 =	sadd.s32 $0xC3C00, s18  }
0xe: {  	s19 =	sadd.s32 $0xC4800, s18;
	s31 =	sadd.s32 $0xC5400, s18;
	s5 =	sadd.s32 s4, s6  }
0xf: {  	s6 =	sadd.s32 s20, s6;
	s7 =	sadd.s32 s4, s24;
	s8 =	sadd.s32 s20, s24  }
0x10: {  	s9 =	sadd.s32 s4, s10;
	s10 =	sadd.s32 s20, s10;
	s11 =	sadd.s32 s4, s25  }
0x11: {  	s12 =	sadd.s32 s20, s25;
	s13 =	sadd.s32 s4, s14;
	s14 =	sadd.s32 s20, s14  }
0x12: {  	s15 =	sadd.s32 s4, s26;
	s16 =	sadd.s32 s20, s26;
	s17 =	sadd.s32 s4, s19  }
0x13: {  	s18 =	sadd.s32 s20, s19;
	s19 =	sadd.s32 s4, s31;
	s20 =	sadd.s32 s20, s31  }
0x14: {  	vm0 =	vmmov $0xff;
	v0 =	vlaneseq.u32;
	s24 =	simm.s32 $0x1;
	s25 =	simm.s32 $0x3;
	s26 =	simm.s32 $0x80  }
.LBB2_1:
0x15: {  	s0 =	rddreg [dreg:$0x5]  }
0x16: {  	[tilespmem:s3], [sflag:$0x5] =	stream.linear.gather [hbm4b:s0+s3], $0x40, $0x38;
	[tilespmem:$0x18080] =	vst v63  }
0x17: {  	_ =	swait.ge [sflag:s22], $0x40  }
0x18: {  	[sflag:s22] =	ssyncset.done $0x0  }
0x19: {  	[sflag:s22] =	ssyncadd.s32 $0xFFFFFFC0  }
0x1a: {  	v1 =	vld.msk [tilespmem:$0x0], $0xff;
	_ =	sdelay $0x4  }
0x1b: {  	v1 =	vmul.u32 $0x1800, v1;
	_ =	sdelay $0x1  }
0x1c: {  	v1 =	vperm.xlane v1, v0;
	_ =	sdelay $0x5  }
0x1d: {  	[tilespmem:s26], [sflag:$0x1] =	stream.indirect_vreg.gather [hbm4b:s1+s3], $0x1800, v1, vm0, $0x38;
	[tilespmem:$0x18080] =	vst v63  }
0x1e: {  	v1 =	vld.msk [tilespmem:$0x8], $0xff;
	_ =	sdelay $0x4  }
0x1f: {  	v1 =	vmul.u32 $0x1800, v1;
	_ =	sdelay $0x1  }
0x20: {  	v1 =	vperm.xlane v1, v0;
	_ =	sdelay $0x5  }
0x21: {  	[tilespmem:s23], [sflag:$0x2] =	stream.indirect_vreg.gather [hbm4b:s1+s3], $0x1800, v1, vm0, $0x38;
	[tilespmem:$0x18080] =	vst v63  }
0x22: {  	_ =	swait.ge [sflag:s24], $0xC000  }
0x23: {  	s31 =	simm.s32 $0x40;
	s4 =	sadd.s32 $0x0, s5;
	[sflag:s24] =	ssyncset.done $0x0  }
0x24: {  	s2 =	simm.s32 $0x480;
	s0 =	simm.s32 $0x80;
	[sflag:s24] =	ssyncadd.s32 $0xFFFF4000  }
.LBB2_2:
0x25: {  	[hbm4b:s4+s3] =	stream.linear.scatter [tilespmem:s0], [sflag:$0x3], $0x200, $0x38;
	[tilespmem:$0x18080] =	vst v63  }
0x26: {  	s4 =	smov.u32 s31;
	s0 =	smov.u32 s2;
	p0 =	sne.s32 s31, $0xBC0  }
.Ltmp0:
0x27: {  	s31 =	sadd.s32 $0x40, s31;
	(pc) =	sbr.rel @p0 .LBB2_2-.Ltmp0, $2  }
0x28: {  	_ =	sdelay $0x2  }
0x29: {  	s2 =	sadd.s32 $0x400, s2;
	s4 =	sadd.s32 s4, s5  }
0x2a: {  	[hbm4b:s4+s3] =	stream.linear.scatter [tilespmem:s0], [sflag:$0x3], $0x200, $0x38;
	[tilespmem:$0x18080] =	vst v63  }
0x2b: {  	s31 =	simm.s32 $0x280  }
0x2c: {  	s2 =	simm.s32 $0x40;
	s4 =	sadd.s32 $0x0, s6;
	s0 =	simm.s32 $0x680  }
.LBB2_4:
0x2d: {  	[hbm4b:s4+s3] =	stream.linear.scatter [tilespmem:s31], [sflag:$0x3], $0x200, $0x38;
	[tilespmem:$0x18080] =	vst v63  }
0x2e: {  	s4 =	smov.u32 s2;
	s31 =	smov.u32 s0;
	p0 =	sne.s32 s2, $0xBC0  }
.Ltmp1:
0x2f: {  	s2 =	sadd.s32 $0x40, s2;
	(pc) =	sbr.rel @p0 .LBB2_4-.Ltmp1, $2  }
0x30: {  	_ =	sdelay $0x2  }
0x31: {  	s0 =	sadd.s32 $0x400, s0;
	s4 =	sadd.s32 s4, s6  }
0x32: {  	[hbm4b:s4+s3] =	stream.linear.scatter [tilespmem:s31], [sflag:$0x3], $0x200, $0x38;
	[tilespmem:$0x18080] =	vst v63  }
0x33: {  	_ =	swait.ge [sflag:s25], $0x6000  }
0x34: {  	[sflag:s25] =	ssyncset.done $0x0  }
0x35: {  	[sflag:s25] =	ssyncadd.s32 $0xFFFFA000  }
0x36: {  	_ =	swait.ge [sflag:s25], $0x6000  }
0x37: {  	[sflag:s25] =	ssyncset.done $0x0  }
0x38: {  	[sflag:s25] =	ssyncadd.s32 $0xFFFFA000  }
0x39: {  	v1 =	vld.msk [tilespmem:$0x10], $0xff;
	_ =	sdelay $0x4  }
0x3a: {  	v1 =	vmul.u32 $0x1800, v1;
	_ =	sdelay $0x1  }
0x3b: {  	v1 =	vperm.xlane v1, v0;
	_ =	sdelay $0x4  }
0x3c: {  	s0 =	simm.s32 $0x0  }
0x3d: {  	[tilespmem:s26], [sflag:$0x1] =	stream.indirect_vreg.gather [hbm4b:s1+s0], $0x1800, v1, vm0, $0x38;
	[tilespmem:$0x18080] =	vst v63  }
0x3e: {  	_ =	swait.ge [sflag:s28], $0xC000  }
0x3f: {  	s31 =	simm.s32 $0xC080;
	s2 =	simm.s32 $0x40;
	[sflag:s28] =	ssyncset.done $0x0  }
0x40: {  	s4 =	sadd.s32 $0x0, s7;
	s0 =	simm.s32 $0xC480;
	[sflag:s28] =	ssyncadd.s32 $0xFFFF4000  }
.LBB2_6:
0x41: {  	[hbm4b:s4+s3] =	stream.linear.scatter [tilespmem:s31], [sflag:$0x4], $0x200, $0x38;
	[tilespmem:$0x18080] =	vst v63  }
0x42: {  	s4 =	smov.u32 s2;
	s31 =	smov.u32 s0;
	p0 =	sne.s32 s2, $0xBC0  }
.Ltmp2:
0x43: {  	s2 =	sadd.s32 $0x40, s2;
	(pc) =	sbr.rel @p0 .LBB2_6-.Ltmp2, $2  }
0x44: {  	_ =	sdelay $0x2  }
0x45: {  	s0 =	sadd.s32 $0x400, s0;
	s4 =	sadd.s32 s4, s7  }
0x46: {  	[hbm4b:s4+s3] =	stream.linear.scatter [tilespmem:s31], [sflag:$0x4], $0x200, $0x38;
	[tilespmem:$0x18080] =	vst v63  }
0x47: {  	s31 =	simm.s32 $0xC280  }
0x48: {  	s2 =	simm.s32 $0x40;
	s4 =	sadd.s32 $0x0, s8;
	s0 =	simm.s32 $0xC680  }
.LBB2_8:
0x49: {  	[hbm4b:s4+s3] =	stream.linear.scatter [tilespmem:s31], [sflag:$0x4], $0x200, $0x38;
	[tilespmem:$0x18080] =	vst v63  }
0x4a: {  	s4 =	smov.u32 s2;
	s31 =	smov.u32 s0;
	p0 =	sne.s32 s2, $0xBC0  }
.Ltmp3:
0x4b: {  	s2 =	sadd.s32 $0x40, s2;
	(pc) =	sbr.rel @p0 .LBB2_8-.Ltmp3, $2  }
0x4c: {  	_ =	sdelay $0x2  }
0x4d: {  	s0 =	sadd.s32 $0x400, s0;
	s4 =	sadd.s32 s4, s8  }
0x4e: {  	[hbm4b:s4+s3] =	stream.linear.scatter [tilespmem:s31], [sflag:$0x4], $0x200, $0x38;
	[tilespmem:$0x18080] =	vst v63  }
0x4f: {  	_ =	swait.ge [sflag:s29], $0x6000  }
0x50: {  	[sflag:s29] =	ssyncset.done $0x0  }
0x51: {  	[sflag:s29] =	ssyncadd.s32 $0xFFFFA000  }
0x52: {  	_ =	swait.ge [sflag:s29], $0x6000  }
0x53: {  	[sflag:s29] =	ssyncset.done $0x0  }
0x54: {  	[sflag:s29] =	ssyncadd.s32 $0xFFFFA000  }
0x55: {  	v1 =	vld.msk [tilespmem:$0x18], $0xff;
	_ =	sdelay $0x4  }
0x56: {  	v1 =	vmul.u32 $0x1800, v1;
	_ =	sdelay $0x1  }
0x57: {  	v1 =	vperm.xlane v1, v0;
	_ =	sdelay $0x4  }
0x58: {  	s0 =	simm.s32 $0x0  }
0x59: {  	[tilespmem:s23], [sflag:$0x2] =	stream.indirect_vreg.gather [hbm4b:s1+s0], $0x1800, v1, vm0, $0x38;
	[tilespmem:$0x18080] =	vst v63  }
0x5a: {  	_ =	swait.ge [sflag:s24], $0xC000  }
0x5b: {  	s31 =	simm.s32 $0x80;
	s2 =	simm.s32 $0x40;
	[sflag:s24] =	ssyncset.done $0x0  }
0x5c: {  	s4 =	sadd.s32 $0x0, s9;
	s0 =	simm.s32 $0x480;
	[sflag:s24] =	ssyncadd.s32 $0xFFFF4000  }
.LBB2_10:
0x5d: {  	[hbm4b:s4+s3] =	stream.linear.scatter [tilespmem:s31], [sflag:$0x3], $0x200, $0x38;
	[tilespmem:$0x18080] =	vst v63  }
0x5e: {  	s4 =	smov.u32 s2;
	s31 =	smov.u32 s0;
	p0 =	sne.s32 s2, $0xBC0  }
.Ltmp4:
0x5f: {  	s2 =	sadd.s32 $0x40, s2;
	(pc) =	sbr.rel @p0 .LBB2_10-.Ltmp4, $2  }
0x60: {  	_ =	sdelay $0x2  }
0x61: {  	s0 =	sadd.s32 $0x400, s0;
	s4 =	sadd.s32 s4, s9  }
0x62: {  	[hbm4b:s4+s3] =	stream.linear.scatter [tilespmem:s31], [sflag:$0x3], $0x200, $0x38;
	[tilespmem:$0x18080] =	vst v63  }
0x63: {  	s31 =	simm.s32 $0x280  }
0x64: {  	s2 =	simm.s32 $0x40;
	s4 =	sadd.s32 $0x0, s10;
	s0 =	simm.s32 $0x680  }
.LBB2_12:
0x65: {  	[hbm4b:s4+s3] =	stream.linear.scatter [tilespmem:s31], [sflag:$0x3], $0x200, $0x38;
	[tilespmem:$0x18080] =	vst v63  }
0x66: {  	s4 =	smov.u32 s2;
	s31 =	smov.u32 s0;
	p0 =	sne.s32 s2, $0xBC0  }
.Ltmp5:
0x67: {  	s2 =	sadd.s32 $0x40, s2;
	(pc) =	sbr.rel @p0 .LBB2_12-.Ltmp5, $2  }
0x68: {  	_ =	sdelay $0x2  }
0x69: {  	s0 =	sadd.s32 $0x400, s0;
	s4 =	sadd.s32 s4, s10  }
0x6a: {  	[hbm4b:s4+s3] =	stream.linear.scatter [tilespmem:s31], [sflag:$0x3], $0x200, $0x38;
	[tilespmem:$0x18080] =	vst v63  }
0x6b: {  	_ =	swait.ge [sflag:s25], $0x6000  }
0x6c: {  	[sflag:s25] =	ssyncset.done $0x0  }
0x6d: {  	[sflag:s25] =	ssyncadd.s32 $0xFFFFA000  }
0x6e: {  	_ =	swait.ge [sflag:s25], $0x6000  }
0x6f: {  	[sflag:s25] =	ssyncset.done $0x0  }
0x70: {  	[sflag:s25] =	ssyncadd.s32 $0xFFFFA000  }
0x71: {  	v1 =	vld.msk [tilespmem:$0x20], $0xff;
	_ =	sdelay $0x4  }
0x72: {  	v1 =	vmul.u32 $0x1800, v1;
	_ =	sdelay $0x1  }
0x73: {  	v1 =	vperm.xlane v1, v0;
	_ =	sdelay $0x4  }
0x74: {  	s0 =	simm.s32 $0x0  }
0x75: {  	[tilespmem:s26], [sflag:$0x1] =	stream.indirect_vreg.gather [hbm4b:s1+s0], $0x1800, v1, vm0, $0x38;
	[tilespmem:$0x18080] =	vst v63  }
0x76: {  	_ =	swait.ge [sflag:s28], $0xC000  }
0x77: {  	s31 =	simm.s32 $0xC080;
	s2 =	simm.s32 $0x40;
	[sflag:s28] =	ssyncset.done $0x0  }
0x78: {  	s4 =	sadd.s32 $0x0, s11;
	s0 =	simm.s32 $0xC480;
	[sflag:s28] =	ssyncadd.s32 $0xFFFF4000  }
.LBB2_14:
0x79: {  	[hbm4b:s4+s3] =	stream.linear.scatter [tilespmem:s31], [sflag:$0x4], $0x200, $0x38;
	[tilespmem:$0x18080] =	vst v63  }
0x7a: {  	s4 =	smov.u32 s2;
	s31 =	smov.u32 s0;
	p0 =	sne.s32 s2, $0xBC0  }
.Ltmp6:
0x7b: {  	s2 =	sadd.s32 $0x40, s2;
	(pc) =	sbr.rel @p0 .LBB2_14-.Ltmp6, $2  }
0x7c: {  	_ =	sdelay $0x2  }
0x7d: {  	s0 =	sadd.s32 $0x400, s0;
	s4 =	sadd.s32 s4, s11  }
0x7e: {  	[hbm4b:s4+s3] =	stream.linear.scatter [tilespmem:s31], [sflag:$0x4], $0x200, $0x38;
	[tilespmem:$0x18080] =	vst v63  }
0x7f: {  	s31 =	simm.s32 $0xC280  }
0x80: {  	s2 =	simm.s32 $0x40;
	s4 =	sadd.s32 $0x0, s12;
	s0 =	simm.s32 $0xC680  }
.LBB2_16:
0x81: {  	[hbm4b:s4+s3] =	stream.linear.scatter [tilespmem:s31], [sflag:$0x4], $0x200, $0x38;
	[tilespmem:$0x18080] =	vst v63  }
0x82: {  	s4 =	smov.u32 s2;
	s31 =	smov.u32 s0;
	p0 =	sne.s32 s2, $0xBC0  }
.Ltmp7:
0x83: {  	s2 =	sadd.s32 $0x40, s2;
	(pc) =	sbr.rel @p0 .LBB2_16-.Ltmp7, $2  }
0x84: {  	_ =	sdelay $0x2  }
0x85: {  	s0 =	sadd.s32 $0x400, s0;
	s4 =	sadd.s32 s4, s12  }
0x86: {  	[hbm4b:s4+s3] =	stream.linear.scatter [tilespmem:s31], [sflag:$0x4], $0x200, $0x38;
	[tilespmem:$0x18080] =	vst v63  }
0x87: {  	_ =	swait.ge [sflag:s29], $0x6000  }
0x88: {  	[sflag:s29] =	ssyncset.done $0x0  }
0x89: {  	[sflag:s29] =	ssyncadd.s32 $0xFFFFA000  }
0x8a: {  	_ =	swait.ge [sflag:s29], $0x6000  }
0x8b: {  	[sflag:s29] =	ssyncset.done $0x0  }
0x8c: {  	[sflag:s29] =	ssyncadd.s32 $0xFFFFA000  }
0x8d: {  	v1 =	vld.msk [tilespmem:$0x28], $0xff;
	_ =	sdelay $0x4  }
0x8e: {  	v1 =	vmul.u32 $0x1800, v1;
	_ =	sdelay $0x1  }
0x8f: {  	v1 =	vperm.xlane v1, v0;
	_ =	sdelay $0x4  }
0x90: {  	s0 =	simm.s32 $0x0  }
0x91: {  	[tilespmem:s23], [sflag:$0x2] =	stream.indirect_vreg.gather [hbm4b:s1+s0], $0x1800, v1, vm0, $0x38;
	[tilespmem:$0x18080] =	vst v63  }
0x92: {  	_ =	swait.ge [sflag:s24], $0xC000  }
0x93: {  	s31 =	simm.s32 $0x80;
	s2 =	simm.s32 $0x40;
	[sflag:s24] =	ssyncset.done $0x0  }
0x94: {  	s4 =	sadd.s32 $0x0, s13;
	s0 =	simm.s32 $0x480;
	[sflag:s24] =	ssyncadd.s32 $0xFFFF4000  }
.LBB2_18:
0x95: {  	[hbm4b:s4+s3] =	stream.linear.scatter [tilespmem:s31], [sflag:$0x3], $0x200, $0x38;
	[tilespmem:$0x18080] =	vst v63  }
0x96: {  	s4 =	smov.u32 s2;
	s31 =	smov.u32 s0;
	p0 =	sne.s32 s2, $0xBC0  }
.Ltmp8:
0x97: {  	s2 =	sadd.s32 $0x40, s2;
	(pc) =	sbr.rel @p0 .LBB2_18-.Ltmp8, $2  }
0x98: {  	_ =	sdelay $0x2  }
0x99: {  	s0 =	sadd.s32 $0x400, s0;
	s4 =	sadd.s32 s4, s13  }
0x9a: {  	[hbm4b:s4+s3] =	stream.linear.scatter [tilespmem:s31], [sflag:$0x3], $0x200, $0x38;
	[tilespmem:$0x18080] =	vst v63  }
0x9b: {  	s31 =	simm.s32 $0x280  }
0x9c: {  	s2 =	simm.s32 $0x40;
	s4 =	sadd.s32 $0x0, s14;
	s0 =	simm.s32 $0x680  }
.LBB2_20:
0x9d: {  	[hbm4b:s4+s3] =	stream.linear.scatter [tilespmem:s31], [sflag:$0x3], $0x200, $0x38;
	[tilespmem:$0x18080] =	vst v63  }
0x9e: {  	s4 =	smov.u32 s2;
	s31 =	smov.u32 s0;
	p0 =	sne.s32 s2, $0xBC0  }
.Ltmp9:
0x9f: {  	s2 =	sadd.s32 $0x40, s2;
	(pc) =	sbr.rel @p0 .LBB2_20-.Ltmp9, $2  }
0xa0: {  	_ =	sdelay $0x2  }
0xa1: {  	s0 =	sadd.s32 $0x400, s0;
	s4 =	sadd.s32 s4, s14  }
0xa2: {  	[hbm4b:s4+s3] =	stream.linear.scatter [tilespmem:s31], [sflag:$0x3], $0x200, $0x38;
	[tilespmem:$0x18080] =	vst v63  }
0xa3: {  	_ =	swait.ge [sflag:s25], $0x6000  }
0xa4: {  	[sflag:s25] =	ssyncset.done $0x0  }
0xa5: {  	[sflag:s25] =	ssyncadd.s32 $0xFFFFA000  }
0xa6: {  	_ =	swait.ge [sflag:s25], $0x6000  }
0xa7: {  	[sflag:s25] =	ssyncset.done $0x0  }
0xa8: {  	[sflag:s25] =	ssyncadd.s32 $0xFFFFA000  }
0xa9: {  	v1 =	vld.msk [tilespmem:$0x30], $0xff;
	_ =	sdelay $0x4  }
0xaa: {  	v1 =	vmul.u32 $0x1800, v1;
	_ =	sdelay $0x1  }
0xab: {  	v1 =	vperm.xlane v1, v0;
	_ =	sdelay $0x4  }
0xac: {  	s0 =	simm.s32 $0x0  }
0xad: {  	[tilespmem:s26], [sflag:$0x1] =	stream.indirect_vreg.gather [hbm4b:s1+s0], $0x1800, v1, vm0, $0x38;
	[tilespmem:$0x18080] =	vst v63  }
0xae: {  	_ =	swait.ge [sflag:s28], $0xC000  }
0xaf: {  	s31 =	simm.s32 $0xC080;
	s2 =	simm.s32 $0x40;
	[sflag:s28] =	ssyncset.done $0x0  }
0xb0: {  	s4 =	sadd.s32 $0x0, s15;
	s0 =	simm.s32 $0xC480;
	[sflag:s28] =	ssyncadd.s32 $0xFFFF4000  }
.LBB2_22:
0xb1: {  	[hbm4b:s4+s3] =	stream.linear.scatter [tilespmem:s31], [sflag:$0x4], $0x200, $0x38;
	[tilespmem:$0x18080] =	vst v63  }
0xb2: {  	s4 =	smov.u32 s2;
	s31 =	smov.u32 s0;
	p0 =	sne.s32 s2, $0xBC0  }
.Ltmp10:
0xb3: {  	s2 =	sadd.s32 $0x40, s2;
	(pc) =	sbr.rel @p0 .LBB2_22-.Ltmp10, $2  }
0xb4: {  	_ =	sdelay $0x2  }
0xb5: {  	s0 =	sadd.s32 $0x400, s0;
	s4 =	sadd.s32 s4, s15  }
0xb6: {  	[hbm4b:s4+s3] =	stream.linear.scatter [tilespmem:s31], [sflag:$0x4], $0x200, $0x38;
	[tilespmem:$0x18080] =	vst v63  }
0xb7: {  	s31 =	simm.s32 $0xC280  }
0xb8: {  	s2 =	simm.s32 $0x40;
	s4 =	sadd.s32 $0x0, s16;
	s0 =	simm.s32 $0xC680  }
.LBB2_24:
0xb9: {  	[hbm4b:s4+s3] =	stream.linear.scatter [tilespmem:s31], [sflag:$0x4], $0x200, $0x38;
	[tilespmem:$0x18080] =	vst v63  }
0xba: {  	s4 =	smov.u32 s2;
	s31 =	smov.u32 s0;
	p0 =	sne.s32 s2, $0xBC0  }
.Ltmp11:
0xbb: {  	s2 =	sadd.s32 $0x40, s2;
	(pc) =	sbr.rel @p0 .LBB2_24-.Ltmp11, $2  }
0xbc: {  	_ =	sdelay $0x2  }
0xbd: {  	s0 =	sadd.s32 $0x400, s0;
	s4 =	sadd.s32 s4, s16  }
0xbe: {  	[hbm4b:s4+s3] =	stream.linear.scatter [tilespmem:s31], [sflag:$0x4], $0x200, $0x38;
	[tilespmem:$0x18080] =	vst v63  }
0xbf: {  	_ =	swait.ge [sflag:s29], $0x6000  }
0xc0: {  	[sflag:s29] =	ssyncset.done $0x0  }
0xc1: {  	[sflag:s29] =	ssyncadd.s32 $0xFFFFA000  }
0xc2: {  	_ =	swait.ge [sflag:s29], $0x6000  }
0xc3: {  	[sflag:s29] =	ssyncset.done $0x0  }
0xc4: {  	[sflag:s29] =	ssyncadd.s32 $0xFFFFA000  }
0xc5: {  	v1 =	vld.msk [tilespmem:$0x38], $0xff;
	_ =	sdelay $0x4  }
0xc6: {  	v1 =	vmul.u32 $0x1800, v1;
	_ =	sdelay $0x1  }
0xc7: {  	v1 =	vperm.xlane v1, v0;
	_ =	sdelay $0x4  }
0xc8: {  	s0 =	simm.s32 $0x0  }
0xc9: {  	[tilespmem:s23], [sflag:$0x2] =	stream.indirect_vreg.gather [hbm4b:s1+s0], $0x1800, v1, vm0, $0x38;
	[tilespmem:$0x18080] =	vst v63  }
0xca: {  	_ =	swait.ge [sflag:s24], $0xC000  }
0xcb: {  	s31 =	simm.s32 $0x80;
	s2 =	simm.s32 $0x40;
	[sflag:s24] =	ssyncset.done $0x0  }
0xcc: {  	s4 =	sadd.s32 $0x0, s17;
	s0 =	simm.s32 $0x480;
	[sflag:s24] =	ssyncadd.s32 $0xFFFF4000  }
.LBB2_26:
0xcd: {  	[hbm4b:s4+s3] =	stream.linear.scatter [tilespmem:s31], [sflag:$0x3], $0x200, $0x38;
	[tilespmem:$0x18080] =	vst v63  }
0xce: {  	s4 =	smov.u32 s2;
	s31 =	smov.u32 s0;
	p0 =	sne.s32 s2, $0xBC0  }
.Ltmp12:
0xcf: {  	s2 =	sadd.s32 $0x40, s2;
	(pc) =	sbr.rel @p0 .LBB2_26-.Ltmp12, $2  }
0xd0: {  	_ =	sdelay $0x2  }
0xd1: {  	s0 =	sadd.s32 $0x400, s0;
	s4 =	sadd.s32 s4, s17  }
0xd2: {  	[hbm4b:s4+s3] =	stream.linear.scatter [tilespmem:s31], [sflag:$0x3], $0x200, $0x38;
	[tilespmem:$0x18080] =	vst v63  }
0xd3: {  	s31 =	simm.s32 $0x280  }
0xd4: {  	s2 =	simm.s32 $0x40;
	s4 =	sadd.s32 $0x0, s18;
	s0 =	simm.s32 $0x680  }
.LBB2_28:
0xd5: {  	[hbm4b:s4+s3] =	stream.linear.scatter [tilespmem:s31], [sflag:$0x3], $0x200, $0x38;
	[tilespmem:$0x18080] =	vst v63  }
0xd6: {  	s4 =	smov.u32 s2;
	s31 =	smov.u32 s0;
	p0 =	sne.s32 s2, $0xBC0  }
.Ltmp13:
0xd7: {  	s2 =	sadd.s32 $0x40, s2;
	(pc) =	sbr.rel @p0 .LBB2_28-.Ltmp13, $2  }
0xd8: {  	_ =	sdelay $0x2  }
0xd9: {  	s0 =	sadd.s32 $0x400, s0;
	s4 =	sadd.s32 s4, s18  }
0xda: {  	[hbm4b:s4+s3] =	stream.linear.scatter [tilespmem:s31], [sflag:$0x3], $0x200, $0x38;
	[tilespmem:$0x18080] =	vst v63  }
0xdb: {  	_ =	swait.ge [sflag:s28], $0xC000  }
0xdc: {  	s31 =	simm.s32 $0xC080;
	s2 =	simm.s32 $0x40;
	[sflag:s28] =	ssyncset.done $0x0  }
0xdd: {  	s4 =	sadd.s32 $0x0, s19;
	s0 =	simm.s32 $0xC480;
	[sflag:s28] =	ssyncadd.s32 $0xFFFF4000  }
.LBB2_30:
0xde: {  	[hbm4b:s4+s3] =	stream.linear.scatter [tilespmem:s31], [sflag:$0x4], $0x200, $0x38;
	[tilespmem:$0x18080] =	vst v63  }
0xdf: {  	s4 =	smov.u32 s2;
	s31 =	smov.u32 s0;
	p0 =	sne.s32 s2, $0xBC0  }
.Ltmp14:
0xe0: {  	s2 =	sadd.s32 $0x40, s2;
	(pc) =	sbr.rel @p0 .LBB2_30-.Ltmp14, $2  }
0xe1: {  	_ =	sdelay $0x2  }
0xe2: {  	s0 =	sadd.s32 $0x400, s0;
	s4 =	sadd.s32 s4, s19  }
0xe3: {  	[hbm4b:s4+s3] =	stream.linear.scatter [tilespmem:s31], [sflag:$0x4], $0x200, $0x38;
	[tilespmem:$0x18080] =	vst v63  }
0xe4: {  	s31 =	simm.s32 $0xC280  }
0xe5: {  	s2 =	simm.s32 $0x40;
	s4 =	sadd.s32 $0x0, s20;
	s0 =	simm.s32 $0xC680  }
.LBB2_32:
0xe6: {  	[hbm4b:s4+s3] =	stream.linear.scatter [tilespmem:s31], [sflag:$0x4], $0x200, $0x38;
	[tilespmem:$0x18080] =	vst v63  }
0xe7: {  	s4 =	smov.u32 s2;
	s31 =	smov.u32 s0;
	p0 =	sne.s32 s2, $0xBC0  }
.Ltmp15:
0xe8: {  	s2 =	sadd.s32 $0x40, s2;
	(pc) =	sbr.rel @p0 .LBB2_32-.Ltmp15, $2  }
0xe9: {  	_ =	sdelay $0x2  }
0xea: {  	s0 =	sadd.s32 $0x400, s0;
	s4 =	sadd.s32 s4, s20  }
0xeb: {  	[hbm4b:s4+s3] =	stream.linear.scatter [tilespmem:s31], [sflag:$0x4], $0x200, $0x38;
	[tilespmem:$0x18080] =	vst v63  }
0xec: {  	_ =	swait.ge [sflag:s25], $0x6000  }
0xed: {  	[sflag:s25] =	ssyncset.done $0x0  }
0xee: {  	[sflag:s25] =	ssyncadd.s32 $0xFFFFA000  }
0xef: {  	_ =	swait.ge [sflag:s25], $0x6000  }
0xf0: {  	[sflag:s25] =	ssyncset.done $0x0  }
0xf1: {  	s30 =	sadd.s32 $0x1, s30;
	[sflag:s25] =	ssyncadd.s32 $0xFFFFA000  }
0xf2: {  	p0 =	sne.s32 s30, s21;
	_ =	swait.ge [sflag:s29], $0x6000  }
.Ltmp16:
0xf3: {  	[sflag:s29] =	ssyncset.done $0x0;
	(pc) =	sbr.rel @p0 .LBB2_1-.Ltmp16, $4  }
0xf4: {  	[sflag:s29] =	ssyncadd.s32 $0xFFFFA000  }
0xf5: {  	_ =	swait.ge [sflag:s29], $0x6000  }
0xf6: {  	[sflag:s29] =	ssyncset.done $0x0  }
0xf7: {  	[sflag:s29] =	ssyncadd.s32 $0xFFFFA000  }
0xf8: {  	_ =	sfence.sel $0x180000  }
0xf9: {  	[bflag:$0x0] =	sbarrier.arrive $0xFFFF  }
0xfa: {  	_ =	strace $0x9000004A  }
0xfb: {  	s0 =	stileid.u32;
	[bflag:$0x2] =	sbarrier.arrive $0xFFFF  }
0xfc: {  	p0 =	sne.s32 s0, $0x0;
	s0 =	rddreg [dreg:$0x4]  }
0xfd: {  	s0 =	sadd.s32 @!p0 $0x100000, s0  }
0xfe: {  	[sflag:s0] =	ssyncadd.tile.s32 @!p0 $0x1;
	_ =	shalt  }
.Lfunc_end2:
_tile_overlayer_lowered:
.L_overlay_start_2:
0xff: {  	(tag) =	ssettag $0x2  }
0x100: {  	s0 =	rddreg [dreg:$0x0];
	s2 =	stileid.u32  }
0x101: {  	s1 =	rddreg [dreg:$0x1];
	p0 =	sne.s32 s2, $0x0  }
0x102: {  	s3 =	rddreg [dreg:$0x2];
	[bflag:$0x3] =	sbarrier.arrive $0xFFFF;
	s2 =	simm.s32 @!p0 $0x1C05  }
0x103: {  	[timem:s3], [sflag:s2] =	dma.local @!p0 [hbm:s0], s1  }
0x104: {  	s0 =	simm.s32 @!p0 $0x5  }
0x105: {  	_ =	swait.ge @!p0 [sflag:s0], s1  }
0x106: {  	s1 =	ssub.s32 @!p0 $0x0, s1;
	[sflag:s0] =	ssyncset.done @!p0 $0x0  }
0x107: {  	[sflag:s0] =	ssyncadd.s32 @!p0 s1  }
0x108: {  	[bflag:$0x3] =	sbarrier.arrive $0xFFFF  }
0x109: {  	_ =	shalt  }

// kernel: kernel.7.cloned.1.call-start
scs
__scs_entry_jumppad:
0x0: {  	(pc) =	sbr.rel $0x88, $3  }
0x1: {  	(tag) =	ssettag $0x0;
	lr =	simm.s32 $0x1  }
0x2: {  	[smem:$0x3F9D] =	sst lr;
	_ =	strace $0xD0000000  }
0x3: {  	_ = 	snop  }
0x4: {  	_ = 	snop  }
0x5: {  	_ = 	snop  }
0x6: {  	_ = 	snop  }
0x7: {  	_ = 	snop  }
__scs_overlays_trampoline_lowered:
0x8: {  	[smem:$0x3FAC] =	sst s0  }
0x9: {  	[smem:$0x3FAD] =	sst s1  }
0xa: {  	[smem:$0x3FAE] =	sst s2  }
0xb: {  	[smem:$0x3FAF] =	sst s3  }
0xc: {  	[smem:$0x3FB0] =	sst s4  }
0xd: {  	[smem:$0x3FB1] =	sst s5  }
0xe: {  	[smem:$0x3FB2] =	sst s6  }
0xf: {  	[smem:$0x3FB3] =	sst s7  }
0x10: {  	[smem:$0x3FB4] =	sst s8  }
0x11: {  	[smem:$0x3FB5] =	sst s9;
	s0 =	simm.s32 @!p0 $0x0  }
0x12: {  	s1 =	sld [smem:$0x3F9B];
	s0 =	simm.s32 @p0 $0x1  }
0x13: {  	[smem:$0x3FB6] =	sst s0;
	s0 =	simm.s32 @!p1 $0x0  }
0x14: {  	s2 =	sld [smem:$0x3F9A];
	s0 =	simm.s32 @p1 $0x1  }
0x15: {  	[smem:$0x3FB7] =	sst s0;
	s0 =	simm.s32 @!p2 $0x0  }
0x16: {  	s3 =	sld [smem:$0x3FDB];
	s0 =	simm.s32 @p2 $0x1  }
0x17: {  	s4 =	simm.s32 $0x1BF5;
	[smem:$0x3FB9] =	sst s0  }
0x18: {  	s0 =	sld [smem:$0x3F9C];
	_ =	swait.ge [sflag:s4], $0x0  }
0x19: {  	s7 =	sld [smem:$0x3F9D]  }
0x1a: {  	s8 =	sadd.s32 $0xFFFFE003, lr  }
0x1b: {  	s9 =	sadd.s32 $0xFFFFFEF7, lr;
	s5 =	simm.s32 $0xFFFFFFFF;
	p2 =	slt.u32 s8, $0xFFFFF086  }
0x1c: {  	p1 =	slt.u32 s9, $0xF7A;
	s5 =	simm.s32 @!p2 $0x0  }
0x1d: {  	s5 =	simm.s32 @p1 $0x1;
	p0 =	seq.s32 s7, s2  }
0x1e: {  	s7 =	smul.u32 @!p0 $0xF7A, s2;
	p2 =	seq.s32 @!p0 s5, $0x0  }
0x1f: {  	s9 =	smul.u32 $0xF7A, s1;
	s8 =	simm.s32 @!p0 $0x1BF5;
	p2 =	por !p2, p0  }
0x20: {  	[sflag:s8] =	ssyncset.s32 @!p0 $0xFFFFF086;
	s6 =	sadd.s32 @!p0 s3, s7;
	s7 =	simm.s32 @!p0 $0x108  }
0x21: {  	s3 =	sadd.s32 s3, s9;
	s6 =	sadd.s32 @!p0 $0x88, s6;
	s7 =	simm.s32 @p2 $0x1082  }
0x22: {  	[simem:s7], [sflag:s8] =	dma.local @!p0 [hbm:s6], $0xF7A  }
0x23: {  	s9 =	sor.u32 $0xD0000000, s2;
	s6 =	simm.s32 $0x108;
	_ =	swait.ge @!p0 [sflag:s8], $0x0  }
0x24: {  	s3 =	sadd.s32 $0x88, s3;
	s6 =	simm.s32 @!p1 $0x1082;
	[sflag:s4] =	ssyncset.s32 $0xFFFFF086  }
0x25: {  	[simem:s6], [sflag:s4] =	dma.local [hbm:s3], $0xF7A  }
0x26: {  	[smem:$0x3F9D] =	sst s1;
	(tag) =	ssettag s2;
	_ =	strace s9  }
0x27: {  	s1 =	sld [smem:$0x3FAD]  }
0x28: {  	s2 =	sld [smem:$0x3FAE]  }
0x29: {  	s4 =	sld [smem:$0x3FB0]  }
0x2a: {  	p0 =	seq.s32 s5, $0x0;
	s5 =	sld [smem:$0x3FB1]  }
0x2b: {  	s6 =	sld [smem:$0x3FB2]  }
0x2c: {  	s7 =	sld [smem:$0x3FB3]  }
0x2d: {  	s3 =	simm.s32 $0x108;
	s8 =	sld [smem:$0x3FB4]  }
0x2e: {  	s3 =	simm.s32 @!p0 $0x1082;
	s9 =	sld [smem:$0x3FB5]  }
0x2f: {  	lr =	sadd.s32 s0, s3;
	s0 =	sld [smem:$0x3FAC]  }
0x30: {  	s3 =	sld [smem:$0x3FAF]  }
0x31: {  	[smem:$0x3FB8] =	sst s10  }
0x32: {  	s10 =	sld [smem:$0x3FB6];
	_ =	sdelay $0x3  }
0x33: {  	p0 =	seq.s32 s10, $0x1;
	s10 =	sld [smem:$0x3FB8];
	_ =	sdelay $0x3  }
0x34: {  	[smem:$0x3FB8] =	sst s10  }
0x35: {  	s10 =	sld [smem:$0x3FB7];
	_ =	sdelay $0x3  }
0x36: {  	p1 =	seq.s32 s10, $0x1;
	s10 =	sld [smem:$0x3FB8];
	_ =	sdelay $0x3  }
0x37: {  	[smem:$0x3FB8] =	sst s10  }
0x38: {  	s10 =	sld [smem:$0x3FB9]  }
0x39: {  	_ = 	snop;
	(pc) =	sbr.ind lr, $3  }
0x3a: {  	_ = 	snop  }
0x3b: {  	_ = 	snop  }
0x3c: {  	p2 =	seq.s32 s10, $0x1;
	s10 =	sld [smem:$0x3FB8]  }
0x3d: {  	_ =	shalt  }
0x3e: {  	_ =	shalt  }
0x3f: {  	_ =	shalt  }
0x40: {  	_ =	shalt  }
0x41: {  	_ =	shalt  }
0x42: {  	_ =	shalt  }
0x43: {  	_ =	shalt  }
0x44: {  	_ =	shalt  }
0x45: {  	_ =	shalt  }
0x46: {  	_ =	shalt  }
0x47: {  	_ =	shalt  }
0x48: {  	_ =	shalt  }
0x49: {  	_ =	shalt  }
0x4a: {  	_ =	shalt  }
0x4b: {  	_ =	shalt  }
0x4c: {  	_ =	shalt  }
0x4d: {  	_ =	shalt  }
0x4e: {  	_ =	shalt  }
0x4f: {  	_ =	shalt  }
0x50: {  	_ =	shalt  }
0x51: {  	_ =	shalt  }
0x52: {  	_ =	shalt  }
0x53: {  	_ =	shalt  }
0x54: {  	_ =	shalt  }
0x55: {  	_ =	shalt  }
0x56: {  	_ =	shalt  }
0x57: {  	_ =	shalt  }
0x58: {  	_ =	shalt  }
0x59: {  	_ =	shalt  }
0x5a: {  	_ =	shalt  }
0x5b: {  	_ =	shalt  }
0x5c: {  	_ =	shalt  }
0x5d: {  	_ =	shalt  }
0x5e: {  	_ =	shalt  }
0x5f: {  	_ =	shalt  }
0x60: {  	_ =	shalt  }
0x61: {  	_ =	shalt  }
0x62: {  	_ =	shalt  }
0x63: {  	_ =	shalt  }
0x64: {  	_ =	shalt  }
0x65: {  	_ =	shalt  }
0x66: {  	_ =	shalt  }
0x67: {  	_ =	shalt  }
0x68: {  	_ =	shalt  }
0x69: {  	_ =	shalt  }
0x6a: {  	_ =	shalt  }
0x6b: {  	_ =	shalt  }
0x6c: {  	_ =	shalt  }
0x6d: {  	_ =	shalt  }
0x6e: {  	_ =	shalt  }
0x6f: {  	_ =	shalt  }
0x70: {  	_ =	shalt  }
0x71: {  	_ =	shalt  }
0x72: {  	_ =	shalt  }
0x73: {  	_ =	shalt  }
0x74: {  	_ =	shalt  }
0x75: {  	_ =	shalt  }
0x76: {  	_ =	shalt  }
0x77: {  	_ =	shalt  }
0x78: {  	_ =	shalt  }
0x79: {  	_ =	shalt  }
0x7a: {  	_ =	shalt  }
0x7b: {  	_ =	shalt  }
0x7c: {  	_ =	shalt  }
0x7d: {  	_ =	shalt  }
0x7e: {  	_ =	shalt  }
0x7f: {  	_ =	shalt  }
0x80: {  	_ =	shalt  }
0x81: {  	_ =	shalt  }
0x82: {  	_ =	shalt  }
0x83: {  	_ =	shalt  }
0x84: {  	_ =	shalt  }
0x85: {  	_ =	shalt  }
0x86: {  	_ =	shalt  }
0x87: {  	_ =	shalt  }
.Lfunc_end0:
.L_simem_size_0:
called_computation_lowered:
.L_overlay_start_0:
0x88: {  	s2 =	sld [smem:$0x3FD9]  }
0x89: {  	s3 =	sld [smem:$0x3FFE];
	_ =	sdelay $0x1  }
0x8a: {  	s1 =	srdreg.scid  }
0x8b: {  	s0 =	sand.u32 $0x1, s1  }
0x8c: {  	s15 =	sshll.u32 s0, $0xA;
	s2 =	sadd.s32 s3, s2  }
0x8d: {  	s2 =	sadd.s32 s2, s15  }
0x8e: {  	[smem:$0x3FC4] =	sst s2  }
0x8f: {  	_ = 	snop  }
0x90: {  	s2 =	sld [smem:$0x3FD0];
	_ =	sdelay $0x2  }
0x91: {  	s4 =	simm.s32 $0xA;
	s5 =	simm.s32 $0x10;
	s16 =	sld [smem:$0x3FC6]  }
0x92: {  	[smem:s5], [sflag:s4] =	dma.local [hbm:s2], $0x1  }
0x93: {  	_ =	swait.eq [sflag:s4], $0x1  }
0x94: {  	s17 =	sld [smem:$0x10];
	[sflag:s4] =	ssyncset.done $0x0  }
0x95: {  	s18 =	sld [smem:$0x11];
	[sflag:s4] =	ssyncadd.s32 $0xFFFFFFFF  }
0x96: {  	s19 =	sld [smem:$0x12];
	(tm) =	ssettm $0x1  }
0x97: {  	s6 =	sld [smem:$0x3FFB];
	_ =	sdelay $0x3  }
0x98: {  	_ =	strace s6  }
0x99: {  	s6 =	sld [smem:$0x3FFC];
	_ =	sdelay $0x3  }
0x9a: {  	_ =	strace s6  }
0x9b: {  	s6 =	sld [smem:$0x3FFD];
	_ =	sdelay $0x3  }
0x9c: {  	_ =	strace s6  }
0x9d: {  	_ =	strace $0x8FFFFFFF  }
0x9e: {  	s20 =	sld [smem:$0x3FDB];
	_ =	sdelay $0x1  }
0x9f: {  	s7 =	simm.s32 $_scs_section_size  }
0xa0: {  	s8 =	simm.s32 $_size__tile_overlayer_lowered;
	s9 =	simm.s32 $_tile_overlayer_lowered  }
0xa1: {  	s23 =	simm.s32 $0x1BFF;
	s22 =	sshll.u32 s9, $0x1;
	s6 =	sadd.s32 s7, s20  }
0xa2: {  	s10 =	simm.s32 $0x0;
	s21 =	sshll.u32 s8, $0x1;
	s8 =	sadd.s32 s22, s6  }
0xa3: {  	[timem:s10], [sflag:s23] =	dma.local [hbm:s8], s21  }
0xa4: {  	_ =	swait.ge [sflag:s23], s21  }
0xa5: {  	s7 =	ssub.s32 $0x0, s21;
	[sflag:s23] =	ssyncset.done $0x0  }
0xa6: {  	[sflag:s23] =	ssyncadd.s32 s7;
	_ =	sdelay $0x1  }
0xa7: {  	s24 =	simm.s32 $0x1B8B  }
0xa8: {  	_ =	swait.ge [sflag:s24], $0x1  }
0xa9: {  	[sflag:s24] =	ssyncset.done $0x0  }
0xaa: {  	s25 =	simm.s32 $0x1B8E;
	[sflag:s24] =	ssyncadd.s32 $0xFFFFFFFF  }
0xab: {  	s26 =	simm.s32 $execute0_lowered;
	[smem:$0x3FD2] =	sst s25  }
0xac: {  	s7 =	sshll.u32 s26, $0x1;
	_ =	strace $0x80000046;
	[dreg:$0x1] =	wrdreg $0xFFFFFFFF  }
0xad: {  	s28 =	simm.s32 $_size_execute0_lowered;
	s6 =	sadd.s32 s6, s7;
	[dreg:$0x0] =	wrdreg $0x0  }
0xae: {  	s7 =	sshll.u32 s28, $0x1;
	[dreg:$0x2] =	wrdreg s6  }
0xaf: {  	[dreg:$0x3] =	wrdreg s7  }
0xb0: {  	[dreg:$0x4] =	wrdreg $0xC0  }
0xb1: {  	_ =	task [dreg:s10], $0x5FFFF  }
0xb2: {  	[dreg:$0x1] =	wrdreg $0xFFFFFFFF  }
0xb3: {  	[dreg:$0x0] =	wrdreg $0x60  }
0xb4: {  	[dreg:$0x2] =	wrdreg s16  }
0xb5: {  	[dreg:$0x3] =	wrdreg s19  }
0xb6: {  	[dreg:$0x4] =	wrdreg s17  }
0xb7: {  	[dreg:$0x5] =	wrdreg s18  }
0xb8: {  	[dreg:$0x6] =	wrdreg $0x9  }
0xb9: {  	_ =	task.clear_ibuf [dreg:s10], $0x7FFFF;
	_ =	strace $0x90000046  }
0xba: {  	s29 =	simm.s32 $0x9;
	_ =	strace $0x80000048  }
0xbb: {  	_ =	swait.ge [sflag:s29], $0x1  }
0xbc: {  	[sflag:s29] =	ssyncadd.s32 $0xFFFFFFFF  }
0xbd: {  	_ =	strace $0x90000048  }
0xbe: {  	_ =	sfence  }
0xbf: {  	s30 =	sld [smem:$0x0];
	_ =	sdelay $0x2  }
0xc0: {  	s31 =	sshll.u32 s1, $0xD;
	s1 =	sshrl.u32 s1, $0x2  }
0xc1: {  	s3 =	sand.u32 $0x4000, s31;
	s1 =	sadd.s32 s1, s30  }
0xc2: {  	s0 =	sor.u32 s3, s0;
	s1 =	sshll.u32 s1, $0x11  }
0xc3: {  	s0 =	sor.u32 s1, s0  }
0xc4: {  	s0 =	sadd.s32 $0x8F2B, s0  }
0xc5: {  	[sflag:s0] =	ssyncadd.remote.s32 $0x1  }
0xc6: {  	_ =	sfence.sel $0xFFFF  }
0xc7: {  	[dreg:$0x0] =	wrdreg $0xFFFFFFFF;
	(pc) =	sbr.abs _section_cstart, $3  }
0xc8: {  	[dreg:$0x1] =	wrdreg $0xFFFFFFFF  }
0xc9: {  	_ =	task.clear_ibuf [dreg:s10], $0x2FFFF;
	_ =	strace $0x9FFFFFFF  }
0xca: {  	(tm) =	ssettm $0x7FFFFFFF  }
0xcb: {  	_ =	shalt  }
tec
execute0_lowered:
.L_overlay_start_1:
0x0: {  	(tag) =	ssettag $0x1  }
0x1: {  	s1 =	rddreg [dreg:$0x0]  }
0x2: {  	s0 =	rddreg [dreg:$0x1]  }
0x3: {  	s2 =	rddreg [dreg:$0x2]  }
0x4: {  	s4 =	rddreg [dreg:$0x3];
	s5 =	srdreg.scid;
	s3 =	simm.s32 $0x0  }
0x5: {  	s6 =	stileid.u32;
	s22 =	simm.s32 $0x5;
	s23 =	simm.s32 $0xC080  }
0x6: {  	s24 =	simm.s32 $0x1;
	s28 =	simm.s32 $0x2;
	s29 =	simm.s32 $0x4  }
0x7: {  	s30 =	simm.s32 $0x0;
	s5 =	sand.u32 $0x1, s5;
	[smem:$0x7FF] =	sst s3  }
0x8: {  	s6 =	sshll.u32 s6, $0x7;
	s7 =	sshll.u32 s5, $0x6;
	s5 =	ssub.s32 $0x2, s5  }
0x9: {  	_ =	strace $0x80000047;
	s6 =	sor.u32 s7, s6;
	s25 =	sshrl.u32 s5, $0x1  }
0xa: {  	s8 =	sshrl.u32 s6, $0x3;
	s9 =	smul.u32 $0x180, s6;
	s21 =	ssub.s32 s5, s25  }
0xb: {  	s26 =	smul.u32 $0xC00, s6;
	s25 =	simm.s32 $0x3;
	s0 =	sadd.s32 s0, s8  }
0xc: {  	s21 =	smax.u32 s21, $0x1;
	[dreg:$0x5] =	wrdreg s0;
	s5 =	sadd.s32 s2, s9  }
0xd: {  	s6 =	sadd.s32 s4, s9;
	s31 =	sor.u32 $0xC00, s9;
	s10 =	sor.u32 $0x1800, s9  }
0xe: {  	s0 =	sshrl.u32 s26, $0x3;
	s26 =	simm.s32 $0x80;
	s7 =	sadd.s32 s2, s31  }
0xf: {  	s8 =	sadd.s32 s4, s31;
	s9 =	sadd.s32 s2, s10;
	s12 =	sadd.s32 $0x2400, s0  }
0x10: {  	s10 =	sadd.s32 s4, s10;
	s14 =	sadd.s32 $0x3000, s0;
	s16 =	sadd.s32 $0x3C00, s0  }
0x11: {  	s18 =	sadd.s32 $0x4800, s0;
	s0 =	sadd.s32 $0x5400, s0;
	s11 =	sadd.s32 s2, s12  }
0x12: {  	s12 =	sadd.s32 s4, s12;
	s13 =	sadd.s32 s2, s14;
	s14 =	sadd.s32 s4, s14  }
0x13: {  	s15 =	sadd.s32 s2, s16;
	s16 =	sadd.s32 s4, s16;
	s17 =	sadd.s32 s2, s18  }
0x14: {  	vm0 =	vmmov $0xff;
	v0 =	vlaneseq.u32;
	s18 =	sadd.s32 s4, s18;
	s19 =	sadd.s32 s2, s0;
	s20 =	sadd.s32 s4, s0  }
.LBB2_1:
0x15: {  	s0 =	rddreg [dreg:$0x5]  }
0x16: {  	[tilespmem:s3], [sflag:$0x5] =	stream.linear.gather [hbm4b:s0+s3], $0x40, $0x38;
	[tilespmem:$0x18080] =	vst v63  }
0x17: {  	_ =	swait.ge [sflag:s22], $0x40  }
0x18: {  	[sflag:s22] =	ssyncset.done $0x0  }
0x19: {  	[sflag:s22] =	ssyncadd.s32 $0xFFFFFFC0  }
0x1a: {  	v1 =	vld.msk [tilespmem:$0x0], $0xff;
	_ =	sdelay $0x4  }
0x1b: {  	v1 =	vmul.u32 $0x1800, v1;
	_ =	sdelay $0x1  }
0x1c: {  	v1 =	vperm.xlane v1, v0;
	_ =	sdelay $0x5  }
0x1d: {  	[tilespmem:s26], [sflag:$0x1] =	stream.indirect_vreg.gather [hbm4b:s1+s3], $0x1800, v1, vm0, $0x38;
	[tilespmem:$0x18080] =	vst v63  }
0x1e: {  	v1 =	vld.msk [tilespmem:$0x8], $0xff;
	_ =	sdelay $0x4  }
0x1f: {  	v1 =	vmul.u32 $0x1800, v1;
	_ =	sdelay $0x1  }
0x20: {  	v1 =	vperm.xlane v1, v0;
	_ =	sdelay $0x5  }
0x21: {  	[tilespmem:s23], [sflag:$0x2] =	stream.indirect_vreg.gather [hbm4b:s1+s3], $0x1800, v1, vm0, $0x38;
	[tilespmem:$0x18080] =	vst v63  }
0x22: {  	_ =	swait.ge [sflag:s24], $0xC000  }
0x23: {  	s31 =	simm.s32 $0x40;
	s4 =	sadd.s32 $0x0, s5;
	[sflag:s24] =	ssyncset.done $0x0  }
0x24: {  	s2 =	simm.s32 $0x80;
	s0 =	simm.s32 $0x480;
	[sflag:s24] =	ssyncadd.s32 $0xFFFF4000  }
.LBB2_2:
0x25: {  	[hbm4b:s4+s3] =	stream.linear.scatter [tilespmem:s2], [sflag:$0x3], $0x200, $0x38;
	[tilespmem:$0x18080] =	vst v63  }
0x26: {  	s4 =	smov.u32 s31;
	s2 =	smov.u32 s0;
	p0 =	sne.s32 s31, $0xBC0  }
.Ltmp0:
0x27: {  	s31 =	sadd.s32 $0x40, s31;
	(pc) =	sbr.rel @p0 .LBB2_2-.Ltmp0, $2  }
0x28: {  	_ =	sdelay $0x2  }
0x29: {  	s0 =	sadd.s32 $0x400, s0;
	s4 =	sadd.s32 s4, s5  }
0x2a: {  	[hbm4b:s4+s3] =	stream.linear.scatter [tilespmem:s2], [sflag:$0x3], $0x200, $0x38;
	[tilespmem:$0x18080] =	vst v63  }
0x2b: {  	s31 =	simm.s32 $0x280  }
0x2c: {  	s0 =	simm.s32 $0x40;
	s4 =	sadd.s32 $0x0, s6;
	s2 =	simm.s32 $0x680  }
.LBB2_4:
0x2d: {  	[hbm4b:s4+s3] =	stream.linear.scatter [tilespmem:s31], [sflag:$0x3], $0x200, $0x38;
	[tilespmem:$0x18080] =	vst v63  }
0x2e: {  	s4 =	smov.u32 s0;
	s31 =	smov.u32 s2;
	p0 =	sne.s32 s0, $0xBC0  }
.Ltmp1:
0x2f: {  	s0 =	sadd.s32 $0x40, s0;
	(pc) =	sbr.rel @p0 .LBB2_4-.Ltmp1, $2  }
0x30: {  	_ =	sdelay $0x2  }
0x31: {  	s2 =	sadd.s32 $0x400, s2;
	s4 =	sadd.s32 s4, s6  }
0x32: {  	[hbm4b:s4+s3] =	stream.linear.scatter [tilespmem:s31], [sflag:$0x3], $0x200, $0x38;
	[tilespmem:$0x18080] =	vst v63  }
0x33: {  	_ =	swait.ge [sflag:s25], $0x6000  }
0x34: {  	[sflag:s25] =	ssyncset.done $0x0  }
0x35: {  	[sflag:s25] =	ssyncadd.s32 $0xFFFFA000  }
0x36: {  	_ =	swait.ge [sflag:s25], $0x6000  }
0x37: {  	[sflag:s25] =	ssyncset.done $0x0  }
0x38: {  	[sflag:s25] =	ssyncadd.s32 $0xFFFFA000  }
0x39: {  	v1 =	vld.msk [tilespmem:$0x10], $0xff;
	_ =	sdelay $0x4  }
0x3a: {  	v1 =	vmul.u32 $0x1800, v1;
	_ =	sdelay $0x1  }
0x3b: {  	v1 =	vperm.xlane v1, v0;
	_ =	sdelay $0x4  }
0x3c: {  	s0 =	simm.s32 $0x0  }
0x3d: {  	[tilespmem:s26], [sflag:$0x1] =	stream.indirect_vreg.gather [hbm4b:s1+s0], $0x1800, v1, vm0, $0x38;
	[tilespmem:$0x18080] =	vst v63  }
0x3e: {  	_ =	swait.ge [sflag:s28], $0xC000  }
0x3f: {  	s31 =	simm.s32 $0xC080;
	s4 =	sadd.s32 $0x0, s7;
	[sflag:s28] =	ssyncset.done $0x0  }
0x40: {  	s2 =	simm.s32 $0xC480;
	s0 =	simm.s32 $0x40;
	[sflag:s28] =	ssyncadd.s32 $0xFFFF4000  }
.LBB2_6:
0x41: {  	[hbm4b:s4+s3] =	stream.linear.scatter [tilespmem:s31], [sflag:$0x4], $0x200, $0x38;
	[tilespmem:$0x18080] =	vst v63  }
0x42: {  	s4 =	smov.u32 s0;
	s31 =	smov.u32 s2;
	p0 =	sne.s32 s0, $0xBC0  }
.Ltmp2:
0x43: {  	s0 =	sadd.s32 $0x40, s0;
	(pc) =	sbr.rel @p0 .LBB2_6-.Ltmp2, $2  }
0x44: {  	_ =	sdelay $0x2  }
0x45: {  	s2 =	sadd.s32 $0x400, s2;
	s4 =	sadd.s32 s4, s7  }
0x46: {  	[hbm4b:s4+s3] =	stream.linear.scatter [tilespmem:s31], [sflag:$0x4], $0x200, $0x38;
	[tilespmem:$0x18080] =	vst v63  }
0x47: {  	s31 =	simm.s32 $0xC280  }
0x48: {  	s0 =	simm.s32 $0x40;
	s4 =	sadd.s32 $0x0, s8;
	s2 =	simm.s32 $0xC680  }
.LBB2_8:
0x49: {  	[hbm4b:s4+s3] =	stream.linear.scatter [tilespmem:s31], [sflag:$0x4], $0x200, $0x38;
	[tilespmem:$0x18080] =	vst v63  }
0x4a: {  	s4 =	smov.u32 s0;
	s31 =	smov.u32 s2;
	p0 =	sne.s32 s0, $0xBC0  }
.Ltmp3:
0x4b: {  	s0 =	sadd.s32 $0x40, s0;
	(pc) =	sbr.rel @p0 .LBB2_8-.Ltmp3, $2  }
0x4c: {  	_ =	sdelay $0x2  }
0x4d: {  	s2 =	sadd.s32 $0x400, s2;
	s4 =	sadd.s32 s4, s8  }
0x4e: {  	[hbm4b:s4+s3] =	stream.linear.scatter [tilespmem:s31], [sflag:$0x4], $0x200, $0x38;
	[tilespmem:$0x18080] =	vst v63  }
0x4f: {  	_ =	swait.ge [sflag:s29], $0x6000  }
0x50: {  	[sflag:s29] =	ssyncset.done $0x0  }
0x51: {  	[sflag:s29] =	ssyncadd.s32 $0xFFFFA000  }
0x52: {  	_ =	swait.ge [sflag:s29], $0x6000  }
0x53: {  	[sflag:s29] =	ssyncset.done $0x0  }
0x54: {  	[sflag:s29] =	ssyncadd.s32 $0xFFFFA000  }
0x55: {  	v1 =	vld.msk [tilespmem:$0x18], $0xff;
	_ =	sdelay $0x4  }
0x56: {  	v1 =	vmul.u32 $0x1800, v1;
	_ =	sdelay $0x1  }
0x57: {  	v1 =	vperm.xlane v1, v0;
	_ =	sdelay $0x4  }
0x58: {  	s0 =	simm.s32 $0x0  }
0x59: {  	[tilespmem:s23], [sflag:$0x2] =	stream.indirect_vreg.gather [hbm4b:s1+s0], $0x1800, v1, vm0, $0x38;
	[tilespmem:$0x18080] =	vst v63  }
0x5a: {  	_ =	swait.ge [sflag:s24], $0xC000  }
0x5b: {  	s31 =	simm.s32 $0x80;
	s4 =	sadd.s32 $0x0, s9;
	[sflag:s24] =	ssyncset.done $0x0  }
0x5c: {  	s2 =	simm.s32 $0x480;
	s0 =	simm.s32 $0x40;
	[sflag:s24] =	ssyncadd.s32 $0xFFFF4000  }
.LBB2_10:
0x5d: {  	[hbm4b:s4+s3] =	stream.linear.scatter [tilespmem:s31], [sflag:$0x3], $0x200, $0x38;
	[tilespmem:$0x18080] =	vst v63  }
0x5e: {  	s4 =	smov.u32 s0;
	s31 =	smov.u32 s2;
	p0 =	sne.s32 s0, $0xBC0  }
.Ltmp4:
0x5f: {  	s0 =	sadd.s32 $0x40, s0;
	(pc) =	sbr.rel @p0 .LBB2_10-.Ltmp4, $2  }
0x60: {  	_ =	sdelay $0x2  }
0x61: {  	s2 =	sadd.s32 $0x400, s2;
	s4 =	sadd.s32 s4, s9  }
0x62: {  	[hbm4b:s4+s3] =	stream.linear.scatter [tilespmem:s31], [sflag:$0x3], $0x200, $0x38;
	[tilespmem:$0x18080] =	vst v63  }
0x63: {  	s31 =	simm.s32 $0x280  }
0x64: {  	s0 =	simm.s32 $0x40;
	s4 =	sadd.s32 $0x0, s10;
	s2 =	simm.s32 $0x680  }
.LBB2_12:
0x65: {  	[hbm4b:s4+s3] =	stream.linear.scatter [tilespmem:s31], [sflag:$0x3], $0x200, $0x38;
	[tilespmem:$0x18080] =	vst v63  }
0x66: {  	s4 =	smov.u32 s0;
	s31 =	smov.u32 s2;
	p0 =	sne.s32 s0, $0xBC0  }
.Ltmp5:
0x67: {  	s0 =	sadd.s32 $0x40, s0;
	(pc) =	sbr.rel @p0 .LBB2_12-.Ltmp5, $2  }
0x68: {  	_ =	sdelay $0x2  }
0x69: {  	s2 =	sadd.s32 $0x400, s2;
	s4 =	sadd.s32 s4, s10  }
0x6a: {  	[hbm4b:s4+s3] =	stream.linear.scatter [tilespmem:s31], [sflag:$0x3], $0x200, $0x38;
	[tilespmem:$0x18080] =	vst v63  }
0x6b: {  	_ =	swait.ge [sflag:s25], $0x6000  }
0x6c: {  	[sflag:s25] =	ssyncset.done $0x0  }
0x6d: {  	[sflag:s25] =	ssyncadd.s32 $0xFFFFA000  }
0x6e: {  	_ =	swait.ge [sflag:s25], $0x6000  }
0x6f: {  	[sflag:s25] =	ssyncset.done $0x0  }
0x70: {  	[sflag:s25] =	ssyncadd.s32 $0xFFFFA000  }
0x71: {  	v1 =	vld.msk [tilespmem:$0x20], $0xff;
	_ =	sdelay $0x4  }
0x72: {  	v1 =	vmul.u32 $0x1800, v1;
	_ =	sdelay $0x1  }
0x73: {  	v1 =	vperm.xlane v1, v0;
	_ =	sdelay $0x4  }
0x74: {  	s0 =	simm.s32 $0x0  }
0x75: {  	[tilespmem:s26], [sflag:$0x1] =	stream.indirect_vreg.gather [hbm4b:s1+s0], $0x1800, v1, vm0, $0x38;
	[tilespmem:$0x18080] =	vst v63  }
0x76: {  	_ =	swait.ge [sflag:s28], $0xC000  }
0x77: {  	s31 =	simm.s32 $0xC080;
	s4 =	sadd.s32 $0x0, s11;
	[sflag:s28] =	ssyncset.done $0x0  }
0x78: {  	s2 =	simm.s32 $0xC480;
	s0 =	simm.s32 $0x40;
	[sflag:s28] =	ssyncadd.s32 $0xFFFF4000  }
.LBB2_14:
0x79: {  	[hbm4b:s4+s3] =	stream.linear.scatter [tilespmem:s31], [sflag:$0x4], $0x200, $0x38;
	[tilespmem:$0x18080] =	vst v63  }
0x7a: {  	s4 =	smov.u32 s0;
	s31 =	smov.u32 s2;
	p0 =	sne.s32 s0, $0xBC0  }
.Ltmp6:
0x7b: {  	s0 =	sadd.s32 $0x40, s0;
	(pc) =	sbr.rel @p0 .LBB2_14-.Ltmp6, $2  }
0x7c: {  	_ =	sdelay $0x2  }
0x7d: {  	s2 =	sadd.s32 $0x400, s2;
	s4 =	sadd.s32 s4, s11  }
0x7e: {  	[hbm4b:s4+s3] =	stream.linear.scatter [tilespmem:s31], [sflag:$0x4], $0x200, $0x38;
	[tilespmem:$0x18080] =	vst v63  }
0x7f: {  	s31 =	simm.s32 $0xC280  }
0x80: {  	s0 =	simm.s32 $0x40;
	s4 =	sadd.s32 $0x0, s12;
	s2 =	simm.s32 $0xC680  }
.LBB2_16:
0x81: {  	[hbm4b:s4+s3] =	stream.linear.scatter [tilespmem:s31], [sflag:$0x4], $0x200, $0x38;
	[tilespmem:$0x18080] =	vst v63  }
0x82: {  	s4 =	smov.u32 s0;
	s31 =	smov.u32 s2;
	p0 =	sne.s32 s0, $0xBC0  }
.Ltmp7:
0x83: {  	s0 =	sadd.s32 $0x40, s0;
	(pc) =	sbr.rel @p0 .LBB2_16-.Ltmp7, $2  }
0x84: {  	_ =	sdelay $0x2  }
0x85: {  	s2 =	sadd.s32 $0x400, s2;
	s4 =	sadd.s32 s4, s12  }
0x86: {  	[hbm4b:s4+s3] =	stream.linear.scatter [tilespmem:s31], [sflag:$0x4], $0x200, $0x38;
	[tilespmem:$0x18080] =	vst v63  }
0x87: {  	_ =	swait.ge [sflag:s29], $0x6000  }
0x88: {  	[sflag:s29] =	ssyncset.done $0x0  }
0x89: {  	[sflag:s29] =	ssyncadd.s32 $0xFFFFA000  }
0x8a: {  	_ =	swait.ge [sflag:s29], $0x6000  }
0x8b: {  	[sflag:s29] =	ssyncset.done $0x0  }
0x8c: {  	[sflag:s29] =	ssyncadd.s32 $0xFFFFA000  }
0x8d: {  	v1 =	vld.msk [tilespmem:$0x28], $0xff;
	_ =	sdelay $0x4  }
0x8e: {  	v1 =	vmul.u32 $0x1800, v1;
	_ =	sdelay $0x1  }
0x8f: {  	v1 =	vperm.xlane v1, v0;
	_ =	sdelay $0x4  }
0x90: {  	s0 =	simm.s32 $0x0  }
0x91: {  	[tilespmem:s23], [sflag:$0x2] =	stream.indirect_vreg.gather [hbm4b:s1+s0], $0x1800, v1, vm0, $0x38;
	[tilespmem:$0x18080] =	vst v63  }
0x92: {  	_ =	swait.ge [sflag:s24], $0xC000  }
0x93: {  	s31 =	simm.s32 $0x80;
	s4 =	sadd.s32 $0x0, s13;
	[sflag:s24] =	ssyncset.done $0x0  }
0x94: {  	s2 =	simm.s32 $0x480;
	s0 =	simm.s32 $0x40;
	[sflag:s24] =	ssyncadd.s32 $0xFFFF4000  }
.LBB2_18:
0x95: {  	[hbm4b:s4+s3] =	stream.linear.scatter [tilespmem:s31], [sflag:$0x3], $0x200, $0x38;
	[tilespmem:$0x18080] =	vst v63  }
0x96: {  	s4 =	smov.u32 s0;
	s31 =	smov.u32 s2;
	p0 =	sne.s32 s0, $0xBC0  }
.Ltmp8:
0x97: {  	s0 =	sadd.s32 $0x40, s0;
	(pc) =	sbr.rel @p0 .LBB2_18-.Ltmp8, $2  }
0x98: {  	_ =	sdelay $0x2  }
0x99: {  	s2 =	sadd.s32 $0x400, s2;
	s4 =	sadd.s32 s4, s13  }
0x9a: {  	[hbm4b:s4+s3] =	stream.linear.scatter [tilespmem:s31], [sflag:$0x3], $0x200, $0x38;
	[tilespmem:$0x18080] =	vst v63  }
0x9b: {  	s31 =	simm.s32 $0x280  }
0x9c: {  	s0 =	simm.s32 $0x40;
	s4 =	sadd.s32 $0x0, s14;
	s2 =	simm.s32 $0x680  }
.LBB2_20:
0x9d: {  	[hbm4b:s4+s3] =	stream.linear.scatter [tilespmem:s31], [sflag:$0x3], $0x200, $0x38;
	[tilespmem:$0x18080] =	vst v63  }
0x9e: {  	s4 =	smov.u32 s0;
	s31 =	smov.u32 s2;
	p0 =	sne.s32 s0, $0xBC0  }
.Ltmp9:
0x9f: {  	s0 =	sadd.s32 $0x40, s0;
	(pc) =	sbr.rel @p0 .LBB2_20-.Ltmp9, $2  }
0xa0: {  	_ =	sdelay $0x2  }
0xa1: {  	s2 =	sadd.s32 $0x400, s2;
	s4 =	sadd.s32 s4, s14  }
0xa2: {  	[hbm4b:s4+s3] =	stream.linear.scatter [tilespmem:s31], [sflag:$0x3], $0x200, $0x38;
	[tilespmem:$0x18080] =	vst v63  }
0xa3: {  	_ =	swait.ge [sflag:s25], $0x6000  }
0xa4: {  	[sflag:s25] =	ssyncset.done $0x0  }
0xa5: {  	[sflag:s25] =	ssyncadd.s32 $0xFFFFA000  }
0xa6: {  	_ =	swait.ge [sflag:s25], $0x6000  }
0xa7: {  	[sflag:s25] =	ssyncset.done $0x0  }
0xa8: {  	[sflag:s25] =	ssyncadd.s32 $0xFFFFA000  }
0xa9: {  	v1 =	vld.msk [tilespmem:$0x30], $0xff;
	_ =	sdelay $0x4  }
0xaa: {  	v1 =	vmul.u32 $0x1800, v1;
	_ =	sdelay $0x1  }
0xab: {  	v1 =	vperm.xlane v1, v0;
	_ =	sdelay $0x4  }
0xac: {  	s0 =	simm.s32 $0x0  }
0xad: {  	[tilespmem:s26], [sflag:$0x1] =	stream.indirect_vreg.gather [hbm4b:s1+s0], $0x1800, v1, vm0, $0x38;
	[tilespmem:$0x18080] =	vst v63  }
0xae: {  	_ =	swait.ge [sflag:s28], $0xC000  }
0xaf: {  	s31 =	simm.s32 $0xC080;
	s4 =	sadd.s32 $0x0, s15;
	[sflag:s28] =	ssyncset.done $0x0  }
0xb0: {  	s2 =	simm.s32 $0xC480;
	s0 =	simm.s32 $0x40;
	[sflag:s28] =	ssyncadd.s32 $0xFFFF4000  }
.LBB2_22:
0xb1: {  	[hbm4b:s4+s3] =	stream.linear.scatter [tilespmem:s31], [sflag:$0x4], $0x200, $0x38;
	[tilespmem:$0x18080] =	vst v63  }
0xb2: {  	s4 =	smov.u32 s0;
	s31 =	smov.u32 s2;
	p0 =	sne.s32 s0, $0xBC0  }
.Ltmp10:
0xb3: {  	s0 =	sadd.s32 $0x40, s0;
	(pc) =	sbr.rel @p0 .LBB2_22-.Ltmp10, $2  }
0xb4: {  	_ =	sdelay $0x2  }
0xb5: {  	s2 =	sadd.s32 $0x400, s2;
	s4 =	sadd.s32 s4, s15  }
0xb6: {  	[hbm4b:s4+s3] =	stream.linear.scatter [tilespmem:s31], [sflag:$0x4], $0x200, $0x38;
	[tilespmem:$0x18080] =	vst v63  }
0xb7: {  	s31 =	simm.s32 $0xC280  }
0xb8: {  	s0 =	simm.s32 $0x40;
	s4 =	sadd.s32 $0x0, s16;
	s2 =	simm.s32 $0xC680  }
.LBB2_24:
0xb9: {  	[hbm4b:s4+s3] =	stream.linear.scatter [tilespmem:s31], [sflag:$0x4], $0x200, $0x38;
	[tilespmem:$0x18080] =	vst v63  }
0xba: {  	s4 =	smov.u32 s0;
	s31 =	smov.u32 s2;
	p0 =	sne.s32 s0, $0xBC0  }
.Ltmp11:
0xbb: {  	s0 =	sadd.s32 $0x40, s0;
	(pc) =	sbr.rel @p0 .LBB2_24-.Ltmp11, $2  }
0xbc: {  	_ =	sdelay $0x2  }
0xbd: {  	s2 =	sadd.s32 $0x400, s2;
	s4 =	sadd.s32 s4, s16  }
0xbe: {  	[hbm4b:s4+s3] =	stream.linear.scatter [tilespmem:s31], [sflag:$0x4], $0x200, $0x38;
	[tilespmem:$0x18080] =	vst v63  }
0xbf: {  	_ =	swait.ge [sflag:s29], $0x6000  }
0xc0: {  	[sflag:s29] =	ssyncset.done $0x0  }
0xc1: {  	[sflag:s29] =	ssyncadd.s32 $0xFFFFA000  }
0xc2: {  	_ =	swait.ge [sflag:s29], $0x6000  }
0xc3: {  	[sflag:s29] =	ssyncset.done $0x0  }
0xc4: {  	[sflag:s29] =	ssyncadd.s32 $0xFFFFA000  }
0xc5: {  	v1 =	vld.msk [tilespmem:$0x38], $0xff;
	_ =	sdelay $0x4  }
0xc6: {  	v1 =	vmul.u32 $0x1800, v1;
	_ =	sdelay $0x1  }
0xc7: {  	v1 =	vperm.xlane v1, v0;
	_ =	sdelay $0x4  }
0xc8: {  	s0 =	simm.s32 $0x0  }
0xc9: {  	[tilespmem:s23], [sflag:$0x2] =	stream.indirect_vreg.gather [hbm4b:s1+s0], $0x1800, v1, vm0, $0x38;
	[tilespmem:$0x18080] =	vst v63  }
0xca: {  	_ =	swait.ge [sflag:s24], $0xC000  }
0xcb: {  	s31 =	simm.s32 $0x80;
	s4 =	sadd.s32 $0x0, s17;
	[sflag:s24] =	ssyncset.done $0x0  }
0xcc: {  	s2 =	simm.s32 $0x480;
	s0 =	simm.s32 $0x40;
	[sflag:s24] =	ssyncadd.s32 $0xFFFF4000  }
.LBB2_26:
0xcd: {  	[hbm4b:s4+s3] =	stream.linear.scatter [tilespmem:s31], [sflag:$0x3], $0x200, $0x38;
	[tilespmem:$0x18080] =	vst v63  }
0xce: {  	s4 =	smov.u32 s0;
	s31 =	smov.u32 s2;
	p0 =	sne.s32 s0, $0xBC0  }
.Ltmp12:
0xcf: {  	s0 =	sadd.s32 $0x40, s0;
	(pc) =	sbr.rel @p0 .LBB2_26-.Ltmp12, $2  }
0xd0: {  	_ =	sdelay $0x2  }
0xd1: {  	s2 =	sadd.s32 $0x400, s2;
	s4 =	sadd.s32 s4, s17  }
0xd2: {  	[hbm4b:s4+s3] =	stream.linear.scatter [tilespmem:s31], [sflag:$0x3], $0x200, $0x38;
	[tilespmem:$0x18080] =	vst v63  }
0xd3: {  	s31 =	simm.s32 $0x280  }
0xd4: {  	s0 =	simm.s32 $0x40;
	s4 =	sadd.s32 $0x0, s18;
	s2 =	simm.s32 $0x680  }
.LBB2_28:
0xd5: {  	[hbm4b:s4+s3] =	stream.linear.scatter [tilespmem:s31], [sflag:$0x3], $0x200, $0x38;
	[tilespmem:$0x18080] =	vst v63  }
0xd6: {  	s4 =	smov.u32 s0;
	s31 =	smov.u32 s2;
	p0 =	sne.s32 s0, $0xBC0  }
.Ltmp13:
0xd7: {  	s0 =	sadd.s32 $0x40, s0;
	(pc) =	sbr.rel @p0 .LBB2_28-.Ltmp13, $2  }
0xd8: {  	_ =	sdelay $0x2  }
0xd9: {  	s2 =	sadd.s32 $0x400, s2;
	s4 =	sadd.s32 s4, s18  }
0xda: {  	[hbm4b:s4+s3] =	stream.linear.scatter [tilespmem:s31], [sflag:$0x3], $0x200, $0x38;
	[tilespmem:$0x18080] =	vst v63  }
0xdb: {  	_ =	swait.ge [sflag:s28], $0xC000  }
0xdc: {  	s31 =	simm.s32 $0xC080;
	s0 =	simm.s32 $0x40;
	[sflag:s28] =	ssyncset.done $0x0  }
0xdd: {  	s4 =	sadd.s32 $0x0, s19;
	s2 =	simm.s32 $0xC480;
	[sflag:s28] =	ssyncadd.s32 $0xFFFF4000  }
.LBB2_30:
0xde: {  	[hbm4b:s4+s3] =	stream.linear.scatter [tilespmem:s31], [sflag:$0x4], $0x200, $0x38;
	[tilespmem:$0x18080] =	vst v63  }
0xdf: {  	s4 =	smov.u32 s0;
	s31 =	smov.u32 s2;
	p0 =	sne.s32 s0, $0xBC0  }
.Ltmp14:
0xe0: {  	s0 =	sadd.s32 $0x40, s0;
	(pc) =	sbr.rel @p0 .LBB2_30-.Ltmp14, $2  }
0xe1: {  	_ =	sdelay $0x2  }
0xe2: {  	s2 =	sadd.s32 $0x400, s2;
	s4 =	sadd.s32 s4, s19  }
0xe3: {  	[hbm4b:s4+s3] =	stream.linear.scatter [tilespmem:s31], [sflag:$0x4], $0x200, $0x38;
	[tilespmem:$0x18080] =	vst v63  }
0xe4: {  	s31 =	simm.s32 $0xC280  }
0xe5: {  	s0 =	simm.s32 $0x40;
	s4 =	sadd.s32 $0x0, s20;
	s2 =	simm.s32 $0xC680  }
.LBB2_32:
0xe6: {  	[hbm4b:s4+s3] =	stream.linear.scatter [tilespmem:s31], [sflag:$0x4], $0x200, $0x38;
	[tilespmem:$0x18080] =	vst v63  }
0xe7: {  	s4 =	smov.u32 s0;
	s31 =	smov.u32 s2;
	p0 =	sne.s32 s0, $0xBC0  }
.Ltmp15:
0xe8: {  	s0 =	sadd.s32 $0x40, s0;
	(pc) =	sbr.rel @p0 .LBB2_32-.Ltmp15, $2  }
0xe9: {  	_ =	sdelay $0x2  }
0xea: {  	s2 =	sadd.s32 $0x400, s2;
	s4 =	sadd.s32 s4, s20  }
0xeb: {  	[hbm4b:s4+s3] =	stream.linear.scatter [tilespmem:s31], [sflag:$0x4], $0x200, $0x38;
	[tilespmem:$0x18080] =	vst v63  }
0xec: {  	_ =	swait.ge [sflag:s25], $0x6000  }
0xed: {  	[sflag:s25] =	ssyncset.done $0x0  }
0xee: {  	[sflag:s25] =	ssyncadd.s32 $0xFFFFA000  }
0xef: {  	_ =	swait.ge [sflag:s25], $0x6000  }
0xf0: {  	[sflag:s25] =	ssyncset.done $0x0  }
0xf1: {  	s30 =	sadd.s32 $0x1, s30;
	[sflag:s25] =	ssyncadd.s32 $0xFFFFA000  }
0xf2: {  	p0 =	sne.s32 s30, s21;
	_ =	swait.ge [sflag:s29], $0x6000  }
.Ltmp16:
0xf3: {  	[sflag:s29] =	ssyncset.done $0x0;
	(pc) =	sbr.rel @p0 .LBB2_1-.Ltmp16, $4  }
0xf4: {  	[sflag:s29] =	ssyncadd.s32 $0xFFFFA000  }
0xf5: {  	_ =	swait.ge [sflag:s29], $0x6000  }
0xf6: {  	[sflag:s29] =	ssyncset.done $0x0  }
0xf7: {  	[sflag:s29] =	ssyncadd.s32 $0xFFFFA000  }
0xf8: {  	_ =	sfence.sel $0x180000  }
0xf9: {  	[bflag:$0x0] =	sbarrier.arrive $0xFFFF  }
0xfa: {  	_ =	strace $0x90000047  }
0xfb: {  	s0 =	stileid.u32;
	[bflag:$0x2] =	sbarrier.arrive $0xFFFF  }
0xfc: {  	p0 =	sne.s32 s0, $0x0;
	s0 =	rddreg [dreg:$0x4]  }
0xfd: {  	s0 =	sadd.s32 @!p0 $0x100000, s0  }
0xfe: {  	[sflag:s0] =	ssyncadd.tile.s32 @!p0 $0x1;
	_ =	shalt  }
.Lfunc_end2:
_tile_overlayer_lowered:
.L_overlay_start_2:
0xff: {  	(tag) =	ssettag $0x2  }
0x100: {  	s0 =	rddreg [dreg:$0x0];
	s2 =	stileid.u32  }
0x101: {  	s1 =	rddreg [dreg:$0x1];
	p0 =	sne.s32 s2, $0x0  }
0x102: {  	s3 =	rddreg [dreg:$0x2];
	[bflag:$0x3] =	sbarrier.arrive $0xFFFF;
	s2 =	simm.s32 @!p0 $0x1C05  }
0x103: {  	[timem:s3], [sflag:s2] =	dma.local @!p0 [hbm:s0], s1  }
0x104: {  	s0 =	simm.s32 @!p0 $0x5  }
0x105: {  	_ =	swait.ge @!p0 [sflag:s0], s1  }
0x106: {  	s1 =	ssub.s32 @!p0 $0x0, s1;
	[sflag:s0] =	ssyncset.done @!p0 $0x0  }
0x107: {  	[sflag:s0] =	ssyncadd.s32 @!p0 s1  }
0x108: {  	[bflag:$0x3] =	sbarrier.arrive $0xFFFF  }
0x109: {  	_ =	shalt  }

</sc_bundles>
